<compile_context>
chip_gen: v7x
topology: tpu7x:2x2x1
jax: 0.10.2.dev20260603
libtpu: 0.0.44.dev20260713+nightly
codegen_flags: <defaults>
</compile_context>

<pallas_src>
import functools

import jax
import jax.numpy as jnp
from jax import lax
from jax.experimental import pallas as pl
from jax.experimental.pallas import tpu as pltpu
from jax.experimental.pallas import tpu_sc as plsc



_ETILE = 16384


def _edge_mlp_body(relt, w1, b1, w2, b2, w3, b3, w4, b4, w5, b5, out):
    xt = relt[...].astype(jnp.bfloat16)
    def lyr(x, w, b):
        y = jnp.dot(x, w[...], preferred_element_type=jnp.float32) + b[...]
        return jnp.maximum(y, 0.0).astype(jnp.bfloat16)
    x = lax.dot_general(xt, w1[...], (((0,), (0,)), ((), ())),
                        preferred_element_type=jnp.float32) + b1[...]
    x = jnp.maximum(x, 0.0).astype(jnp.bfloat16)
    x = lyr(x, w2, b2)
    x = lyr(x, w3, b3)
    x = lyr(x, w4, b4)
    x = jnp.dot(x, w5[...], preferred_element_type=jnp.float32) + b5[...]
    q = _ETILE // 8
    for k in range(8):
        out[0, :, 16 * k:16 * (k + 1)] = x[q * k:q * (k + 1), :]


def _full(shape):
    return pl.BlockSpec(shape, lambda b, i: (0, 0))


def _edge_mlp(rel_feats, frel_params, e_pad):
    B, E, D = rel_feats.shape
    nb = e_pad // _ETILE
    relp = jnp.pad(rel_feats, ((0, 0), (0, e_pad - E), (0, 0)))
    relt = relp.transpose(2, 0, 1).reshape(D, B * e_pad)
    ws = []
    in_specs = [None]
    for (w, b) in frel_params:
        ws += [w.astype(jnp.bfloat16), b.reshape(1, -1)]
        in_specs += [_full(w.shape), _full((1, b.shape[0]))]
    f = frel_params[-1][0].shape[1]
    assert f == 16
    outs = []
    for bb in range(B):
        boff = bb * nb
        in_specs[0] = pl.BlockSpec((D, _ETILE),
                                   lambda b, i, boff=boff: (0, boff + i))
        outs.append(pl.pallas_call(
            _edge_mlp_body,
            grid=(1, nb),
            in_specs=list(in_specs),
            out_specs=pl.BlockSpec((1, _ETILE // 8, 128), lambda b, i: (b, i, 0)),
            out_shape=jax.ShapeDtypeStruct((1, e_pad // 8, 128), jnp.float32),
        )(relt, *ws))
    return outs



def _node_mlp_body(dyn, agg_a, agg_b, w1a, w1b, b1, w2, b2, w3, b3, w4, b4, w5, b5, out):
    agg = agg_a[...] + agg_b[...]
    x = (jnp.dot(dyn[...], w1a[...], preferred_element_type=jnp.float32)
         + jnp.dot(agg, w1b[...], preferred_element_type=jnp.float32)
         + b1[...])
    x = jnp.maximum(x, 0.0)
    x = jnp.maximum(jnp.dot(x, w2[...], preferred_element_type=jnp.float32) + b2[...], 0.0)
    x = jnp.maximum(jnp.dot(x, w3[...], preferred_element_type=jnp.float32) + b3[...], 0.0)
    x = jnp.maximum(jnp.dot(x, w4[...], preferred_element_type=jnp.float32) + b4[...], 0.0)
    out[...] = jnp.dot(x, w5[...], preferred_element_type=jnp.float32) + b5[...]


def _nfull(shape):
    return pl.BlockSpec(shape, lambda i: (0, 0))


def _node_mlp(dyn2, agg_a, agg_b, fdyn_params, tile):
    rows = dyn2.shape[0]
    assert rows % tile == 0
    d_dyn = dyn2.shape[1]
    (w1, b1) = fdyn_params[0]
    ws = [w1[:d_dyn], w1[d_dyn:], b1.reshape(1, -1)]
    in_specs = [
        pl.BlockSpec((tile, d_dyn), lambda i: (i, 0)),
        pl.BlockSpec((tile, agg_a.shape[1]), lambda i: (i, 0)),
        pl.BlockSpec((tile, agg_b.shape[1]), lambda i: (i, 0)),
        _nfull(ws[0].shape), _nfull(ws[1].shape), _nfull((1, b1.shape[0])),
    ]
    for (w, b) in fdyn_params[1:]:
        ws += [w, b.reshape(1, -1)]
        in_specs += [_nfull(w.shape), _nfull((1, b.shape[0]))]
    d_out = fdyn_params[-1][0].shape[1]
    return pl.pallas_call(
        _node_mlp_body,
        grid=(rows // tile,),
        in_specs=in_specs,
        out_specs=pl.BlockSpec((tile, d_out), lambda i: (i, 0)),
        out_shape=jax.ShapeDtypeStruct((rows, d_out), jnp.float32),
    )(dyn2, agg_a, agg_b, *ws)



_CH = 128
_BPC = 16
_EB = _CH * _BPC


def _make_scatter(N, E_pad, F):
    info = plsc.get_sparse_core_info()
    NC, NS = info.num_cores, info.num_subcores
    NW = NC * NS
    NCH = E_pad // _CH
    NG = NCH // 8
    gper = NG // NW
    grem = NG - gper * NW
    NB = -(-(8 * (gper + (1 if grem else 0))) // _BPC)
    mesh = plsc.VectorSubcoreMesh(core_axis_name="c", subcore_axis_name="s")

    @functools.partial(
        pl.kernel,
        out_type=jax.ShapeDtypeStruct((NC * N, F), jnp.float32),
        mesh=mesh,
        scratch_types=[
            pltpu.VMEM((_BPC, _CH), jnp.int32),
            pltpu.VMEM((_EB, F), jnp.float32),
            pltpu.VMEM_SHARED((N + 8, F), jnp.float32),
            pltpu.SemaphoreType.DMA,
        ],
        compiler_params=pltpu.CompilerParams(use_tc_tiling_on_sc=False),
    )
    def scatter_k(msg_hbm, recv_hbm, zeros_hbm, out_hbm, idx_v, msg_v, acc_sh, sem):
        c = lax.axis_index("c")
        s = lax.axis_index("s")
        w = s * NC + c

        @pl.when(s < NS - 1)
        def _():
            r0 = s * 640
            pltpu.sync_copy(zeros_hbm.at[pl.ds(r0, 640)], acc_sh.at[pl.ds(r0, 640)])

        @pl.when(s == NS - 1)
        def _():
            pltpu.sync_copy(zeros_hbm.at[pl.ds(9600, 400)], acc_sh.at[pl.ds(9600, 400)])

        plsc.subcore_barrier()

        base = 8 * (w * gper + jnp.minimum(w, grem))
        cnt = 8 * (gper + (w < grem).astype(jnp.int32))
        eoff = 0

        def blk_body(blk, carry):
            first = base + blk * _BPC
            start = jnp.minimum(first, base + cnt - _BPC)
            pltpu.sync_copy(recv_hbm.at[pl.ds(start, _BPC)], idx_v)
            pltpu.sync_copy(msg_hbm.at[pl.ds(eoff + start * _CH, _EB)], msg_v)
            for j in range(_BPC):
                @pl.when(start + j >= first)
                def _():
                    pltpu.async_copy(
                        msg_v.at[pl.ds(j * _CH, _CH)],
                        acc_sh.at[idx_v.at[j]], sem, add=True)
            for j in range(_BPC):
                @pl.when(start + j >= first)
                def _():
                    pltpu.make_async_copy(
                        msg_v.at[pl.ds(j * _CH, _CH)],
                        acc_sh.at[idx_v.at[j]], sem).wait()
            return carry

        lax.fori_loop(0, NB, blk_body, 0)
        plsc.subcore_barrier()

        @pl.when(s < NS - 1)
        def _():
            r0 = s * 640
            pltpu.sync_copy(acc_sh.at[pl.ds(r0, 640)],
                            out_hbm.at[pl.ds(c * N + r0, 640)])

        @pl.when(s == NS - 1)
        def _():
            pltpu.sync_copy(acc_sh.at[pl.ds(9600, 400)],
                            out_hbm.at[pl.ds(c * N + 9600, 400)])

    return scatter_k



def kernel(dyn_feats, rel_feats, senders, receivers, frel_params, fdyn_params):
    B, N, _ = dyn_feats.shape
    E = rel_feats.shape[1]
    F = frel_params[-1][0].shape[1]

    e_pad = -(-E // _ETILE) * _ETILE
    if (e_pad // _CH) % 8:
        e_pad = -(-(e_pad // _CH) // 8) * 8 * _CH

    msgs = _edge_mlp(rel_feats, frel_params, e_pad)

    trash = N + (jnp.arange(e_pad - E, dtype=jnp.int32) & 7)
    recv_pad = jnp.concatenate([receivers, trash])
    recv_lin = recv_pad.reshape(-1, 8, _ETILE // 8).transpose(0, 2, 1).reshape(-1)
    recv2 = recv_lin.reshape(e_pad // _CH, _CH)
    zeros = jnp.zeros((N, F), jnp.float32)
    scat = _make_scatter(N, e_pad, F)
    parts = [scat(m.reshape(e_pad, F), recv2, zeros) for m in msgs]
    agg_a = jnp.concatenate([p[:N] for p in parts])
    agg_b = jnp.concatenate([p[N:] for p in parts])

    dyn2 = dyn_feats.reshape(B * N, dyn_feats.shape[-1])
    delta2 = _node_mlp(dyn2, agg_a, agg_b, fdyn_params, tile=5000)
    return delta2.reshape(B, N, fdyn_params[-1][0].shape[1])

# --- scband reference (transcript-rebuilt; emitter-appended) ---
"""Pipeline reference for scband-interaction-network-39779987096136 (READ-ONLY COPY).

The authoritative reference and input builder live on the scoring server;
editing this copy changes nothing except your own understanding.
"""

import jax, jax.numpy as jnp
import numpy as np


def _mlp_params(key, dims):
    params = []
    for i in range(len(dims) - 1):
        key, k1 = jax.random.split(key)
        W = jax.random.normal(k1, (dims[i], dims[i + 1]), dtype=jnp.float32) * (1.0 / np.sqrt(dims[i]))
        b = jnp.zeros((dims[i + 1],), dtype=jnp.float32)
        params.append((W, b))
    return params


def _mlp_apply(params, x):
    for (W, b) in params[:-1]:
        x = jax.nn.relu(x @ W + b)
    W, b = params[-1]
    return x @ W + b


def setup_inputs(seed: int = 0):
    key = jax.random.key(seed)
    ks = jax.random.split(key, 6)
    B, N, E = 2, 10000, 320000
    dyn_feats = jax.random.normal(ks[0], (B, N, 6), dtype=jnp.float32)
    rel_feats = jax.random.normal(ks[1], (B, E, 12), dtype=jnp.float32)
    senders = jax.random.randint(ks[2], (E,), 0, N, dtype=jnp.int32)
    receivers = jax.random.randint(ks[3], (E,), 0, N, dtype=jnp.int32)
    frel_params = _mlp_params(ks[4], [12, 128, 64, 32, 16, 16])
    fdyn_params = _mlp_params(ks[5], [6 + 16, 128, 64, 32, 16, 6])
    return {
        "dyn_feats": dyn_feats,
        "rel_feats": rel_feats,
        "senders": senders,
        "receivers": receivers,
        "frel_params": frel_params,
        "fdyn_params": fdyn_params,
    }


def reference(dyn_feats, rel_feats, senders, receivers, frel_params, fdyn_params):
    B, N, _ = dyn_feats.shape
    E = rel_feats.shape[1]
    rel_in = rel_feats.reshape(-1, rel_feats.shape[-1])
    msg = _mlp_apply(frel_params, rel_in).reshape(B, E, 16)
    agg = jnp.zeros((B, N, 16), dtype=dyn_feats.dtype).at[:, receivers, :].add(msg)
    dyn_in = jnp.concatenate([dyn_feats, agg], axis=-1)
    delta = _mlp_apply(fdyn_params, dyn_in)
    return delta

if __name__ == "__main__":
    import jax
    _d = setup_inputs()
    print(jax.jit(kernel)(*tuple(_d.values())))

</pallas_src>

<mosaic_0001>
#map = affine_map<(d0, d1) -> (0, 0)>
module attributes {stable_mosaic.version = 14 : i64} {
  func.func @scatter_k(%arg0: i32, %arg1: i32, %arg2: memref<327680x16xf32, #tpu.memory_space<hbm>>, %arg3: memref<2560x128xi32, #tpu.memory_space<hbm>>, %arg4: memref<10000x16xf32, #tpu.memory_space<hbm>>, %arg5: memref<20000x16xf32, #tpu.memory_space<hbm>>, %arg6: memref<16x128xi32, #tpu.memory_space<vmem>>, %arg7: memref<2048x16xf32, #tpu.memory_space<vmem>>, %arg8: memref<10008x16xf32, #tpu.memory_space<vmem_shared>>, %arg9: memref<!tpu.dma_semaphore, #tpu.memory_space<semaphore_mem>>) attributes {dimension_semantics = [#tpu.dimension_semantics<core_parallel>, #tpu.dimension_semantics<subcore_parallel>], iteration_bounds = array<i64: 2, 16>, scalar_prefetch = 0 : i64, scratch_operands = 4 : i64, tpu.core_type = #tpu.core_type<sc_vector_subcore>, window_params = [{transform_indices = #map}, {transform_indices = #map}, {transform_indices = #map}, {transform_indices = #map}]} {
    %mul3A = arith.constant 2 : i32
    %mul3A_0 = arith.muli %arg1, %mul3A : i32
    %add3A = arith.addi %mul3A_0, %arg0 : i32
    %lt3A = arith.constant 15 : i32
    %lt3A_1 = arith.cmpi slt, %arg1, %lt3A : i32
    %convert_element_type3A = arith.extui %lt3A_1 : i1 to i32
    %cond3A = arith.constant 0 : i32
    %cond3A_2 = arith.cmpi ne, %convert_element_type3A, %cond3A : i32
    scf.if %cond3A_2 {
      %mul3A_36 = arith.constant 640 : i32
      %mul3A_37 = arith.muli %arg1, %mul3A_36 : i32
      "tpu.region"() ({
        %run_scoped3A = tpu.sem_alloc : memref<!tpu.dma_semaphore, #tpu.memory_space<semaphore_mem>>
        %dma_start3A = arith.constant 0 : i32
        %dma_start3A_38 = tpu.memref_slice %arg8[%mul3A_37, %dma_start3A] : memref<10008x16xf32, #tpu.memory_space<vmem_shared>> -> memref<640x16xf32, #tpu.memory_space<vmem_shared>>
        %dma_start3A_39 = arith.constant 0 : i32
        %dma_start3A_40 = tpu.memref_slice %arg4[%mul3A_37, %dma_start3A_39] : memref<10000x16xf32, #tpu.memory_space<hbm>> -> memref<640x16xf32, #tpu.memory_space<hbm>>
        tpu.enqueue_dma source(%dma_start3A_40 : memref<640x16xf32, #tpu.memory_space<hbm>>) target(%dma_start3A_38 : memref<640x16xf32, #tpu.memory_space<vmem_shared>>) target_semaphore(%run_scoped3A : memref<!tpu.dma_semaphore, #tpu.memory_space<semaphore_mem>>)
        %dma_wait3A = arith.constant 0 : i32
        %dma_wait3A_41 = tpu.memref_slice %arg8[%mul3A_37, %dma_wait3A] : memref<10008x16xf32, #tpu.memory_space<vmem_shared>> -> memref<640x16xf32, #tpu.memory_space<vmem_shared>>
        %dma_wait3A_42 = arith.constant 0 : i32
        %dma_wait3A_43 = tpu.memref_slice %arg4[%mul3A_37, %dma_wait3A_42] : memref<10000x16xf32, #tpu.memory_space<hbm>> -> memref<640x16xf32, #tpu.memory_space<hbm>>
        tpu.wait_dma2 semaphore(%run_scoped3A : memref<!tpu.dma_semaphore, #tpu.memory_space<semaphore_mem>>) src(%dma_wait3A_43 : memref<640x16xf32, #tpu.memory_space<hbm>>) dst(%dma_wait3A_41 : memref<640x16xf32, #tpu.memory_space<vmem_shared>>)
        tpu.yield
      }) : () -> ()
    } else {
    }
    %eq3A = arith.constant 15 : i32
    %eq3A_3 = arith.cmpi eq, %arg1, %eq3A : i32
    %convert_element_type3A_4 = arith.extui %eq3A_3 : i1 to i32
    %cond3A_5 = arith.constant 0 : i32
    %cond3A_6 = arith.cmpi ne, %convert_element_type3A_4, %cond3A_5 : i32
    scf.if %cond3A_6 {
      "tpu.region"() ({
        %run_scoped3A = tpu.sem_alloc : memref<!tpu.dma_semaphore, #tpu.memory_space<semaphore_mem>>
        %dma_start3A = arith.constant 9600 : i32
        %dma_start3A_36 = arith.constant 0 : i32
        %dma_start3A_37 = tpu.memref_slice %arg8[%dma_start3A, %dma_start3A_36] : memref<10008x16xf32, #tpu.memory_space<vmem_shared>> -> memref<400x16xf32, #tpu.memory_space<vmem_shared>>
        %dma_start3A_38 = arith.constant 9600 : i32
        %dma_start3A_39 = arith.constant 0 : i32
        %dma_start3A_40 = tpu.memref_slice %arg4[%dma_start3A_38, %dma_start3A_39] : memref<10000x16xf32, #tpu.memory_space<hbm>> -> memref<400x16xf32, #tpu.memory_space<hbm>>
        tpu.enqueue_dma source(%dma_start3A_40 : memref<400x16xf32, #tpu.memory_space<hbm>>) target(%dma_start3A_37 : memref<400x16xf32, #tpu.memory_space<vmem_shared>>) target_semaphore(%run_scoped3A : memref<!tpu.dma_semaphore, #tpu.memory_space<semaphore_mem>>)
        %dma_wait3A = arith.constant 9600 : i32
        %dma_wait3A_41 = arith.constant 0 : i32
        %dma_wait3A_42 = tpu.memref_slice %arg8[%dma_wait3A, %dma_wait3A_41] : memref<10008x16xf32, #tpu.memory_space<vmem_shared>> -> memref<400x16xf32, #tpu.memory_space<vmem_shared>>
        %dma_wait3A_43 = arith.constant 9600 : i32
        %dma_wait3A_44 = arith.constant 0 : i32
        %dma_wait3A_45 = tpu.memref_slice %arg4[%dma_wait3A_43, %dma_wait3A_44] : memref<10000x16xf32, #tpu.memory_space<hbm>> -> memref<400x16xf32, #tpu.memory_space<hbm>>
        tpu.wait_dma2 semaphore(%run_scoped3A : memref<!tpu.dma_semaphore, #tpu.memory_space<semaphore_mem>>) src(%dma_wait3A_45 : memref<400x16xf32, #tpu.memory_space<hbm>>) dst(%dma_wait3A_42 : memref<400x16xf32, #tpu.memory_space<vmem_shared>>)
        tpu.yield
      }) : () -> ()
    } else {
    }
    %barrier3A = arith.constant 0 : index
    tpu.barrier barrier_id(%barrier3A)
    %mul3A_7 = arith.constant 10 : i32
    %mul3A_8 = arith.muli %add3A, %mul3A_7 : i32
    %min3A = arith.constant 0 : i32
    %min3A_9 = arith.minsi %add3A, %min3A : i32
    %add3A_10 = arith.addi %mul3A_8, %min3A_9 : i32
    %mul3A_11 = arith.constant 8 : i32
    %mul3A_12 = arith.muli %mul3A_11, %add3A_10 : i32
    %lt3A_13 = arith.constant 0 : i32
    %lt3A_14 = arith.cmpi slt, %add3A, %lt3A_13 : i32
    %convert_element_type3A_15 = arith.extui %lt3A_14 : i1 to i32
    %add3A_16 = arith.constant 10 : i32
    %add3A_17 = arith.addi %add3A_16, %convert_element_type3A_15 : i32
    %mul3A_18 = arith.constant 8 : i32
    %mul3A_19 = arith.muli %mul3A_18, %add3A_17 : i32
    %scan3A = arith.constant 0 : i32
    %scan3A_20 = arith.constant 0 : i32
    %scan3A_21 = arith.constant 5 : i32
    %scan3A_22 = arith.addi %scan3A_20, %scan3A_21 : i32
    %scan3A_23 = arith.constant 1 : i32
    scf.for %scan3A_36 = %scan3A_20 to %scan3A_22 step %scan3A_23  : i32 {
      %mul3A_37 = arith.constant 16 : i32
      %mul3A_38 = arith.muli %scan3A_36, %mul3A_37 : i32
      %add3A_39 = arith.addi %mul3A_12, %mul3A_38 : i32
      %add3A_40 = arith.addi %mul3A_12, %mul3A_19 : i32
      %sub3A = arith.constant 16 : i32
      %sub3A_41 = arith.subi %add3A_40, %sub3A : i32
      %min3A_42 = arith.minsi %add3A_39, %sub3A_41 : i32
      "tpu.region"() ({
        %run_scoped3A = tpu.sem_alloc : memref<!tpu.dma_semaphore, #tpu.memory_space<semaphore_mem>>
        %dma_start3A = arith.constant 0 : i32
        %dma_start3A_238 = tpu.memref_slice %arg3[%min3A_42, %dma_start3A] : memref<2560x128xi32, #tpu.memory_space<hbm>> -> memref<16x128xi32, #tpu.memory_space<hbm>>
        %dma_start3A_239 = arith.constant 0 : i32
        %dma_start3A_240 = tpu.memref_slice %arg3[%min3A_42, %dma_start3A_239] : memref<2560x128xi32, #tpu.memory_space<hbm>> -> memref<16x128xi32, #tpu.memory_space<hbm>>
        tpu.enqueue_dma source(%dma_start3A_240 : memref<16x128xi32, #tpu.memory_space<hbm>>) target(%arg6 : memref<16x128xi32, #tpu.memory_space<vmem>>) target_semaphore(%run_scoped3A : memref<!tpu.dma_semaphore, #tpu.memory_space<semaphore_mem>>)
        %dma_wait3A = arith.constant 0 : i32
        %dma_wait3A_241 = tpu.memref_slice %arg3[%min3A_42, %dma_wait3A] : memref<2560x128xi32, #tpu.memory_space<hbm>> -> memref<16x128xi32, #tpu.memory_space<hbm>>
        %dma_wait3A_242 = arith.constant 0 : i32
        %dma_wait3A_243 = tpu.memref_slice %arg3[%min3A_42, %dma_wait3A_242] : memref<2560x128xi32, #tpu.memory_space<hbm>> -> memref<16x128xi32, #tpu.memory_space<hbm>>
        tpu.wait_dma2 semaphore(%run_scoped3A : memref<!tpu.dma_semaphore, #tpu.memory_space<semaphore_mem>>) src(%dma_wait3A_243 : memref<16x128xi32, #tpu.memory_space<hbm>>) dst(%arg6 : memref<16x128xi32, #tpu.memory_space<vmem>>)
        tpu.yield
      }) : () -> ()
      %mul3A_43 = arith.constant 128 : i32
      %mul3A_44 = arith.muli %min3A_42, %mul3A_43 : i32
      %add3A_45 = arith.constant 0 : i32
      %add3A_46 = arith.addi %add3A_45, %mul3A_44 : i32
      "tpu.region"() ({
        %run_scoped3A = tpu.sem_alloc : memref<!tpu.dma_semaphore, #tpu.memory_space<semaphore_mem>>
        %dma_start3A = arith.constant 0 : i32
        %dma_start3A_238 = tpu.memref_slice %arg2[%add3A_46, %dma_start3A] : memref<327680x16xf32, #tpu.memory_space<hbm>> -> memref<2048x16xf32, #tpu.memory_space<hbm>>
        %dma_start3A_239 = arith.constant 0 : i32
        %dma_start3A_240 = tpu.memref_slice %arg2[%add3A_46, %dma_start3A_239] : memref<327680x16xf32, #tpu.memory_space<hbm>> -> memref<2048x16xf32, #tpu.memory_space<hbm>>
        tpu.enqueue_dma source(%dma_start3A_240 : memref<2048x16xf32, #tpu.memory_space<hbm>>) target(%arg7 : memref<2048x16xf32, #tpu.memory_space<vmem>>) target_semaphore(%run_scoped3A : memref<!tpu.dma_semaphore, #tpu.memory_space<semaphore_mem>>)
        %dma_wait3A = arith.constant 0 : i32
        %dma_wait3A_241 = tpu.memref_slice %arg2[%add3A_46, %dma_wait3A] : memref<327680x16xf32, #tpu.memory_space<hbm>> -> memref<2048x16xf32, #tpu.memory_space<hbm>>
        %dma_wait3A_242 = arith.constant 0 : i32
        %dma_wait3A_243 = tpu.memref_slice %arg2[%add3A_46, %dma_wait3A_242] : memref<327680x16xf32, #tpu.memory_space<hbm>> -> memref<2048x16xf32, #tpu.memory_space<hbm>>
        tpu.wait_dma2 semaphore(%run_scoped3A : memref<!tpu.dma_semaphore, #tpu.memory_space<semaphore_mem>>) src(%dma_wait3A_243 : memref<2048x16xf32, #tpu.memory_space<hbm>>) dst(%arg7 : memref<2048x16xf32, #tpu.memory_space<vmem>>)
        tpu.yield
      }) : () -> ()
      %add3A_47 = arith.constant 0 : i32
      %add3A_48 = arith.addi %min3A_42, %add3A_47 : i32
      %ge3A = arith.cmpi sge, %add3A_48, %add3A_39 : i32
      %convert_element_type3A_49 = arith.extui %ge3A : i1 to i32
      %cond3A_50 = arith.constant 0 : i32
      %cond3A_51 = arith.cmpi ne, %convert_element_type3A_49, %cond3A_50 : i32
      scf.if %cond3A_51 {
        %dma_start3A = arith.constant 0 : i32
        %dma_start3A_238 = arith.constant 0 : i32
        %dma_start3A_239 = arith.constant 0 : i32
        %dma_start3A_240 = tpu.memref_slice %arg7[%dma_start3A_238, %dma_start3A_239] : memref<2048x16xf32, #tpu.memory_space<vmem>> -> memref<128x16xf32, #tpu.memory_space<vmem>>
        %dma_start3A_241 = arith.constant 0 : i32
        %dma_start3A_242 = tpu.memref_slice %arg6[%dma_start3A, %dma_start3A_241] : memref<16x128xi32, #tpu.memory_space<vmem>> -> memref<1x128xi32, #tpu.memory_space<vmem>>
        %dma_start3A_243 = tpu.memref_squeeze %dma_start3A_242 : memref<1x128xi32, #tpu.memory_space<vmem>> -> memref<128xi32, #tpu.memory_space<vmem>>
        %dma_start3A_244 = arith.constant 0 : i32
        %dma_start3A_245 = arith.constant 0 : i32
        %dma_start3A_246 = tpu.memref_slice %arg8[%dma_start3A_244, %dma_start3A_245] : memref<10008x16xf32, #tpu.memory_space<vmem_shared>> -> memref<10008x16xf32, #tpu.memory_space<vmem_shared>>
        tpu.enqueue_indirect_dma source(%dma_start3A_240 : memref<128x16xf32, #tpu.memory_space<vmem>>) target(%dma_start3A_246 : memref<10008x16xf32, #tpu.memory_space<vmem_shared>>) offsets(%dma_start3A_243 : memref<128xi32, #tpu.memory_space<vmem>>) semaphore(%arg9 : memref<!tpu.dma_semaphore, #tpu.memory_space<semaphore_mem>>) {add = true}
      } else {
      }
      %add3A_52 = arith.constant 1 : i32
      %add3A_53 = arith.addi %min3A_42, %add3A_52 : i32
      %ge3A_54 = arith.cmpi sge, %add3A_53, %add3A_39 : i32
      %convert_element_type3A_55 = arith.extui %ge3A_54 : i1 to i32
      %cond3A_56 = arith.constant 0 : i32
      %cond3A_57 = arith.cmpi ne, %convert_element_type3A_55, %cond3A_56 : i32
      scf.if %cond3A_57 {
        %dma_start3A = arith.constant 1 : i32
        %dma_start3A_238 = arith.constant 128 : i32
        %dma_start3A_239 = arith.constant 0 : i32
        %dma_start3A_240 = tpu.memref_slice %arg7[%dma_start3A_238, %dma_start3A_239] : memref<2048x16xf32, #tpu.memory_space<vmem>> -> memref<128x16xf32, #tpu.memory_space<vmem>>
        %dma_start3A_241 = arith.constant 0 : i32
        %dma_start3A_242 = tpu.memref_slice %arg6[%dma_start3A, %dma_start3A_241] : memref<16x128xi32, #tpu.memory_space<vmem>> -> memref<1x128xi32, #tpu.memory_space<vmem>>
        %dma_start3A_243 = tpu.memref_squeeze %dma_start3A_242 : memref<1x128xi32, #tpu.memory_space<vmem>> -> memref<128xi32, #tpu.memory_space<vmem>>
        %dma_start3A_244 = arith.constant 0 : i32
        %dma_start3A_245 = arith.constant 0 : i32
        %dma_start3A_246 = tpu.memref_slice %arg8[%dma_start3A_244, %dma_start3A_245] : memref<10008x16xf32, #tpu.memory_space<vmem_shared>> -> memref<10008x16xf32, #tpu.memory_space<vmem_shared>>
        tpu.enqueue_indirect_dma source(%dma_start3A_240 : memref<128x16xf32, #tpu.memory_space<vmem>>) target(%dma_start3A_246 : memref<10008x16xf32, #tpu.memory_space<vmem_shared>>) offsets(%dma_start3A_243 : memref<128xi32, #tpu.memory_space<vmem>>) semaphore(%arg9 : memref<!tpu.dma_semaphore, #tpu.memory_space<semaphore_mem>>) {add = true}
      } else {
      }
      %add3A_58 = arith.constant 2 : i32
      %add3A_59 = arith.addi %min3A_42, %add3A_58 : i32
      %ge3A_60 = arith.cmpi sge, %add3A_59, %add3A_39 : i32
      %convert_element_type3A_61 = arith.extui %ge3A_60 : i1 to i32
      %cond3A_62 = arith.constant 0 : i32
      %cond3A_63 = arith.cmpi ne, %convert_element_type3A_61, %cond3A_62 : i32
      scf.if %cond3A_63 {
        %dma_start3A = arith.constant 2 : i32
        %dma_start3A_238 = arith.constant 256 : i32
        %dma_start3A_239 = arith.constant 0 : i32
        %dma_start3A_240 = tpu.memref_slice %arg7[%dma_start3A_238, %dma_start3A_239] : memref<2048x16xf32, #tpu.memory_space<vmem>> -> memref<128x16xf32, #tpu.memory_space<vmem>>
        %dma_start3A_241 = arith.constant 0 : i32
        %dma_start3A_242 = tpu.memref_slice %arg6[%dma_start3A, %dma_start3A_241] : memref<16x128xi32, #tpu.memory_space<vmem>> -> memref<1x128xi32, #tpu.memory_space<vmem>>
        %dma_start3A_243 = tpu.memref_squeeze %dma_start3A_242 : memref<1x128xi32, #tpu.memory_space<vmem>> -> memref<128xi32, #tpu.memory_space<vmem>>
        %dma_start3A_244 = arith.constant 0 : i32
        %dma_start3A_245 = arith.constant 0 : i32
        %dma_start3A_246 = tpu.memref_slice %arg8[%dma_start3A_244, %dma_start3A_245] : memref<10008x16xf32, #tpu.memory_space<vmem_shared>> -> memref<10008x16xf32, #tpu.memory_space<vmem_shared>>
        tpu.enqueue_indirect_dma source(%dma_start3A_240 : memref<128x16xf32, #tpu.memory_space<vmem>>) target(%dma_start3A_246 : memref<10008x16xf32, #tpu.memory_space<vmem_shared>>) offsets(%dma_start3A_243 : memref<128xi32, #tpu.memory_space<vmem>>) semaphore(%arg9 : memref<!tpu.dma_semaphore, #tpu.memory_space<semaphore_mem>>) {add = true}
      } else {
      }
      %add3A_64 = arith.constant 3 : i32
      %add3A_65 = arith.addi %min3A_42, %add3A_64 : i32
      %ge3A_66 = arith.cmpi sge, %add3A_65, %add3A_39 : i32
      %convert_element_type3A_67 = arith.extui %ge3A_66 : i1 to i32
      %cond3A_68 = arith.constant 0 : i32
      %cond3A_69 = arith.cmpi ne, %convert_element_type3A_67, %cond3A_68 : i32
      scf.if %cond3A_69 {
        %dma_start3A = arith.constant 3 : i32
        %dma_start3A_238 = arith.constant 384 : i32
        %dma_start3A_239 = arith.constant 0 : i32
        %dma_start3A_240 = tpu.memref_slice %arg7[%dma_start3A_238, %dma_start3A_239] : memref<2048x16xf32, #tpu.memory_space<vmem>> -> memref<128x16xf32, #tpu.memory_space<vmem>>
        %dma_start3A_241 = arith.constant 0 : i32
        %dma_start3A_242 = tpu.memref_slice %arg6[%dma_start3A, %dma_start3A_241] : memref<16x128xi32, #tpu.memory_space<vmem>> -> memref<1x128xi32, #tpu.memory_space<vmem>>
        %dma_start3A_243 = tpu.memref_squeeze %dma_start3A_242 : memref<1x128xi32, #tpu.memory_space<vmem>> -> memref<128xi32, #tpu.memory_space<vmem>>
        %dma_start3A_244 = arith.constant 0 : i32
        %dma_start3A_245 = arith.constant 0 : i32
        %dma_start3A_246 = tpu.memref_slice %arg8[%dma_start3A_244, %dma_start3A_245] : memref<10008x16xf32, #tpu.memory_space<vmem_shared>> -> memref<10008x16xf32, #tpu.memory_space<vmem_shared>>
        tpu.enqueue_indirect_dma source(%dma_start3A_240 : memref<128x16xf32, #tpu.memory_space<vmem>>) target(%dma_start3A_246 : memref<10008x16xf32, #tpu.memory_space<vmem_shared>>) offsets(%dma_start3A_243 : memref<128xi32, #tpu.memory_space<vmem>>) semaphore(%arg9 : memref<!tpu.dma_semaphore, #tpu.memory_space<semaphore_mem>>) {add = true}
      } else {
      }
      %add3A_70 = arith.constant 4 : i32
      %add3A_71 = arith.addi %min3A_42, %add3A_70 : i32
      %ge3A_72 = arith.cmpi sge, %add3A_71, %add3A_39 : i32
      %convert_element_type3A_73 = arith.extui %ge3A_72 : i1 to i32
      %cond3A_74 = arith.constant 0 : i32
      %cond3A_75 = arith.cmpi ne, %convert_element_type3A_73, %cond3A_74 : i32
      scf.if %cond3A_75 {
        %dma_start3A = arith.constant 4 : i32
        %dma_start3A_238 = arith.constant 512 : i32
        %dma_start3A_239 = arith.constant 0 : i32
        %dma_start3A_240 = tpu.memref_slice %arg7[%dma_start3A_238, %dma_start3A_239] : memref<2048x16xf32, #tpu.memory_space<vmem>> -> memref<128x16xf32, #tpu.memory_space<vmem>>
        %dma_start3A_241 = arith.constant 0 : i32
        %dma_start3A_242 = tpu.memref_slice %arg6[%dma_start3A, %dma_start3A_241] : memref<16x128xi32, #tpu.memory_space<vmem>> -> memref<1x128xi32, #tpu.memory_space<vmem>>
        %dma_start3A_243 = tpu.memref_squeeze %dma_start3A_242 : memref<1x128xi32, #tpu.memory_space<vmem>> -> memref<128xi32, #tpu.memory_space<vmem>>
        %dma_start3A_244 = arith.constant 0 : i32
        %dma_start3A_245 = arith.constant 0 : i32
        %dma_start3A_246 = tpu.memref_slice %arg8[%dma_start3A_244, %dma_start3A_245] : memref<10008x16xf32, #tpu.memory_space<vmem_shared>> -> memref<10008x16xf32, #tpu.memory_space<vmem_shared>>
        tpu.enqueue_indirect_dma source(%dma_start3A_240 : memref<128x16xf32, #tpu.memory_space<vmem>>) target(%dma_start3A_246 : memref<10008x16xf32, #tpu.memory_space<vmem_shared>>) offsets(%dma_start3A_243 : memref<128xi32, #tpu.memory_space<vmem>>) semaphore(%arg9 : memref<!tpu.dma_semaphore, #tpu.memory_space<semaphore_mem>>) {add = true}
      } else {
      }
      %add3A_76 = arith.constant 5 : i32
      %add3A_77 = arith.addi %min3A_42, %add3A_76 : i32
      %ge3A_78 = arith.cmpi sge, %add3A_77, %add3A_39 : i32
      %convert_element_type3A_79 = arith.extui %ge3A_78 : i1 to i32
      %cond3A_80 = arith.constant 0 : i32
      %cond3A_81 = arith.cmpi ne, %convert_element_type3A_79, %cond3A_80 : i32
      scf.if %cond3A_81 {
        %dma_start3A = arith.constant 5 : i32
        %dma_start3A_238 = arith.constant 640 : i32
        %dma_start3A_239 = arith.constant 0 : i32
        %dma_start3A_240 = tpu.memref_slice %arg7[%dma_start3A_238, %dma_start3A_239] : memref<2048x16xf32, #tpu.memory_space<vmem>> -> memref<128x16xf32, #tpu.memory_space<vmem>>
        %dma_start3A_241 = arith.constant 0 : i32
        %dma_start3A_242 = tpu.memref_slice %arg6[%dma_start3A, %dma_start3A_241] : memref<16x128xi32, #tpu.memory_space<vmem>> -> memref<1x128xi32, #tpu.memory_space<vmem>>
        %dma_start3A_243 = tpu.memref_squeeze %dma_start3A_242 : memref<1x128xi32, #tpu.memory_space<vmem>> -> memref<128xi32, #tpu.memory_space<vmem>>
        %dma_start3A_244 = arith.constant 0 : i32
        %dma_start3A_245 = arith.constant 0 : i32
        %dma_start3A_246 = tpu.memref_slice %arg8[%dma_start3A_244, %dma_start3A_245] : memref<10008x16xf32, #tpu.memory_space<vmem_shared>> -> memref<10008x16xf32, #tpu.memory_space<vmem_shared>>
        tpu.enqueue_indirect_dma source(%dma_start3A_240 : memref<128x16xf32, #tpu.memory_space<vmem>>) target(%dma_start3A_246 : memref<10008x16xf32, #tpu.memory_space<vmem_shared>>) offsets(%dma_start3A_243 : memref<128xi32, #tpu.memory_space<vmem>>) semaphore(%arg9 : memref<!tpu.dma_semaphore, #tpu.memory_space<semaphore_mem>>) {add = true}
      } else {
      }
      %add3A_82 = arith.constant 6 : i32
      %add3A_83 = arith.addi %min3A_42, %add3A_82 : i32
      %ge3A_84 = arith.cmpi sge, %add3A_83, %add3A_39 : i32
      %convert_element_type3A_85 = arith.extui %ge3A_84 : i1 to i32
      %cond3A_86 = arith.constant 0 : i32
      %cond3A_87 = arith.cmpi ne, %convert_element_type3A_85, %cond3A_86 : i32
      scf.if %cond3A_87 {
        %dma_start3A = arith.constant 6 : i32
        %dma_start3A_238 = arith.constant 768 : i32
        %dma_start3A_239 = arith.constant 0 : i32
        %dma_start3A_240 = tpu.memref_slice %arg7[%dma_start3A_238, %dma_start3A_239] : memref<2048x16xf32, #tpu.memory_space<vmem>> -> memref<128x16xf32, #tpu.memory_space<vmem>>
        %dma_start3A_241 = arith.constant 0 : i32
        %dma_start3A_242 = tpu.memref_slice %arg6[%dma_start3A, %dma_start3A_241] : memref<16x128xi32, #tpu.memory_space<vmem>> -> memref<1x128xi32, #tpu.memory_space<vmem>>
        %dma_start3A_243 = tpu.memref_squeeze %dma_start3A_242 : memref<1x128xi32, #tpu.memory_space<vmem>> -> memref<128xi32, #tpu.memory_space<vmem>>
        %dma_start3A_244 = arith.constant 0 : i32
        %dma_start3A_245 = arith.constant 0 : i32
        %dma_start3A_246 = tpu.memref_slice %arg8[%dma_start3A_244, %dma_start3A_245] : memref<10008x16xf32, #tpu.memory_space<vmem_shared>> -> memref<10008x16xf32, #tpu.memory_space<vmem_shared>>
        tpu.enqueue_indirect_dma source(%dma_start3A_240 : memref<128x16xf32, #tpu.memory_space<vmem>>) target(%dma_start3A_246 : memref<10008x16xf32, #tpu.memory_space<vmem_shared>>) offsets(%dma_start3A_243 : memref<128xi32, #tpu.memory_space<vmem>>) semaphore(%arg9 : memref<!tpu.dma_semaphore, #tpu.memory_space<semaphore_mem>>) {add = true}
      } else {
      }
      %add3A_88 = arith.constant 7 : i32
      %add3A_89 = arith.addi %min3A_42, %add3A_88 : i32
      %ge3A_90 = arith.cmpi sge, %add3A_89, %add3A_39 : i32
      %convert_element_type3A_91 = arith.extui %ge3A_90 : i1 to i32
      %cond3A_92 = arith.constant 0 : i32
      %cond3A_93 = arith.cmpi ne, %convert_element_type3A_91, %cond3A_92 : i32
      scf.if %cond3A_93 {
        %dma_start3A = arith.constant 7 : i32
        %dma_start3A_238 = arith.constant 896 : i32
        %dma_start3A_239 = arith.constant 0 : i32
        %dma_start3A_240 = tpu.memref_slice %arg7[%dma_start3A_238, %dma_start3A_239] : memref<2048x16xf32, #tpu.memory_space<vmem>> -> memref<128x16xf32, #tpu.memory_space<vmem>>
        %dma_start3A_241 = arith.constant 0 : i32
        %dma_start3A_242 = tpu.memref_slice %arg6[%dma_start3A, %dma_start3A_241] : memref<16x128xi32, #tpu.memory_space<vmem>> -> memref<1x128xi32, #tpu.memory_space<vmem>>
        %dma_start3A_243 = tpu.memref_squeeze %dma_start3A_242 : memref<1x128xi32, #tpu.memory_space<vmem>> -> memref<128xi32, #tpu.memory_space<vmem>>
        %dma_start3A_244 = arith.constant 0 : i32
        %dma_start3A_245 = arith.constant 0 : i32
        %dma_start3A_246 = tpu.memref_slice %arg8[%dma_start3A_244, %dma_start3A_245] : memref<10008x16xf32, #tpu.memory_space<vmem_shared>> -> memref<10008x16xf32, #tpu.memory_space<vmem_shared>>
        tpu.enqueue_indirect_dma source(%dma_start3A_240 : memref<128x16xf32, #tpu.memory_space<vmem>>) target(%dma_start3A_246 : memref<10008x16xf32, #tpu.memory_space<vmem_shared>>) offsets(%dma_start3A_243 : memref<128xi32, #tpu.memory_space<vmem>>) semaphore(%arg9 : memref<!tpu.dma_semaphore, #tpu.memory_space<semaphore_mem>>) {add = true}
      } else {
      }
      %add3A_94 = arith.constant 8 : i32
      %add3A_95 = arith.addi %min3A_42, %add3A_94 : i32
      %ge3A_96 = arith.cmpi sge, %add3A_95, %add3A_39 : i32
      %convert_element_type3A_97 = arith.extui %ge3A_96 : i1 to i32
      %cond3A_98 = arith.constant 0 : i32
      %cond3A_99 = arith.cmpi ne, %convert_element_type3A_97, %cond3A_98 : i32
      scf.if %cond3A_99 {
        %dma_start3A = arith.constant 8 : i32
        %dma_start3A_238 = arith.constant 1024 : i32
        %dma_start3A_239 = arith.constant 0 : i32
        %dma_start3A_240 = tpu.memref_slice %arg7[%dma_start3A_238, %dma_start3A_239] : memref<2048x16xf32, #tpu.memory_space<vmem>> -> memref<128x16xf32, #tpu.memory_space<vmem>>
        %dma_start3A_241 = arith.constant 0 : i32
        %dma_start3A_242 = tpu.memref_slice %arg6[%dma_start3A, %dma_start3A_241] : memref<16x128xi32, #tpu.memory_space<vmem>> -> memref<1x128xi32, #tpu.memory_space<vmem>>
        %dma_start3A_243 = tpu.memref_squeeze %dma_start3A_242 : memref<1x128xi32, #tpu.memory_space<vmem>> -> memref<128xi32, #tpu.memory_space<vmem>>
        %dma_start3A_244 = arith.constant 0 : i32
        %dma_start3A_245 = arith.constant 0 : i32
        %dma_start3A_246 = tpu.memref_slice %arg8[%dma_start3A_244, %dma_start3A_245] : memref<10008x16xf32, #tpu.memory_space<vmem_shared>> -> memref<10008x16xf32, #tpu.memory_space<vmem_shared>>
        tpu.enqueue_indirect_dma source(%dma_start3A_240 : memref<128x16xf32, #tpu.memory_space<vmem>>) target(%dma_start3A_246 : memref<10008x16xf32, #tpu.memory_space<vmem_shared>>) offsets(%dma_start3A_243 : memref<128xi32, #tpu.memory_space<vmem>>) semaphore(%arg9 : memref<!tpu.dma_semaphore, #tpu.memory_space<semaphore_mem>>) {add = true}
      } else {
      }
      %add3A_100 = arith.constant 9 : i32
      %add3A_101 = arith.addi %min3A_42, %add3A_100 : i32
      %ge3A_102 = arith.cmpi sge, %add3A_101, %add3A_39 : i32
      %convert_element_type3A_103 = arith.extui %ge3A_102 : i1 to i32
      %cond3A_104 = arith.constant 0 : i32
      %cond3A_105 = arith.cmpi ne, %convert_element_type3A_103, %cond3A_104 : i32
      scf.if %cond3A_105 {
        %dma_start3A = arith.constant 9 : i32
        %dma_start3A_238 = arith.constant 1152 : i32
        %dma_start3A_239 = arith.constant 0 : i32
        %dma_start3A_240 = tpu.memref_slice %arg7[%dma_start3A_238, %dma_start3A_239] : memref<2048x16xf32, #tpu.memory_space<vmem>> -> memref<128x16xf32, #tpu.memory_space<vmem>>
        %dma_start3A_241 = arith.constant 0 : i32
        %dma_start3A_242 = tpu.memref_slice %arg6[%dma_start3A, %dma_start3A_241] : memref<16x128xi32, #tpu.memory_space<vmem>> -> memref<1x128xi32, #tpu.memory_space<vmem>>
        %dma_start3A_243 = tpu.memref_squeeze %dma_start3A_242 : memref<1x128xi32, #tpu.memory_space<vmem>> -> memref<128xi32, #tpu.memory_space<vmem>>
        %dma_start3A_244 = arith.constant 0 : i32
        %dma_start3A_245 = arith.constant 0 : i32
        %dma_start3A_246 = tpu.memref_slice %arg8[%dma_start3A_244, %dma_start3A_245] : memref<10008x16xf32, #tpu.memory_space<vmem_shared>> -> memref<10008x16xf32, #tpu.memory_space<vmem_shared>>
        tpu.enqueue_indirect_dma source(%dma_start3A_240 : memref<128x16xf32, #tpu.memory_space<vmem>>) target(%dma_start3A_246 : memref<10008x16xf32, #tpu.memory_space<vmem_shared>>) offsets(%dma_start3A_243 : memref<128xi32, #tpu.memory_space<vmem>>) semaphore(%arg9 : memref<!tpu.dma_semaphore, #tpu.memory_space<semaphore_mem>>) {add = true}
      } else {
      }
      %add3A_106 = arith.constant 10 : i32
      %add3A_107 = arith.addi %min3A_42, %add3A_106 : i32
      %ge3A_108 = arith.cmpi sge, %add3A_107, %add3A_39 : i32
      %convert_element_type3A_109 = arith.extui %ge3A_108 : i1 to i32
      %cond3A_110 = arith.constant 0 : i32
      %cond3A_111 = arith.cmpi ne, %convert_element_type3A_109, %cond3A_110 : i32
      scf.if %cond3A_111 {
        %dma_start3A = arith.constant 10 : i32
        %dma_start3A_238 = arith.constant 1280 : i32
        %dma_start3A_239 = arith.constant 0 : i32
        %dma_start3A_240 = tpu.memref_slice %arg7[%dma_start3A_238, %dma_start3A_239] : memref<2048x16xf32, #tpu.memory_space<vmem>> -> memref<128x16xf32, #tpu.memory_space<vmem>>
        %dma_start3A_241 = arith.constant 0 : i32
        %dma_start3A_242 = tpu.memref_slice %arg6[%dma_start3A, %dma_start3A_241] : memref<16x128xi32, #tpu.memory_space<vmem>> -> memref<1x128xi32, #tpu.memory_space<vmem>>
        %dma_start3A_243 = tpu.memref_squeeze %dma_start3A_242 : memref<1x128xi32, #tpu.memory_space<vmem>> -> memref<128xi32, #tpu.memory_space<vmem>>
        %dma_start3A_244 = arith.constant 0 : i32
        %dma_start3A_245 = arith.constant 0 : i32
        %dma_start3A_246 = tpu.memref_slice %arg8[%dma_start3A_244, %dma_start3A_245] : memref<10008x16xf32, #tpu.memory_space<vmem_shared>> -> memref<10008x16xf32, #tpu.memory_space<vmem_shared>>
        tpu.enqueue_indirect_dma source(%dma_start3A_240 : memref<128x16xf32, #tpu.memory_space<vmem>>) target(%dma_start3A_246 : memref<10008x16xf32, #tpu.memory_space<vmem_shared>>) offsets(%dma_start3A_243 : memref<128xi32, #tpu.memory_space<vmem>>) semaphore(%arg9 : memref<!tpu.dma_semaphore, #tpu.memory_space<semaphore_mem>>) {add = true}
      } else {
      }
      %add3A_112 = arith.constant 11 : i32
      %add3A_113 = arith.addi %min3A_42, %add3A_112 : i32
      %ge3A_114 = arith.cmpi sge, %add3A_113, %add3A_39 : i32
      %convert_element_type3A_115 = arith.extui %ge3A_114 : i1 to i32
      %cond3A_116 = arith.constant 0 : i32
      %cond3A_117 = arith.cmpi ne, %convert_element_type3A_115, %cond3A_116 : i32
      scf.if %cond3A_117 {
        %dma_start3A = arith.constant 11 : i32
        %dma_start3A_238 = arith.constant 1408 : i32
        %dma_start3A_239 = arith.constant 0 : i32
        %dma_start3A_240 = tpu.memref_slice %arg7[%dma_start3A_238, %dma_start3A_239] : memref<2048x16xf32, #tpu.memory_space<vmem>> -> memref<128x16xf32, #tpu.memory_space<vmem>>
        %dma_start3A_241 = arith.constant 0 : i32
        %dma_start3A_242 = tpu.memref_slice %arg6[%dma_start3A, %dma_start3A_241] : memref<16x128xi32, #tpu.memory_space<vmem>> -> memref<1x128xi32, #tpu.memory_space<vmem>>
        %dma_start3A_243 = tpu.memref_squeeze %dma_start3A_242 : memref<1x128xi32, #tpu.memory_space<vmem>> -> memref<128xi32, #tpu.memory_space<vmem>>
        %dma_start3A_244 = arith.constant 0 : i32
        %dma_start3A_245 = arith.constant 0 : i32
        %dma_start3A_246 = tpu.memref_slice %arg8[%dma_start3A_244, %dma_start3A_245] : memref<10008x16xf32, #tpu.memory_space<vmem_shared>> -> memref<10008x16xf32, #tpu.memory_space<vmem_shared>>
        tpu.enqueue_indirect_dma source(%dma_start3A_240 : memref<128x16xf32, #tpu.memory_space<vmem>>) target(%dma_start3A_246 : memref<10008x16xf32, #tpu.memory_space<vmem_shared>>) offsets(%dma_start3A_243 : memref<128xi32, #tpu.memory_space<vmem>>) semaphore(%arg9 : memref<!tpu.dma_semaphore, #tpu.memory_space<semaphore_mem>>) {add = true}
      } else {
      }
      %add3A_118 = arith.constant 12 : i32
      %add3A_119 = arith.addi %min3A_42, %add3A_118 : i32
      %ge3A_120 = arith.cmpi sge, %add3A_119, %add3A_39 : i32
      %convert_element_type3A_121 = arith.extui %ge3A_120 : i1 to i32
      %cond3A_122 = arith.constant 0 : i32
      %cond3A_123 = arith.cmpi ne, %convert_element_type3A_121, %cond3A_122 : i32
      scf.if %cond3A_123 {
        %dma_start3A = arith.constant 12 : i32
        %dma_start3A_238 = arith.constant 1536 : i32
        %dma_start3A_239 = arith.constant 0 : i32
        %dma_start3A_240 = tpu.memref_slice %arg7[%dma_start3A_238, %dma_start3A_239] : memref<2048x16xf32, #tpu.memory_space<vmem>> -> memref<128x16xf32, #tpu.memory_space<vmem>>
        %dma_start3A_241 = arith.constant 0 : i32
        %dma_start3A_242 = tpu.memref_slice %arg6[%dma_start3A, %dma_start3A_241] : memref<16x128xi32, #tpu.memory_space<vmem>> -> memref<1x128xi32, #tpu.memory_space<vmem>>
        %dma_start3A_243 = tpu.memref_squeeze %dma_start3A_242 : memref<1x128xi32, #tpu.memory_space<vmem>> -> memref<128xi32, #tpu.memory_space<vmem>>
        %dma_start3A_244 = arith.constant 0 : i32
        %dma_start3A_245 = arith.constant 0 : i32
        %dma_start3A_246 = tpu.memref_slice %arg8[%dma_start3A_244, %dma_start3A_245] : memref<10008x16xf32, #tpu.memory_space<vmem_shared>> -> memref<10008x16xf32, #tpu.memory_space<vmem_shared>>
        tpu.enqueue_indirect_dma source(%dma_start3A_240 : memref<128x16xf32, #tpu.memory_space<vmem>>) target(%dma_start3A_246 : memref<10008x16xf32, #tpu.memory_space<vmem_shared>>) offsets(%dma_start3A_243 : memref<128xi32, #tpu.memory_space<vmem>>) semaphore(%arg9 : memref<!tpu.dma_semaphore, #tpu.memory_space<semaphore_mem>>) {add = true}
      } else {
      }
      %add3A_124 = arith.constant 13 : i32
      %add3A_125 = arith.addi %min3A_42, %add3A_124 : i32
      %ge3A_126 = arith.cmpi sge, %add3A_125, %add3A_39 : i32
      %convert_element_type3A_127 = arith.extui %ge3A_126 : i1 to i32
      %cond3A_128 = arith.constant 0 : i32
      %cond3A_129 = arith.cmpi ne, %convert_element_type3A_127, %cond3A_128 : i32
      scf.if %cond3A_129 {
        %dma_start3A = arith.constant 13 : i32
        %dma_start3A_238 = arith.constant 1664 : i32
        %dma_start3A_239 = arith.constant 0 : i32
        %dma_start3A_240 = tpu.memref_slice %arg7[%dma_start3A_238, %dma_start3A_239] : memref<2048x16xf32, #tpu.memory_space<vmem>> -> memref<128x16xf32, #tpu.memory_space<vmem>>
        %dma_start3A_241 = arith.constant 0 : i32
        %dma_start3A_242 = tpu.memref_slice %arg6[%dma_start3A, %dma_start3A_241] : memref<16x128xi32, #tpu.memory_space<vmem>> -> memref<1x128xi32, #tpu.memory_space<vmem>>
        %dma_start3A_243 = tpu.memref_squeeze %dma_start3A_242 : memref<1x128xi32, #tpu.memory_space<vmem>> -> memref<128xi32, #tpu.memory_space<vmem>>
        %dma_start3A_244 = arith.constant 0 : i32
        %dma_start3A_245 = arith.constant 0 : i32
        %dma_start3A_246 = tpu.memref_slice %arg8[%dma_start3A_244, %dma_start3A_245] : memref<10008x16xf32, #tpu.memory_space<vmem_shared>> -> memref<10008x16xf32, #tpu.memory_space<vmem_shared>>
        tpu.enqueue_indirect_dma source(%dma_start3A_240 : memref<128x16xf32, #tpu.memory_space<vmem>>) target(%dma_start3A_246 : memref<10008x16xf32, #tpu.memory_space<vmem_shared>>) offsets(%dma_start3A_243 : memref<128xi32, #tpu.memory_space<vmem>>) semaphore(%arg9 : memref<!tpu.dma_semaphore, #tpu.memory_space<semaphore_mem>>) {add = true}
      } else {
      }
      %add3A_130 = arith.constant 14 : i32
      %add3A_131 = arith.addi %min3A_42, %add3A_130 : i32
      %ge3A_132 = arith.cmpi sge, %add3A_131, %add3A_39 : i32
      %convert_element_type3A_133 = arith.extui %ge3A_132 : i1 to i32
      %cond3A_134 = arith.constant 0 : i32
      %cond3A_135 = arith.cmpi ne, %convert_element_type3A_133, %cond3A_134 : i32
      scf.if %cond3A_135 {
        %dma_start3A = arith.constant 14 : i32
        %dma_start3A_238 = arith.constant 1792 : i32
        %dma_start3A_239 = arith.constant 0 : i32
        %dma_start3A_240 = tpu.memref_slice %arg7[%dma_start3A_238, %dma_start3A_239] : memref<2048x16xf32, #tpu.memory_space<vmem>> -> memref<128x16xf32, #tpu.memory_space<vmem>>
        %dma_start3A_241 = arith.constant 0 : i32
        %dma_start3A_242 = tpu.memref_slice %arg6[%dma_start3A, %dma_start3A_241] : memref<16x128xi32, #tpu.memory_space<vmem>> -> memref<1x128xi32, #tpu.memory_space<vmem>>
        %dma_start3A_243 = tpu.memref_squeeze %dma_start3A_242 : memref<1x128xi32, #tpu.memory_space<vmem>> -> memref<128xi32, #tpu.memory_space<vmem>>
        %dma_start3A_244 = arith.constant 0 : i32
        %dma_start3A_245 = arith.constant 0 : i32
        %dma_start3A_246 = tpu.memref_slice %arg8[%dma_start3A_244, %dma_start3A_245] : memref<10008x16xf32, #tpu.memory_space<vmem_shared>> -> memref<10008x16xf32, #tpu.memory_space<vmem_shared>>
        tpu.enqueue_indirect_dma source(%dma_start3A_240 : memref<128x16xf32, #tpu.memory_space<vmem>>) target(%dma_start3A_246 : memref<10008x16xf32, #tpu.memory_space<vmem_shared>>) offsets(%dma_start3A_243 : memref<128xi32, #tpu.memory_space<vmem>>) semaphore(%arg9 : memref<!tpu.dma_semaphore, #tpu.memory_space<semaphore_mem>>) {add = true}
      } else {
      }
      %add3A_136 = arith.constant 15 : i32
      %add3A_137 = arith.addi %min3A_42, %add3A_136 : i32
      %ge3A_138 = arith.cmpi sge, %add3A_137, %add3A_39 : i32
      %convert_element_type3A_139 = arith.extui %ge3A_138 : i1 to i32
      %cond3A_140 = arith.constant 0 : i32
      %cond3A_141 = arith.cmpi ne, %convert_element_type3A_139, %cond3A_140 : i32
      scf.if %cond3A_141 {
        %dma_start3A = arith.constant 15 : i32
        %dma_start3A_238 = arith.constant 1920 : i32
        %dma_start3A_239 = arith.constant 0 : i32
        %dma_start3A_240 = tpu.memref_slice %arg7[%dma_start3A_238, %dma_start3A_239] : memref<2048x16xf32, #tpu.memory_space<vmem>> -> memref<128x16xf32, #tpu.memory_space<vmem>>
        %dma_start3A_241 = arith.constant 0 : i32
        %dma_start3A_242 = tpu.memref_slice %arg6[%dma_start3A, %dma_start3A_241] : memref<16x128xi32, #tpu.memory_space<vmem>> -> memref<1x128xi32, #tpu.memory_space<vmem>>
        %dma_start3A_243 = tpu.memref_squeeze %dma_start3A_242 : memref<1x128xi32, #tpu.memory_space<vmem>> -> memref<128xi32, #tpu.memory_space<vmem>>
        %dma_start3A_244 = arith.constant 0 : i32
        %dma_start3A_245 = arith.constant 0 : i32
        %dma_start3A_246 = tpu.memref_slice %arg8[%dma_start3A_244, %dma_start3A_245] : memref<10008x16xf32, #tpu.memory_space<vmem_shared>> -> memref<10008x16xf32, #tpu.memory_space<vmem_shared>>
        tpu.enqueue_indirect_dma source(%dma_start3A_240 : memref<128x16xf32, #tpu.memory_space<vmem>>) target(%dma_start3A_246 : memref<10008x16xf32, #tpu.memory_space<vmem_shared>>) offsets(%dma_start3A_243 : memref<128xi32, #tpu.memory_space<vmem>>) semaphore(%arg9 : memref<!tpu.dma_semaphore, #tpu.memory_space<semaphore_mem>>) {add = true}
      } else {
      }
      %add3A_142 = arith.constant 0 : i32
      %add3A_143 = arith.addi %min3A_42, %add3A_142 : i32
      %ge3A_144 = arith.cmpi sge, %add3A_143, %add3A_39 : i32
      %convert_element_type3A_145 = arith.extui %ge3A_144 : i1 to i32
      %cond3A_146 = arith.constant 0 : i32
      %cond3A_147 = arith.cmpi ne, %convert_element_type3A_145, %cond3A_146 : i32
      scf.if %cond3A_147 {
        %dma_wait3A = arith.constant 0 : i32
        %dma_wait3A_238 = arith.constant 0 : i32
        %dma_wait3A_239 = arith.constant 0 : i32
        %dma_wait3A_240 = tpu.memref_slice %arg7[%dma_wait3A_238, %dma_wait3A_239] : memref<2048x16xf32, #tpu.memory_space<vmem>> -> memref<128x16xf32, #tpu.memory_space<vmem>>
        %dma_wait3A_241 = arith.constant 0 : i32
        %dma_wait3A_242 = tpu.memref_slice %arg6[%dma_wait3A, %dma_wait3A_241] : memref<16x128xi32, #tpu.memory_space<vmem>> -> memref<1x128xi32, #tpu.memory_space<vmem>>
        %dma_wait3A_243 = tpu.memref_squeeze %dma_wait3A_242 : memref<1x128xi32, #tpu.memory_space<vmem>> -> memref<128xi32, #tpu.memory_space<vmem>>
        %dma_wait3A_244 = arith.constant 0 : i32
        %dma_wait3A_245 = arith.constant 0 : i32
        %dma_wait3A_246 = tpu.memref_slice %arg8[%dma_wait3A_244, %dma_wait3A_245] : memref<10008x16xf32, #tpu.memory_space<vmem_shared>> -> memref<10008x16xf32, #tpu.memory_space<vmem_shared>>
        tpu.wait_indirect_dma semaphore(%arg9 : memref<!tpu.dma_semaphore, #tpu.memory_space<semaphore_mem>>) src(%dma_wait3A_240 : memref<128x16xf32, #tpu.memory_space<vmem>>) dst(%dma_wait3A_246 : memref<10008x16xf32, #tpu.memory_space<vmem_shared>>)
      } else {
      }
      %add3A_148 = arith.constant 1 : i32
      %add3A_149 = arith.addi %min3A_42, %add3A_148 : i32
      %ge3A_150 = arith.cmpi sge, %add3A_149, %add3A_39 : i32
      %convert_element_type3A_151 = arith.extui %ge3A_150 : i1 to i32
      %cond3A_152 = arith.constant 0 : i32
      %cond3A_153 = arith.cmpi ne, %convert_element_type3A_151, %cond3A_152 : i32
      scf.if %cond3A_153 {
        %dma_wait3A = arith.constant 1 : i32
        %dma_wait3A_238 = arith.constant 128 : i32
        %dma_wait3A_239 = arith.constant 0 : i32
        %dma_wait3A_240 = tpu.memref_slice %arg7[%dma_wait3A_238, %dma_wait3A_239] : memref<2048x16xf32, #tpu.memory_space<vmem>> -> memref<128x16xf32, #tpu.memory_space<vmem>>
        %dma_wait3A_241 = arith.constant 0 : i32
        %dma_wait3A_242 = tpu.memref_slice %arg6[%dma_wait3A, %dma_wait3A_241] : memref<16x128xi32, #tpu.memory_space<vmem>> -> memref<1x128xi32, #tpu.memory_space<vmem>>
        %dma_wait3A_243 = tpu.memref_squeeze %dma_wait3A_242 : memref<1x128xi32, #tpu.memory_space<vmem>> -> memref<128xi32, #tpu.memory_space<vmem>>
        %dma_wait3A_244 = arith.constant 0 : i32
        %dma_wait3A_245 = arith.constant 0 : i32
        %dma_wait3A_246 = tpu.memref_slice %arg8[%dma_wait3A_244, %dma_wait3A_245] : memref<10008x16xf32, #tpu.memory_space<vmem_shared>> -> memref<10008x16xf32, #tpu.memory_space<vmem_shared>>
        tpu.wait_indirect_dma semaphore(%arg9 : memref<!tpu.dma_semaphore, #tpu.memory_space<semaphore_mem>>) src(%dma_wait3A_240 : memref<128x16xf32, #tpu.memory_space<vmem>>) dst(%dma_wait3A_246 : memref<10008x16xf32, #tpu.memory_space<vmem_shared>>)
      } else {
      }
      %add3A_154 = arith.constant 2 : i32
      %add3A_155 = arith.addi %min3A_42, %add3A_154 : i32
      %ge3A_156 = arith.cmpi sge, %add3A_155, %add3A_39 : i32
      %convert_element_type3A_157 = arith.extui %ge3A_156 : i1 to i32
      %cond3A_158 = arith.constant 0 : i32
      %cond3A_159 = arith.cmpi ne, %convert_element_type3A_157, %cond3A_158 : i32
      scf.if %cond3A_159 {
        %dma_wait3A = arith.constant 2 : i32
        %dma_wait3A_238 = arith.constant 256 : i32
        %dma_wait3A_239 = arith.constant 0 : i32
        %dma_wait3A_240 = tpu.memref_slice %arg7[%dma_wait3A_238, %dma_wait3A_239] : memref<2048x16xf32, #tpu.memory_space<vmem>> -> memref<128x16xf32, #tpu.memory_space<vmem>>
        %dma_wait3A_241 = arith.constant 0 : i32
        %dma_wait3A_242 = tpu.memref_slice %arg6[%dma_wait3A, %dma_wait3A_241] : memref<16x128xi32, #tpu.memory_space<vmem>> -> memref<1x128xi32, #tpu.memory_space<vmem>>
        %dma_wait3A_243 = tpu.memref_squeeze %dma_wait3A_242 : memref<1x128xi32, #tpu.memory_space<vmem>> -> memref<128xi32, #tpu.memory_space<vmem>>
        %dma_wait3A_244 = arith.constant 0 : i32
        %dma_wait3A_245 = arith.constant 0 : i32
        %dma_wait3A_246 = tpu.memref_slice %arg8[%dma_wait3A_244, %dma_wait3A_245] : memref<10008x16xf32, #tpu.memory_space<vmem_shared>> -> memref<10008x16xf32, #tpu.memory_space<vmem_shared>>
        tpu.wait_indirect_dma semaphore(%arg9 : memref<!tpu.dma_semaphore, #tpu.memory_space<semaphore_mem>>) src(%dma_wait3A_240 : memref<128x16xf32, #tpu.memory_space<vmem>>) dst(%dma_wait3A_246 : memref<10008x16xf32, #tpu.memory_space<vmem_shared>>)
      } else {
      }
      %add3A_160 = arith.constant 3 : i32
      %add3A_161 = arith.addi %min3A_42, %add3A_160 : i32
      %ge3A_162 = arith.cmpi sge, %add3A_161, %add3A_39 : i32
      %convert_element_type3A_163 = arith.extui %ge3A_162 : i1 to i32
      %cond3A_164 = arith.constant 0 : i32
      %cond3A_165 = arith.cmpi ne, %convert_element_type3A_163, %cond3A_164 : i32
      scf.if %cond3A_165 {
        %dma_wait3A = arith.constant 3 : i32
        %dma_wait3A_238 = arith.constant 384 : i32
        %dma_wait3A_239 = arith.constant 0 : i32
        %dma_wait3A_240 = tpu.memref_slice %arg7[%dma_wait3A_238, %dma_wait3A_239] : memref<2048x16xf32, #tpu.memory_space<vmem>> -> memref<128x16xf32, #tpu.memory_space<vmem>>
        %dma_wait3A_241 = arith.constant 0 : i32
        %dma_wait3A_242 = tpu.memref_slice %arg6[%dma_wait3A, %dma_wait3A_241] : memref<16x128xi32, #tpu.memory_space<vmem>> -> memref<1x128xi32, #tpu.memory_space<vmem>>
        %dma_wait3A_243 = tpu.memref_squeeze %dma_wait3A_242 : memref<1x128xi32, #tpu.memory_space<vmem>> -> memref<128xi32, #tpu.memory_space<vmem>>
        %dma_wait3A_244 = arith.constant 0 : i32
        %dma_wait3A_245 = arith.constant 0 : i32
        %dma_wait3A_246 = tpu.memref_slice %arg8[%dma_wait3A_244, %dma_wait3A_245] : memref<10008x16xf32, #tpu.memory_space<vmem_shared>> -> memref<10008x16xf32, #tpu.memory_space<vmem_shared>>
        tpu.wait_indirect_dma semaphore(%arg9 : memref<!tpu.dma_semaphore, #tpu.memory_space<semaphore_mem>>) src(%dma_wait3A_240 : memref<128x16xf32, #tpu.memory_space<vmem>>) dst(%dma_wait3A_246 : memref<10008x16xf32, #tpu.memory_space<vmem_shared>>)
      } else {
      }
      %add3A_166 = arith.constant 4 : i32
      %add3A_167 = arith.addi %min3A_42, %add3A_166 : i32
      %ge3A_168 = arith.cmpi sge, %add3A_167, %add3A_39 : i32
      %convert_element_type3A_169 = arith.extui %ge3A_168 : i1 to i32
      %cond3A_170 = arith.constant 0 : i32
      %cond3A_171 = arith.cmpi ne, %convert_element_type3A_169, %cond3A_170 : i32
      scf.if %cond3A_171 {
        %dma_wait3A = arith.constant 4 : i32
        %dma_wait3A_238 = arith.constant 512 : i32
        %dma_wait3A_239 = arith.constant 0 : i32
        %dma_wait3A_240 = tpu.memref_slice %arg7[%dma_wait3A_238, %dma_wait3A_239] : memref<2048x16xf32, #tpu.memory_space<vmem>> -> memref<128x16xf32, #tpu.memory_space<vmem>>
        %dma_wait3A_241 = arith.constant 0 : i32
        %dma_wait3A_242 = tpu.memref_slice %arg6[%dma_wait3A, %dma_wait3A_241] : memref<16x128xi32, #tpu.memory_space<vmem>> -> memref<1x128xi32, #tpu.memory_space<vmem>>
        %dma_wait3A_243 = tpu.memref_squeeze %dma_wait3A_242 : memref<1x128xi32, #tpu.memory_space<vmem>> -> memref<128xi32, #tpu.memory_space<vmem>>
        %dma_wait3A_244 = arith.constant 0 : i32
        %dma_wait3A_245 = arith.constant 0 : i32
        %dma_wait3A_246 = tpu.memref_slice %arg8[%dma_wait3A_244, %dma_wait3A_245] : memref<10008x16xf32, #tpu.memory_space<vmem_shared>> -> memref<10008x16xf32, #tpu.memory_space<vmem_shared>>
        tpu.wait_indirect_dma semaphore(%arg9 : memref<!tpu.dma_semaphore, #tpu.memory_space<semaphore_mem>>) src(%dma_wait3A_240 : memref<128x16xf32, #tpu.memory_space<vmem>>) dst(%dma_wait3A_246 : memref<10008x16xf32, #tpu.memory_space<vmem_shared>>)
      } else {
      }
      %add3A_172 = arith.constant 5 : i32
      %add3A_173 = arith.addi %min3A_42, %add3A_172 : i32
      %ge3A_174 = arith.cmpi sge, %add3A_173, %add3A_39 : i32
      %convert_element_type3A_175 = arith.extui %ge3A_174 : i1 to i32
      %cond3A_176 = arith.constant 0 : i32
      %cond3A_177 = arith.cmpi ne, %convert_element_type3A_175, %cond3A_176 : i32
      scf.if %cond3A_177 {
        %dma_wait3A = arith.constant 5 : i32
        %dma_wait3A_238 = arith.constant 640 : i32
        %dma_wait3A_239 = arith.constant 0 : i32
        %dma_wait3A_240 = tpu.memref_slice %arg7[%dma_wait3A_238, %dma_wait3A_239] : memref<2048x16xf32, #tpu.memory_space<vmem>> -> memref<128x16xf32, #tpu.memory_space<vmem>>
        %dma_wait3A_241 = arith.constant 0 : i32
        %dma_wait3A_242 = tpu.memref_slice %arg6[%dma_wait3A, %dma_wait3A_241] : memref<16x128xi32, #tpu.memory_space<vmem>> -> memref<1x128xi32, #tpu.memory_space<vmem>>
        %dma_wait3A_243 = tpu.memref_squeeze %dma_wait3A_242 : memref<1x128xi32, #tpu.memory_space<vmem>> -> memref<128xi32, #tpu.memory_space<vmem>>
        %dma_wait3A_244 = arith.constant 0 : i32
        %dma_wait3A_245 = arith.constant 0 : i32
        %dma_wait3A_246 = tpu.memref_slice %arg8[%dma_wait3A_244, %dma_wait3A_245] : memref<10008x16xf32, #tpu.memory_space<vmem_shared>> -> memref<10008x16xf32, #tpu.memory_space<vmem_shared>>
        tpu.wait_indirect_dma semaphore(%arg9 : memref<!tpu.dma_semaphore, #tpu.memory_space<semaphore_mem>>) src(%dma_wait3A_240 : memref<128x16xf32, #tpu.memory_space<vmem>>) dst(%dma_wait3A_246 : memref<10008x16xf32, #tpu.memory_space<vmem_shared>>)
      } else {
      }
      %add3A_178 = arith.constant 6 : i32
      %add3A_179 = arith.addi %min3A_42, %add3A_178 : i32
      %ge3A_180 = arith.cmpi sge, %add3A_179, %add3A_39 : i32
      %convert_element_type3A_181 = arith.extui %ge3A_180 : i1 to i32
      %cond3A_182 = arith.constant 0 : i32
      %cond3A_183 = arith.cmpi ne, %convert_element_type3A_181, %cond3A_182 : i32
      scf.if %cond3A_183 {
        %dma_wait3A = arith.constant 6 : i32
        %dma_wait3A_238 = arith.constant 768 : i32
        %dma_wait3A_239 = arith.constant 0 : i32
        %dma_wait3A_240 = tpu.memref_slice %arg7[%dma_wait3A_238, %dma_wait3A_239] : memref<2048x16xf32, #tpu.memory_space<vmem>> -> memref<128x16xf32, #tpu.memory_space<vmem>>
        %dma_wait3A_241 = arith.constant 0 : i32
        %dma_wait3A_242 = tpu.memref_slice %arg6[%dma_wait3A, %dma_wait3A_241] : memref<16x128xi32, #tpu.memory_space<vmem>> -> memref<1x128xi32, #tpu.memory_space<vmem>>
        %dma_wait3A_243 = tpu.memref_squeeze %dma_wait3A_242 : memref<1x128xi32, #tpu.memory_space<vmem>> -> memref<128xi32, #tpu.memory_space<vmem>>
        %dma_wait3A_244 = arith.constant 0 : i32
        %dma_wait3A_245 = arith.constant 0 : i32
        %dma_wait3A_246 = tpu.memref_slice %arg8[%dma_wait3A_244, %dma_wait3A_245] : memref<10008x16xf32, #tpu.memory_space<vmem_shared>> -> memref<10008x16xf32, #tpu.memory_space<vmem_shared>>
        tpu.wait_indirect_dma semaphore(%arg9 : memref<!tpu.dma_semaphore, #tpu.memory_space<semaphore_mem>>) src(%dma_wait3A_240 : memref<128x16xf32, #tpu.memory_space<vmem>>) dst(%dma_wait3A_246 : memref<10008x16xf32, #tpu.memory_space<vmem_shared>>)
      } else {
      }
      %add3A_184 = arith.constant 7 : i32
      %add3A_185 = arith.addi %min3A_42, %add3A_184 : i32
      %ge3A_186 = arith.cmpi sge, %add3A_185, %add3A_39 : i32
      %convert_element_type3A_187 = arith.extui %ge3A_186 : i1 to i32
      %cond3A_188 = arith.constant 0 : i32
      %cond3A_189 = arith.cmpi ne, %convert_element_type3A_187, %cond3A_188 : i32
      scf.if %cond3A_189 {
        %dma_wait3A = arith.constant 7 : i32
        %dma_wait3A_238 = arith.constant 896 : i32
        %dma_wait3A_239 = arith.constant 0 : i32
        %dma_wait3A_240 = tpu.memref_slice %arg7[%dma_wait3A_238, %dma_wait3A_239] : memref<2048x16xf32, #tpu.memory_space<vmem>> -> memref<128x16xf32, #tpu.memory_space<vmem>>
        %dma_wait3A_241 = arith.constant 0 : i32
        %dma_wait3A_242 = tpu.memref_slice %arg6[%dma_wait3A, %dma_wait3A_241] : memref<16x128xi32, #tpu.memory_space<vmem>> -> memref<1x128xi32, #tpu.memory_space<vmem>>
        %dma_wait3A_243 = tpu.memref_squeeze %dma_wait3A_242 : memref<1x128xi32, #tpu.memory_space<vmem>> -> memref<128xi32, #tpu.memory_space<vmem>>
        %dma_wait3A_244 = arith.constant 0 : i32
        %dma_wait3A_245 = arith.constant 0 : i32
        %dma_wait3A_246 = tpu.memref_slice %arg8[%dma_wait3A_244, %dma_wait3A_245] : memref<10008x16xf32, #tpu.memory_space<vmem_shared>> -> memref<10008x16xf32, #tpu.memory_space<vmem_shared>>
        tpu.wait_indirect_dma semaphore(%arg9 : memref<!tpu.dma_semaphore, #tpu.memory_space<semaphore_mem>>) src(%dma_wait3A_240 : memref<128x16xf32, #tpu.memory_space<vmem>>) dst(%dma_wait3A_246 : memref<10008x16xf32, #tpu.memory_space<vmem_shared>>)
      } else {
      }
      %add3A_190 = arith.constant 8 : i32
      %add3A_191 = arith.addi %min3A_42, %add3A_190 : i32
      %ge3A_192 = arith.cmpi sge, %add3A_191, %add3A_39 : i32
      %convert_element_type3A_193 = arith.extui %ge3A_192 : i1 to i32
      %cond3A_194 = arith.constant 0 : i32
      %cond3A_195 = arith.cmpi ne, %convert_element_type3A_193, %cond3A_194 : i32
      scf.if %cond3A_195 {
        %dma_wait3A = arith.constant 8 : i32
        %dma_wait3A_238 = arith.constant 1024 : i32
        %dma_wait3A_239 = arith.constant 0 : i32
        %dma_wait3A_240 = tpu.memref_slice %arg7[%dma_wait3A_238, %dma_wait3A_239] : memref<2048x16xf32, #tpu.memory_space<vmem>> -> memref<128x16xf32, #tpu.memory_space<vmem>>
        %dma_wait3A_241 = arith.constant 0 : i32
        %dma_wait3A_242 = tpu.memref_slice %arg6[%dma_wait3A, %dma_wait3A_241] : memref<16x128xi32, #tpu.memory_space<vmem>> -> memref<1x128xi32, #tpu.memory_space<vmem>>
        %dma_wait3A_243 = tpu.memref_squeeze %dma_wait3A_242 : memref<1x128xi32, #tpu.memory_space<vmem>> -> memref<128xi32, #tpu.memory_space<vmem>>
        %dma_wait3A_244 = arith.constant 0 : i32
        %dma_wait3A_245 = arith.constant 0 : i32
        %dma_wait3A_246 = tpu.memref_slice %arg8[%dma_wait3A_244, %dma_wait3A_245] : memref<10008x16xf32, #tpu.memory_space<vmem_shared>> -> memref<10008x16xf32, #tpu.memory_space<vmem_shared>>
        tpu.wait_indirect_dma semaphore(%arg9 : memref<!tpu.dma_semaphore, #tpu.memory_space<semaphore_mem>>) src(%dma_wait3A_240 : memref<128x16xf32, #tpu.memory_space<vmem>>) dst(%dma_wait3A_246 : memref<10008x16xf32, #tpu.memory_space<vmem_shared>>)
      } else {
      }
      %add3A_196 = arith.constant 9 : i32
      %add3A_197 = arith.addi %min3A_42, %add3A_196 : i32
      %ge3A_198 = arith.cmpi sge, %add3A_197, %add3A_39 : i32
      %convert_element_type3A_199 = arith.extui %ge3A_198 : i1 to i32
      %cond3A_200 = arith.constant 0 : i32
      %cond3A_201 = arith.cmpi ne, %convert_element_type3A_199, %cond3A_200 : i32
      scf.if %cond3A_201 {
        %dma_wait3A = arith.constant 9 : i32
        %dma_wait3A_238 = arith.constant 1152 : i32
        %dma_wait3A_239 = arith.constant 0 : i32
        %dma_wait3A_240 = tpu.memref_slice %arg7[%dma_wait3A_238, %dma_wait3A_239] : memref<2048x16xf32, #tpu.memory_space<vmem>> -> memref<128x16xf32, #tpu.memory_space<vmem>>
        %dma_wait3A_241 = arith.constant 0 : i32
        %dma_wait3A_242 = tpu.memref_slice %arg6[%dma_wait3A, %dma_wait3A_241] : memref<16x128xi32, #tpu.memory_space<vmem>> -> memref<1x128xi32, #tpu.memory_space<vmem>>
        %dma_wait3A_243 = tpu.memref_squeeze %dma_wait3A_242 : memref<1x128xi32, #tpu.memory_space<vmem>> -> memref<128xi32, #tpu.memory_space<vmem>>
        %dma_wait3A_244 = arith.constant 0 : i32
        %dma_wait3A_245 = arith.constant 0 : i32
        %dma_wait3A_246 = tpu.memref_slice %arg8[%dma_wait3A_244, %dma_wait3A_245] : memref<10008x16xf32, #tpu.memory_space<vmem_shared>> -> memref<10008x16xf32, #tpu.memory_space<vmem_shared>>
        tpu.wait_indirect_dma semaphore(%arg9 : memref<!tpu.dma_semaphore, #tpu.memory_space<semaphore_mem>>) src(%dma_wait3A_240 : memref<128x16xf32, #tpu.memory_space<vmem>>) dst(%dma_wait3A_246 : memref<10008x16xf32, #tpu.memory_space<vmem_shared>>)
      } else {
      }
      %add3A_202 = arith.constant 10 : i32
      %add3A_203 = arith.addi %min3A_42, %add3A_202 : i32
      %ge3A_204 = arith.cmpi sge, %add3A_203, %add3A_39 : i32
      %convert_element_type3A_205 = arith.extui %ge3A_204 : i1 to i32
      %cond3A_206 = arith.constant 0 : i32
      %cond3A_207 = arith.cmpi ne, %convert_element_type3A_205, %cond3A_206 : i32
      scf.if %cond3A_207 {
        %dma_wait3A = arith.constant 10 : i32
        %dma_wait3A_238 = arith.constant 1280 : i32
        %dma_wait3A_239 = arith.constant 0 : i32
        %dma_wait3A_240 = tpu.memref_slice %arg7[%dma_wait3A_238, %dma_wait3A_239] : memref<2048x16xf32, #tpu.memory_space<vmem>> -> memref<128x16xf32, #tpu.memory_space<vmem>>
        %dma_wait3A_241 = arith.constant 0 : i32
        %dma_wait3A_242 = tpu.memref_slice %arg6[%dma_wait3A, %dma_wait3A_241] : memref<16x128xi32, #tpu.memory_space<vmem>> -> memref<1x128xi32, #tpu.memory_space<vmem>>
        %dma_wait3A_243 = tpu.memref_squeeze %dma_wait3A_242 : memref<1x128xi32, #tpu.memory_space<vmem>> -> memref<128xi32, #tpu.memory_space<vmem>>
        %dma_wait3A_244 = arith.constant 0 : i32
        %dma_wait3A_245 = arith.constant 0 : i32
        %dma_wait3A_246 = tpu.memref_slice %arg8[%dma_wait3A_244, %dma_wait3A_245] : memref<10008x16xf32, #tpu.memory_space<vmem_shared>> -> memref<10008x16xf32, #tpu.memory_space<vmem_shared>>
        tpu.wait_indirect_dma semaphore(%arg9 : memref<!tpu.dma_semaphore, #tpu.memory_space<semaphore_mem>>) src(%dma_wait3A_240 : memref<128x16xf32, #tpu.memory_space<vmem>>) dst(%dma_wait3A_246 : memref<10008x16xf32, #tpu.memory_space<vmem_shared>>)
      } else {
      }
      %add3A_208 = arith.constant 11 : i32
      %add3A_209 = arith.addi %min3A_42, %add3A_208 : i32
      %ge3A_210 = arith.cmpi sge, %add3A_209, %add3A_39 : i32
      %convert_element_type3A_211 = arith.extui %ge3A_210 : i1 to i32
      %cond3A_212 = arith.constant 0 : i32
      %cond3A_213 = arith.cmpi ne, %convert_element_type3A_211, %cond3A_212 : i32
      scf.if %cond3A_213 {
        %dma_wait3A = arith.constant 11 : i32
        %dma_wait3A_238 = arith.constant 1408 : i32
        %dma_wait3A_239 = arith.constant 0 : i32
        %dma_wait3A_240 = tpu.memref_slice %arg7[%dma_wait3A_238, %dma_wait3A_239] : memref<2048x16xf32, #tpu.memory_space<vmem>> -> memref<128x16xf32, #tpu.memory_space<vmem>>
        %dma_wait3A_241 = arith.constant 0 : i32
        %dma_wait3A_242 = tpu.memref_slice %arg6[%dma_wait3A, %dma_wait3A_241] : memref<16x128xi32, #tpu.memory_space<vmem>> -> memref<1x128xi32, #tpu.memory_space<vmem>>
        %dma_wait3A_243 = tpu.memref_squeeze %dma_wait3A_242 : memref<1x128xi32, #tpu.memory_space<vmem>> -> memref<128xi32, #tpu.memory_space<vmem>>
        %dma_wait3A_244 = arith.constant 0 : i32
        %dma_wait3A_245 = arith.constant 0 : i32
        %dma_wait3A_246 = tpu.memref_slice %arg8[%dma_wait3A_244, %dma_wait3A_245] : memref<10008x16xf32, #tpu.memory_space<vmem_shared>> -> memref<10008x16xf32, #tpu.memory_space<vmem_shared>>
        tpu.wait_indirect_dma semaphore(%arg9 : memref<!tpu.dma_semaphore, #tpu.memory_space<semaphore_mem>>) src(%dma_wait3A_240 : memref<128x16xf32, #tpu.memory_space<vmem>>) dst(%dma_wait3A_246 : memref<10008x16xf32, #tpu.memory_space<vmem_shared>>)
      } else {
      }
      %add3A_214 = arith.constant 12 : i32
      %add3A_215 = arith.addi %min3A_42, %add3A_214 : i32
      %ge3A_216 = arith.cmpi sge, %add3A_215, %add3A_39 : i32
      %convert_element_type3A_217 = arith.extui %ge3A_216 : i1 to i32
      %cond3A_218 = arith.constant 0 : i32
      %cond3A_219 = arith.cmpi ne, %convert_element_type3A_217, %cond3A_218 : i32
      scf.if %cond3A_219 {
        %dma_wait3A = arith.constant 12 : i32
        %dma_wait3A_238 = arith.constant 1536 : i32
        %dma_wait3A_239 = arith.constant 0 : i32
        %dma_wait3A_240 = tpu.memref_slice %arg7[%dma_wait3A_238, %dma_wait3A_239] : memref<2048x16xf32, #tpu.memory_space<vmem>> -> memref<128x16xf32, #tpu.memory_space<vmem>>
        %dma_wait3A_241 = arith.constant 0 : i32
        %dma_wait3A_242 = tpu.memref_slice %arg6[%dma_wait3A, %dma_wait3A_241] : memref<16x128xi32, #tpu.memory_space<vmem>> -> memref<1x128xi32, #tpu.memory_space<vmem>>
        %dma_wait3A_243 = tpu.memref_squeeze %dma_wait3A_242 : memref<1x128xi32, #tpu.memory_space<vmem>> -> memref<128xi32, #tpu.memory_space<vmem>>
        %dma_wait3A_244 = arith.constant 0 : i32
        %dma_wait3A_245 = arith.constant 0 : i32
        %dma_wait3A_246 = tpu.memref_slice %arg8[%dma_wait3A_244, %dma_wait3A_245] : memref<10008x16xf32, #tpu.memory_space<vmem_shared>> -> memref<10008x16xf32, #tpu.memory_space<vmem_shared>>
        tpu.wait_indirect_dma semaphore(%arg9 : memref<!tpu.dma_semaphore, #tpu.memory_space<semaphore_mem>>) src(%dma_wait3A_240 : memref<128x16xf32, #tpu.memory_space<vmem>>) dst(%dma_wait3A_246 : memref<10008x16xf32, #tpu.memory_space<vmem_shared>>)
      } else {
      }
      %add3A_220 = arith.constant 13 : i32
      %add3A_221 = arith.addi %min3A_42, %add3A_220 : i32
      %ge3A_222 = arith.cmpi sge, %add3A_221, %add3A_39 : i32
      %convert_element_type3A_223 = arith.extui %ge3A_222 : i1 to i32
      %cond3A_224 = arith.constant 0 : i32
      %cond3A_225 = arith.cmpi ne, %convert_element_type3A_223, %cond3A_224 : i32
      scf.if %cond3A_225 {
        %dma_wait3A = arith.constant 13 : i32
        %dma_wait3A_238 = arith.constant 1664 : i32
        %dma_wait3A_239 = arith.constant 0 : i32
        %dma_wait3A_240 = tpu.memref_slice %arg7[%dma_wait3A_238, %dma_wait3A_239] : memref<2048x16xf32, #tpu.memory_space<vmem>> -> memref<128x16xf32, #tpu.memory_space<vmem>>
        %dma_wait3A_241 = arith.constant 0 : i32
        %dma_wait3A_242 = tpu.memref_slice %arg6[%dma_wait3A, %dma_wait3A_241] : memref<16x128xi32, #tpu.memory_space<vmem>> -> memref<1x128xi32, #tpu.memory_space<vmem>>
        %dma_wait3A_243 = tpu.memref_squeeze %dma_wait3A_242 : memref<1x128xi32, #tpu.memory_space<vmem>> -> memref<128xi32, #tpu.memory_space<vmem>>
        %dma_wait3A_244 = arith.constant 0 : i32
        %dma_wait3A_245 = arith.constant 0 : i32
        %dma_wait3A_246 = tpu.memref_slice %arg8[%dma_wait3A_244, %dma_wait3A_245] : memref<10008x16xf32, #tpu.memory_space<vmem_shared>> -> memref<10008x16xf32, #tpu.memory_space<vmem_shared>>
        tpu.wait_indirect_dma semaphore(%arg9 : memref<!tpu.dma_semaphore, #tpu.memory_space<semaphore_mem>>) src(%dma_wait3A_240 : memref<128x16xf32, #tpu.memory_space<vmem>>) dst(%dma_wait3A_246 : memref<10008x16xf32, #tpu.memory_space<vmem_shared>>)
      } else {
      }
      %add3A_226 = arith.constant 14 : i32
      %add3A_227 = arith.addi %min3A_42, %add3A_226 : i32
      %ge3A_228 = arith.cmpi sge, %add3A_227, %add3A_39 : i32
      %convert_element_type3A_229 = arith.extui %ge3A_228 : i1 to i32
      %cond3A_230 = arith.constant 0 : i32
      %cond3A_231 = arith.cmpi ne, %convert_element_type3A_229, %cond3A_230 : i32
      scf.if %cond3A_231 {
        %dma_wait3A = arith.constant 14 : i32
        %dma_wait3A_238 = arith.constant 1792 : i32
        %dma_wait3A_239 = arith.constant 0 : i32
        %dma_wait3A_240 = tpu.memref_slice %arg7[%dma_wait3A_238, %dma_wait3A_239] : memref<2048x16xf32, #tpu.memory_space<vmem>> -> memref<128x16xf32, #tpu.memory_space<vmem>>
        %dma_wait3A_241 = arith.constant 0 : i32
        %dma_wait3A_242 = tpu.memref_slice %arg6[%dma_wait3A, %dma_wait3A_241] : memref<16x128xi32, #tpu.memory_space<vmem>> -> memref<1x128xi32, #tpu.memory_space<vmem>>
        %dma_wait3A_243 = tpu.memref_squeeze %dma_wait3A_242 : memref<1x128xi32, #tpu.memory_space<vmem>> -> memref<128xi32, #tpu.memory_space<vmem>>
        %dma_wait3A_244 = arith.constant 0 : i32
        %dma_wait3A_245 = arith.constant 0 : i32
        %dma_wait3A_246 = tpu.memref_slice %arg8[%dma_wait3A_244, %dma_wait3A_245] : memref<10008x16xf32, #tpu.memory_space<vmem_shared>> -> memref<10008x16xf32, #tpu.memory_space<vmem_shared>>
        tpu.wait_indirect_dma semaphore(%arg9 : memref<!tpu.dma_semaphore, #tpu.memory_space<semaphore_mem>>) src(%dma_wait3A_240 : memref<128x16xf32, #tpu.memory_space<vmem>>) dst(%dma_wait3A_246 : memref<10008x16xf32, #tpu.memory_space<vmem_shared>>)
      } else {
      }
      %add3A_232 = arith.constant 15 : i32
      %add3A_233 = arith.addi %min3A_42, %add3A_232 : i32
      %ge3A_234 = arith.cmpi sge, %add3A_233, %add3A_39 : i32
      %convert_element_type3A_235 = arith.extui %ge3A_234 : i1 to i32
      %cond3A_236 = arith.constant 0 : i32
      %cond3A_237 = arith.cmpi ne, %convert_element_type3A_235, %cond3A_236 : i32
      scf.if %cond3A_237 {
        %dma_wait3A = arith.constant 15 : i32
        %dma_wait3A_238 = arith.constant 1920 : i32
        %dma_wait3A_239 = arith.constant 0 : i32
        %dma_wait3A_240 = tpu.memref_slice %arg7[%dma_wait3A_238, %dma_wait3A_239] : memref<2048x16xf32, #tpu.memory_space<vmem>> -> memref<128x16xf32, #tpu.memory_space<vmem>>
        %dma_wait3A_241 = arith.constant 0 : i32
        %dma_wait3A_242 = tpu.memref_slice %arg6[%dma_wait3A, %dma_wait3A_241] : memref<16x128xi32, #tpu.memory_space<vmem>> -> memref<1x128xi32, #tpu.memory_space<vmem>>
        %dma_wait3A_243 = tpu.memref_squeeze %dma_wait3A_242 : memref<1x128xi32, #tpu.memory_space<vmem>> -> memref<128xi32, #tpu.memory_space<vmem>>
        %dma_wait3A_244 = arith.constant 0 : i32
        %dma_wait3A_245 = arith.constant 0 : i32
        %dma_wait3A_246 = tpu.memref_slice %arg8[%dma_wait3A_244, %dma_wait3A_245] : memref<10008x16xf32, #tpu.memory_space<vmem_shared>> -> memref<10008x16xf32, #tpu.memory_space<vmem_shared>>
        tpu.wait_indirect_dma semaphore(%arg9 : memref<!tpu.dma_semaphore, #tpu.memory_space<semaphore_mem>>) src(%dma_wait3A_240 : memref<128x16xf32, #tpu.memory_space<vmem>>) dst(%dma_wait3A_246 : memref<10008x16xf32, #tpu.memory_space<vmem_shared>>)
      } else {
      }
    }
    %scan3A_24 = arith.constant 5 : i32
    %barrier3A_25 = arith.constant 0 : index
    tpu.barrier barrier_id(%barrier3A_25)
    %lt3A_26 = arith.constant 15 : i32
    %lt3A_27 = arith.cmpi slt, %arg1, %lt3A_26 : i32
    %convert_element_type3A_28 = arith.extui %lt3A_27 : i1 to i32
    %cond3A_29 = arith.constant 0 : i32
    %cond3A_30 = arith.cmpi ne, %convert_element_type3A_28, %cond3A_29 : i32
    scf.if %cond3A_30 {
      %mul3A_36 = arith.constant 640 : i32
      %mul3A_37 = arith.muli %arg1, %mul3A_36 : i32
      %mul3A_38 = arith.constant 10000 : i32
      %mul3A_39 = arith.muli %arg0, %mul3A_38 : i32
      %add3A_40 = arith.addi %mul3A_39, %mul3A_37 : i32
      "tpu.region"() ({
        %run_scoped3A = tpu.sem_alloc : memref<!tpu.dma_semaphore, #tpu.memory_space<semaphore_mem>>
        %dma_start3A = arith.constant 0 : i32
        %dma_start3A_41 = tpu.memref_slice %arg5[%add3A_40, %dma_start3A] : memref<20000x16xf32, #tpu.memory_space<hbm>> -> memref<640x16xf32, #tpu.memory_space<hbm>>
        %dma_start3A_42 = arith.constant 0 : i32
        %dma_start3A_43 = tpu.memref_slice %arg8[%mul3A_37, %dma_start3A_42] : memref<10008x16xf32, #tpu.memory_space<vmem_shared>> -> memref<640x16xf32, #tpu.memory_space<vmem_shared>>
        tpu.enqueue_dma source(%dma_start3A_43 : memref<640x16xf32, #tpu.memory_space<vmem_shared>>) target(%dma_start3A_41 : memref<640x16xf32, #tpu.memory_space<hbm>>) target_semaphore(%run_scoped3A : memref<!tpu.dma_semaphore, #tpu.memory_space<semaphore_mem>>)
        %dma_wait3A = arith.constant 0 : i32
        %dma_wait3A_44 = tpu.memref_slice %arg5[%add3A_40, %dma_wait3A] : memref<20000x16xf32, #tpu.memory_space<hbm>> -> memref<640x16xf32, #tpu.memory_space<hbm>>
        %dma_wait3A_45 = arith.constant 0 : i32
        %dma_wait3A_46 = tpu.memref_slice %arg8[%mul3A_37, %dma_wait3A_45] : memref<10008x16xf32, #tpu.memory_space<vmem_shared>> -> memref<640x16xf32, #tpu.memory_space<vmem_shared>>
        tpu.wait_dma2 semaphore(%run_scoped3A : memref<!tpu.dma_semaphore, #tpu.memory_space<semaphore_mem>>) src(%dma_wait3A_46 : memref<640x16xf32, #tpu.memory_space<vmem_shared>>) dst(%dma_wait3A_44 : memref<640x16xf32, #tpu.memory_space<hbm>>)
        tpu.yield
      }) : () -> ()
    } else {
    }
    %eq3A_31 = arith.constant 15 : i32
    %eq3A_32 = arith.cmpi eq, %arg1, %eq3A_31 : i32
    %convert_element_type3A_33 = arith.extui %eq3A_32 : i1 to i32
    %cond3A_34 = arith.constant 0 : i32
    %cond3A_35 = arith.cmpi ne, %convert_element_type3A_33, %cond3A_34 : i32
    scf.if %cond3A_35 {
      %mul3A_36 = arith.constant 10000 : i32
      %mul3A_37 = arith.muli %arg0, %mul3A_36 : i32
      %add3A_38 = arith.constant 9600 : i32
      %add3A_39 = arith.addi %mul3A_37, %add3A_38 : i32
      "tpu.region"() ({
        %run_scoped3A = tpu.sem_alloc : memref<!tpu.dma_semaphore, #tpu.memory_space<semaphore_mem>>
        %dma_start3A = arith.constant 0 : i32
        %dma_start3A_40 = tpu.memref_slice %arg5[%add3A_39, %dma_start3A] : memref<20000x16xf32, #tpu.memory_space<hbm>> -> memref<400x16xf32, #tpu.memory_space<hbm>>
        %dma_start3A_41 = arith.constant 9600 : i32
        %dma_start3A_42 = arith.constant 0 : i32
        %dma_start3A_43 = tpu.memref_slice %arg8[%dma_start3A_41, %dma_start3A_42] : memref<10008x16xf32, #tpu.memory_space<vmem_shared>> -> memref<400x16xf32, #tpu.memory_space<vmem_shared>>
        tpu.enqueue_dma source(%dma_start3A_43 : memref<400x16xf32, #tpu.memory_space<vmem_shared>>) target(%dma_start3A_40 : memref<400x16xf32, #tpu.memory_space<hbm>>) target_semaphore(%run_scoped3A : memref<!tpu.dma_semaphore, #tpu.memory_space<semaphore_mem>>)
        %dma_wait3A = arith.constant 0 : i32
        %dma_wait3A_44 = tpu.memref_slice %arg5[%add3A_39, %dma_wait3A] : memref<20000x16xf32, #tpu.memory_space<hbm>> -> memref<400x16xf32, #tpu.memory_space<hbm>>
        %dma_wait3A_45 = arith.constant 9600 : i32
        %dma_wait3A_46 = arith.constant 0 : i32
        %dma_wait3A_47 = tpu.memref_slice %arg8[%dma_wait3A_45, %dma_wait3A_46] : memref<10008x16xf32, #tpu.memory_space<vmem_shared>> -> memref<400x16xf32, #tpu.memory_space<vmem_shared>>
        tpu.wait_dma2 semaphore(%run_scoped3A : memref<!tpu.dma_semaphore, #tpu.memory_space<semaphore_mem>>) src(%dma_wait3A_47 : memref<400x16xf32, #tpu.memory_space<vmem_shared>>) dst(%dma_wait3A_44 : memref<400x16xf32, #tpu.memory_space<hbm>>)
        tpu.yield
      }) : () -> ()
    } else {
    }
    return
  }
}

#map = affine_map<(d0, d1) -> (0, 0)>
module attributes {stable_mosaic.version = 14 : i64} {
  func.func @scatter_k(%arg0: i32, %arg1: i32, %arg2: memref<327680x16xf32, #tpu.memory_space<hbm>>, %arg3: memref<2560x128xi32, #tpu.memory_space<hbm>>, %arg4: memref<10000x16xf32, #tpu.memory_space<hbm>>, %arg5: memref<20000x16xf32, #tpu.memory_space<hbm>>, %arg6: memref<16x128xi32, #tpu.memory_space<vmem>>, %arg7: memref<2048x16xf32, #tpu.memory_space<vmem>>, %arg8: memref<10008x16xf32, #tpu.memory_space<vmem_shared>>, %arg9: memref<!tpu.dma_semaphore, #tpu.memory_space<semaphore_mem>>) attributes {dimension_semantics = [#tpu.dimension_semantics<core_parallel>, #tpu.dimension_semantics<subcore_parallel>], iteration_bounds = array<i64: 2, 16>, scalar_prefetch = 0 : i64, scratch_operands = 4 : i64, tpu.core_type = #tpu.core_type<sc_vector_subcore>, window_params = [{transform_indices = #map}, {transform_indices = #map}, {transform_indices = #map}, {transform_indices = #map}]} {
    %mul3A = arith.constant 2 : i32
    %mul3A_0 = arith.muli %arg1, %mul3A : i32
    %add3A = arith.addi %mul3A_0, %arg0 : i32
    %lt3A = arith.constant 15 : i32
    %lt3A_1 = arith.cmpi slt, %arg1, %lt3A : i32
    %convert_element_type3A = arith.extui %lt3A_1 : i1 to i32
    %cond3A = arith.constant 0 : i32
    %cond3A_2 = arith.cmpi ne, %convert_element_type3A, %cond3A : i32
    scf.if %cond3A_2 {
      %mul3A_36 = arith.constant 640 : i32
      %mul3A_37 = arith.muli %arg1, %mul3A_36 : i32
      "tpu.region"() ({
        %run_scoped3A = tpu.sem_alloc : memref<!tpu.dma_semaphore, #tpu.memory_space<semaphore_mem>>
        %dma_start3A = arith.constant 0 : i32
        %dma_start3A_38 = tpu.memref_slice %arg8[%mul3A_37, %dma_start3A] : memref<10008x16xf32, #tpu.memory_space<vmem_shared>> -> memref<640x16xf32, #tpu.memory_space<vmem_shared>>
        %dma_start3A_39 = arith.constant 0 : i32
        %dma_start3A_40 = tpu.memref_slice %arg4[%mul3A_37, %dma_start3A_39] : memref<10000x16xf32, #tpu.memory_space<hbm>> -> memref<640x16xf32, #tpu.memory_space<hbm>>
        tpu.enqueue_dma source(%dma_start3A_40 : memref<640x16xf32, #tpu.memory_space<hbm>>) target(%dma_start3A_38 : memref<640x16xf32, #tpu.memory_space<vmem_shared>>) target_semaphore(%run_scoped3A : memref<!tpu.dma_semaphore, #tpu.memory_space<semaphore_mem>>)
        %dma_wait3A = arith.constant 0 : i32
        %dma_wait3A_41 = tpu.memref_slice %arg8[%mul3A_37, %dma_wait3A] : memref<10008x16xf32, #tpu.memory_space<vmem_shared>> -> memref<640x16xf32, #tpu.memory_space<vmem_shared>>
        %dma_wait3A_42 = arith.constant 0 : i32
        %dma_wait3A_43 = tpu.memref_slice %arg4[%mul3A_37, %dma_wait3A_42] : memref<10000x16xf32, #tpu.memory_space<hbm>> -> memref<640x16xf32, #tpu.memory_space<hbm>>
        tpu.wait_dma2 semaphore(%run_scoped3A : memref<!tpu.dma_semaphore, #tpu.memory_space<semaphore_mem>>) src(%dma_wait3A_43 : memref<640x16xf32, #tpu.memory_space<hbm>>) dst(%dma_wait3A_41 : memref<640x16xf32, #tpu.memory_space<vmem_shared>>)
        tpu.yield
      }) : () -> ()
    } else {
    }
    %eq3A = arith.constant 15 : i32
    %eq3A_3 = arith.cmpi eq, %arg1, %eq3A : i32
    %convert_element_type3A_4 = arith.extui %eq3A_3 : i1 to i32
    %cond3A_5 = arith.constant 0 : i32
    %cond3A_6 = arith.cmpi ne, %convert_element_type3A_4, %cond3A_5 : i32
    scf.if %cond3A_6 {
      "tpu.region"() ({
        %run_scoped3A = tpu.sem_alloc : memref<!tpu.dma_semaphore, #tpu.memory_space<semaphore_mem>>
        %dma_start3A = arith.constant 9600 : i32
        %dma_start3A_36 = arith.constant 0 : i32
        %dma_start3A_37 = tpu.memref_slice %arg8[%dma_start3A, %dma_start3A_36] : memref<10008x16xf32, #tpu.memory_space<vmem_shared>> -> memref<400x16xf32, #tpu.memory_space<vmem_shared>>
        %dma_start3A_38 = arith.constant 9600 : i32
        %dma_start3A_39 = arith.constant 0 : i32
        %dma_start3A_40 = tpu.memref_slice %arg4[%dma_start3A_38, %dma_start3A_39] : memref<10000x16xf32, #tpu.memory_space<hbm>> -> memref<400x16xf32, #tpu.memory_space<hbm>>
        tpu.enqueue_dma source(%dma_start3A_40 : memref<400x16xf32, #tpu.memory_space<hbm>>) target(%dma_start3A_37 : memref<400x16xf32, #tpu.memory_space<vmem_shared>>) target_semaphore(%run_scoped3A : memref<!tpu.dma_semaphore, #tpu.memory_space<semaphore_mem>>)
        %dma_wait3A = arith.constant 9600 : i32
        %dma_wait3A_41 = arith.constant 0 : i32
        %dma_wait3A_42 = tpu.memref_slice %arg8[%dma_wait3A, %dma_wait3A_41] : memref<10008x16xf32, #tpu.memory_space<vmem_shared>> -> memref<400x16xf32, #tpu.memory_space<vmem_shared>>
        %dma_wait3A_43 = arith.constant 9600 : i32
        %dma_wait3A_44 = arith.constant 0 : i32
        %dma_wait3A_45 = tpu.memref_slice %arg4[%dma_wait3A_43, %dma_wait3A_44] : memref<10000x16xf32, #tpu.memory_space<hbm>> -> memref<400x16xf32, #tpu.memory_space<hbm>>
        tpu.wait_dma2 semaphore(%run_scoped3A : memref<!tpu.dma_semaphore, #tpu.memory_space<semaphore_mem>>) src(%dma_wait3A_45 : memref<400x16xf32, #tpu.memory_space<hbm>>) dst(%dma_wait3A_42 : memref<400x16xf32, #tpu.memory_space<vmem_shared>>)
        tpu.yield
      }) : () -> ()
    } else {
    }
    %barrier3A = arith.constant 0 : index
    tpu.barrier barrier_id(%barrier3A)
    %mul3A_7 = arith.constant 10 : i32
    %mul3A_8 = arith.muli %add3A, %mul3A_7 : i32
    %min3A = arith.constant 0 : i32
    %min3A_9 = arith.minsi %add3A, %min3A : i32
    %add3A_10 = arith.addi %mul3A_8, %min3A_9 : i32
    %mul3A_11 = arith.constant 8 : i32
    %mul3A_12 = arith.muli %mul3A_11, %add3A_10 : i32
    %lt3A_13 = arith.constant 0 : i32
    %lt3A_14 = arith.cmpi slt, %add3A, %lt3A_13 : i32
    %convert_element_type3A_15 = arith.extui %lt3A_14 : i1 to i32
    %add3A_16 = arith.constant 10 : i32
    %add3A_17 = arith.addi %add3A_16, %convert_element_type3A_15 : i32
    %mul3A_18 = arith.constant 8 : i32
    %mul3A_19 = arith.muli %mul3A_18, %add3A_17 : i32
    %scan3A = arith.constant 0 : i32
    %scan3A_20 = arith.constant 0 : i32
    %scan3A_21 = arith.constant 5 : i32
    %scan3A_22 = arith.addi %scan3A_20, %scan3A_21 : i32
    %scan3A_23 = arith.constant 1 : i32
    scf.for %scan3A_36 = %scan3A_20 to %scan3A_22 step %scan3A_23  : i32 {
      %mul3A_37 = arith.constant 16 : i32
      %mul3A_38 = arith.muli %scan3A_36, %mul3A_37 : i32
      %add3A_39 = arith.addi %mul3A_12, %mul3A_38 : i32
      %add3A_40 = arith.addi %mul3A_12, %mul3A_19 : i32
      %sub3A = arith.constant 16 : i32
      %sub3A_41 = arith.subi %add3A_40, %sub3A : i32
      %min3A_42 = arith.minsi %add3A_39, %sub3A_41 : i32
      "tpu.region"() ({
        %run_scoped3A = tpu.sem_alloc : memref<!tpu.dma_semaphore, #tpu.memory_space<semaphore_mem>>
        %dma_start3A = arith.constant 0 : i32
        %dma_start3A_238 = tpu.memref_slice %arg3[%min3A_42, %dma_start3A] : memref<2560x128xi32, #tpu.memory_space<hbm>> -> memref<16x128xi32, #tpu.memory_space<hbm>>
        %dma_start3A_239 = arith.constant 0 : i32
        %dma_start3A_240 = tpu.memref_slice %arg3[%min3A_42, %dma_start3A_239] : memref<2560x128xi32, #tpu.memory_space<hbm>> -> memref<16x128xi32, #tpu.memory_space<hbm>>
        tpu.enqueue_dma source(%dma_start3A_240 : memref<16x128xi32, #tpu.memory_space<hbm>>) target(%arg6 : memref<16x128xi32, #tpu.memory_space<vmem>>) target_semaphore(%run_scoped3A : memref<!tpu.dma_semaphore, #tpu.memory_space<semaphore_mem>>)
        %dma_wait3A = arith.constant 0 : i32
        %dma_wait3A_241 = tpu.memref_slice %arg3[%min3A_42, %dma_wait3A] : memref<2560x128xi32, #tpu.memory_space<hbm>> -> memref<16x128xi32, #tpu.memory_space<hbm>>
        %dma_wait3A_242 = arith.constant 0 : i32
        %dma_wait3A_243 = tpu.memref_slice %arg3[%min3A_42, %dma_wait3A_242] : memref<2560x128xi32, #tpu.memory_space<hbm>> -> memref<16x128xi32, #tpu.memory_space<hbm>>
        tpu.wait_dma2 semaphore(%run_scoped3A : memref<!tpu.dma_semaphore, #tpu.memory_space<semaphore_mem>>) src(%dma_wait3A_243 : memref<16x128xi32, #tpu.memory_space<hbm>>) dst(%arg6 : memref<16x128xi32, #tpu.memory_space<vmem>>)
        tpu.yield
      }) : () -> ()
      %mul3A_43 = arith.constant 128 : i32
      %mul3A_44 = arith.muli %min3A_42, %mul3A_43 : i32
      %add3A_45 = arith.constant 0 : i32
      %add3A_46 = arith.addi %add3A_45, %mul3A_44 : i32
      "tpu.region"() ({
        %run_scoped3A = tpu.sem_alloc : memref<!tpu.dma_semaphore, #tpu.memory_space<semaphore_mem>>
        %dma_start3A = arith.constant 0 : i32
        %dma_start3A_238 = tpu.memref_slice %arg2[%add3A_46, %dma_start3A] : memref<327680x16xf32, #tpu.memory_space<hbm>> -> memref<2048x16xf32, #tpu.memory_space<hbm>>
        %dma_start3A_239 = arith.constant 0 : i32
        %dma_start3A_240 = tpu.memref_slice %arg2[%add3A_46, %dma_start3A_239] : memref<327680x16xf32, #tpu.memory_space<hbm>> -> memref<2048x16xf32, #tpu.memory_space<hbm>>
        tpu.enqueue_dma source(%dma_start3A_240 : memref<2048x16xf32, #tpu.memory_space<hbm>>) target(%arg7 : memref<2048x16xf32, #tpu.memory_space<vmem>>) target_semaphore(%run_scoped3A : memref<!tpu.dma_semaphore, #tpu.memory_space<semaphore_mem>>)
        %dma_wait3A = arith.constant 0 : i32
        %dma_wait3A_241 = tpu.memref_slice %arg2[%add3A_46, %dma_wait3A] : memref<327680x16xf32, #tpu.memory_space<hbm>> -> memref<2048x16xf32, #tpu.memory_space<hbm>>
        %dma_wait3A_242 = arith.constant 0 : i32
        %dma_wait3A_243 = tpu.memref_slice %arg2[%add3A_46, %dma_wait3A_242] : memref<327680x16xf32, #tpu.memory_space<hbm>> -> memref<2048x16xf32, #tpu.memory_space<hbm>>
        tpu.wait_dma2 semaphore(%run_scoped3A : memref<!tpu.dma_semaphore, #tpu.memory_space<semaphore_mem>>) src(%dma_wait3A_243 : memref<2048x16xf32, #tpu.memory_space<hbm>>) dst(%arg7 : memref<2048x16xf32, #tpu.memory_space<vmem>>)
        tpu.yield
      }) : () -> ()
      %add3A_47 = arith.constant 0 : i32
      %add3A_48 = arith.addi %min3A_42, %add3A_47 : i32
      %ge3A = arith.cmpi sge, %add3A_48, %add3A_39 : i32
      %convert_element_type3A_49 = arith.extui %ge3A : i1 to i32
      %cond3A_50 = arith.constant 0 : i32
      %cond3A_51 = arith.cmpi ne, %convert_element_type3A_49, %cond3A_50 : i32
      scf.if %cond3A_51 {
        %dma_start3A = arith.constant 0 : i32
        %dma_start3A_238 = arith.constant 0 : i32
        %dma_start3A_239 = arith.constant 0 : i32
        %dma_start3A_240 = tpu.memref_slice %arg7[%dma_start3A_238, %dma_start3A_239] : memref<2048x16xf32, #tpu.memory_space<vmem>> -> memref<128x16xf32, #tpu.memory_space<vmem>>
        %dma_start3A_241 = arith.constant 0 : i32
        %dma_start3A_242 = tpu.memref_slice %arg6[%dma_start3A, %dma_start3A_241] : memref<16x128xi32, #tpu.memory_space<vmem>> -> memref<1x128xi32, #tpu.memory_space<vmem>>
        %dma_start3A_243 = tpu.memref_squeeze %dma_start3A_242 : memref<1x128xi32, #tpu.memory_space<vmem>> -> memref<128xi32, #tpu.memory_space<vmem>>
        %dma_start3A_244 = arith.constant 0 : i32
        %dma_start3A_245 = arith.constant 0 : i32
        %dma_start3A_246 = tpu.memref_slice %arg8[%dma_start3A_244, %dma_start3A_245] : memref<10008x16xf32, #tpu.memory_space<vmem_shared>> -> memref<10008x16xf32, #tpu.memory_space<vmem_shared>>
        tpu.enqueue_indirect_dma source(%dma_start3A_240 : memref<128x16xf32, #tpu.memory_space<vmem>>) target(%dma_start3A_246 : memref<10008x16xf32, #tpu.memory_space<vmem_shared>>) offsets(%dma_start3A_243 : memref<128xi32, #tpu.memory_space<vmem>>) semaphore(%arg9 : memref<!tpu.dma_semaphore, #tpu.memory_space<semaphore_mem>>) {add = true}
      } else {
      }
      %add3A_52 = arith.constant 1 : i32
      %add3A_53 = arith.addi %min3A_42, %add3A_52 : i32
      %ge3A_54 = arith.cmpi sge, %add3A_53, %add3A_39 : i32
      %convert_element_type3A_55 = arith.extui %ge3A_54 : i1 to i32
      %cond3A_56 = arith.constant 0 : i32
      %cond3A_57 = arith.cmpi ne, %convert_element_type3A_55, %cond3A_56 : i32
      scf.if %cond3A_57 {
        %dma_start3A = arith.constant 1 : i32
        %dma_start3A_238 = arith.constant 128 : i32
        %dma_start3A_239 = arith.constant 0 : i32
        %dma_start3A_240 = tpu.memref_slice %arg7[%dma_start3A_238, %dma_start3A_239] : memref<2048x16xf32, #tpu.memory_space<vmem>> -> memref<128x16xf32, #tpu.memory_space<vmem>>
        %dma_start3A_241 = arith.constant 0 : i32
        %dma_start3A_242 = tpu.memref_slice %arg6[%dma_start3A, %dma_start3A_241] : memref<16x128xi32, #tpu.memory_space<vmem>> -> memref<1x128xi32, #tpu.memory_space<vmem>>
        %dma_start3A_243 = tpu.memref_squeeze %dma_start3A_242 : memref<1x128xi32, #tpu.memory_space<vmem>> -> memref<128xi32, #tpu.memory_space<vmem>>
        %dma_start3A_244 = arith.constant 0 : i32
        %dma_start3A_245 = arith.constant 0 : i32
        %dma_start3A_246 = tpu.memref_slice %arg8[%dma_start3A_244, %dma_start3A_245] : memref<10008x16xf32, #tpu.memory_space<vmem_shared>> -> memref<10008x16xf32, #tpu.memory_space<vmem_shared>>
        tpu.enqueue_indirect_dma source(%dma_start3A_240 : memref<128x16xf32, #tpu.memory_space<vmem>>) target(%dma_start3A_246 : memref<10008x16xf32, #tpu.memory_space<vmem_shared>>) offsets(%dma_start3A_243 : memref<128xi32, #tpu.memory_space<vmem>>) semaphore(%arg9 : memref<!tpu.dma_semaphore, #tpu.memory_space<semaphore_mem>>) {add = true}
      } else {
      }
      %add3A_58 = arith.constant 2 : i32
      %add3A_59 = arith.addi %min3A_42, %add3A_58 : i32
      %ge3A_60 = arith.cmpi sge, %add3A_59, %add3A_39 : i32
      %convert_element_type3A_61 = arith.extui %ge3A_60 : i1 to i32
      %cond3A_62 = arith.constant 0 : i32
      %cond3A_63 = arith.cmpi ne, %convert_element_type3A_61, %cond3A_62 : i32
      scf.if %cond3A_63 {
        %dma_start3A = arith.constant 2 : i32
        %dma_start3A_238 = arith.constant 256 : i32
        %dma_start3A_239 = arith.constant 0 : i32
        %dma_start3A_240 = tpu.memref_slice %arg7[%dma_start3A_238, %dma_start3A_239] : memref<2048x16xf32, #tpu.memory_space<vmem>> -> memref<128x16xf32, #tpu.memory_space<vmem>>
        %dma_start3A_241 = arith.constant 0 : i32
        %dma_start3A_242 = tpu.memref_slice %arg6[%dma_start3A, %dma_start3A_241] : memref<16x128xi32, #tpu.memory_space<vmem>> -> memref<1x128xi32, #tpu.memory_space<vmem>>
        %dma_start3A_243 = tpu.memref_squeeze %dma_start3A_242 : memref<1x128xi32, #tpu.memory_space<vmem>> -> memref<128xi32, #tpu.memory_space<vmem>>
        %dma_start3A_244 = arith.constant 0 : i32
        %dma_start3A_245 = arith.constant 0 : i32
        %dma_start3A_246 = tpu.memref_slice %arg8[%dma_start3A_244, %dma_start3A_245] : memref<10008x16xf32, #tpu.memory_space<vmem_shared>> -> memref<10008x16xf32, #tpu.memory_space<vmem_shared>>
        tpu.enqueue_indirect_dma source(%dma_start3A_240 : memref<128x16xf32, #tpu.memory_space<vmem>>) target(%dma_start3A_246 : memref<10008x16xf32, #tpu.memory_space<vmem_shared>>) offsets(%dma_start3A_243 : memref<128xi32, #tpu.memory_space<vmem>>) semaphore(%arg9 : memref<!tpu.dma_semaphore, #tpu.memory_space<semaphore_mem>>) {add = true}
      } else {
      }
      %add3A_64 = arith.constant 3 : i32
      %add3A_65 = arith.addi %min3A_42, %add3A_64 : i32
      %ge3A_66 = arith.cmpi sge, %add3A_65, %add3A_39 : i32
      %convert_element_type3A_67 = arith.extui %ge3A_66 : i1 to i32
      %cond3A_68 = arith.constant 0 : i32
      %cond3A_69 = arith.cmpi ne, %convert_element_type3A_67, %cond3A_68 : i32
      scf.if %cond3A_69 {
        %dma_start3A = arith.constant 3 : i32
        %dma_start3A_238 = arith.constant 384 : i32
        %dma_start3A_239 = arith.constant 0 : i32
        %dma_start3A_240 = tpu.memref_slice %arg7[%dma_start3A_238, %dma_start3A_239] : memref<2048x16xf32, #tpu.memory_space<vmem>> -> memref<128x16xf32, #tpu.memory_space<vmem>>
        %dma_start3A_241 = arith.constant 0 : i32
        %dma_start3A_242 = tpu.memref_slice %arg6[%dma_start3A, %dma_start3A_241] : memref<16x128xi32, #tpu.memory_space<vmem>> -> memref<1x128xi32, #tpu.memory_space<vmem>>
        %dma_start3A_243 = tpu.memref_squeeze %dma_start3A_242 : memref<1x128xi32, #tpu.memory_space<vmem>> -> memref<128xi32, #tpu.memory_space<vmem>>
        %dma_start3A_244 = arith.constant 0 : i32
        %dma_start3A_245 = arith.constant 0 : i32
        %dma_start3A_246 = tpu.memref_slice %arg8[%dma_start3A_244, %dma_start3A_245] : memref<10008x16xf32, #tpu.memory_space<vmem_shared>> -> memref<10008x16xf32, #tpu.memory_space<vmem_shared>>
        tpu.enqueue_indirect_dma source(%dma_start3A_240 : memref<128x16xf32, #tpu.memory_space<vmem>>) target(%dma_start3A_246 : memref<10008x16xf32, #tpu.memory_space<vmem_shared>>) offsets(%dma_start3A_243 : memref<128xi32, #tpu.memory_space<vmem>>) semaphore(%arg9 : memref<!tpu.dma_semaphore, #tpu.memory_space<semaphore_mem>>) {add = true}
      } else {
      }
      %add3A_70 = arith.constant 4 : i32
      %add3A_71 = arith.addi %min3A_42, %add3A_70 : i32
      %ge3A_72 = arith.cmpi sge, %add3A_71, %add3A_39 : i32
      %convert_element_type3A_73 = arith.extui %ge3A_72 : i1 to i32
      %cond3A_74 = arith.constant 0 : i32
      %cond3A_75 = arith.cmpi ne, %convert_element_type3A_73, %cond3A_74 : i32
      scf.if %cond3A_75 {
        %dma_start3A = arith.constant 4 : i32
        %dma_start3A_238 = arith.constant 512 : i32
        %dma_start3A_239 = arith.constant 0 : i32
        %dma_start3A_240 = tpu.memref_slice %arg7[%dma_start3A_238, %dma_start3A_239] : memref<2048x16xf32, #tpu.memory_space<vmem>> -> memref<128x16xf32, #tpu.memory_space<vmem>>
        %dma_start3A_241 = arith.constant 0 : i32
        %dma_start3A_242 = tpu.memref_slice %arg6[%dma_start3A, %dma_start3A_241] : memref<16x128xi32, #tpu.memory_space<vmem>> -> memref<1x128xi32, #tpu.memory_space<vmem>>
        %dma_start3A_243 = tpu.memref_squeeze %dma_start3A_242 : memref<1x128xi32, #tpu.memory_space<vmem>> -> memref<128xi32, #tpu.memory_space<vmem>>
        %dma_start3A_244 = arith.constant 0 : i32
        %dma_start3A_245 = arith.constant 0 : i32
        %dma_start3A_246 = tpu.memref_slice %arg8[%dma_start3A_244, %dma_start3A_245] : memref<10008x16xf32, #tpu.memory_space<vmem_shared>> -> memref<10008x16xf32, #tpu.memory_space<vmem_shared>>
        tpu.enqueue_indirect_dma source(%dma_start3A_240 : memref<128x16xf32, #tpu.memory_space<vmem>>) target(%dma_start3A_246 : memref<10008x16xf32, #tpu.memory_space<vmem_shared>>) offsets(%dma_start3A_243 : memref<128xi32, #tpu.memory_space<vmem>>) semaphore(%arg9 : memref<!tpu.dma_semaphore, #tpu.memory_space<semaphore_mem>>) {add = true}
      } else {
      }
      %add3A_76 = arith.constant 5 : i32
      %add3A_77 = arith.addi %min3A_42, %add3A_76 : i32
      %ge3A_78 = arith.cmpi sge, %add3A_77, %add3A_39 : i32
      %convert_element_type3A_79 = arith.extui %ge3A_78 : i1 to i32
      %cond3A_80 = arith.constant 0 : i32
      %cond3A_81 = arith.cmpi ne, %convert_element_type3A_79, %cond3A_80 : i32
      scf.if %cond3A_81 {
        %dma_start3A = arith.constant 5 : i32
        %dma_start3A_238 = arith.constant 640 : i32
        %dma_start3A_239 = arith.constant 0 : i32
        %dma_start3A_240 = tpu.memref_slice %arg7[%dma_start3A_238, %dma_start3A_239] : memref<2048x16xf32, #tpu.memory_space<vmem>> -> memref<128x16xf32, #tpu.memory_space<vmem>>
        %dma_start3A_241 = arith.constant 0 : i32
        %dma_start3A_242 = tpu.memref_slice %arg6[%dma_start3A, %dma_start3A_241] : memref<16x128xi32, #tpu.memory_space<vmem>> -> memref<1x128xi32, #tpu.memory_space<vmem>>
        %dma_start3A_243 = tpu.memref_squeeze %dma_start3A_242 : memref<1x128xi32, #tpu.memory_space<vmem>> -> memref<128xi32, #tpu.memory_space<vmem>>
        %dma_start3A_244 = arith.constant 0 : i32
        %dma_start3A_245 = arith.constant 0 : i32
        %dma_start3A_246 = tpu.memref_slice %arg8[%dma_start3A_244, %dma_start3A_245] : memref<10008x16xf32, #tpu.memory_space<vmem_shared>> -> memref<10008x16xf32, #tpu.memory_space<vmem_shared>>
        tpu.enqueue_indirect_dma source(%dma_start3A_240 : memref<128x16xf32, #tpu.memory_space<vmem>>) target(%dma_start3A_246 : memref<10008x16xf32, #tpu.memory_space<vmem_shared>>) offsets(%dma_start3A_243 : memref<128xi32, #tpu.memory_space<vmem>>) semaphore(%arg9 : memref<!tpu.dma_semaphore, #tpu.memory_space<semaphore_mem>>) {add = true}
      } else {
      }
      %add3A_82 = arith.constant 6 : i32
      %add3A_83 = arith.addi %min3A_42, %add3A_82 : i32
      %ge3A_84 = arith.cmpi sge, %add3A_83, %add3A_39 : i32
      %convert_element_type3A_85 = arith.extui %ge3A_84 : i1 to i32
      %cond3A_86 = arith.constant 0 : i32
      %cond3A_87 = arith.cmpi ne, %convert_element_type3A_85, %cond3A_86 : i32
      scf.if %cond3A_87 {
        %dma_start3A = arith.constant 6 : i32
        %dma_start3A_238 = arith.constant 768 : i32
        %dma_start3A_239 = arith.constant 0 : i32
        %dma_start3A_240 = tpu.memref_slice %arg7[%dma_start3A_238, %dma_start3A_239] : memref<2048x16xf32, #tpu.memory_space<vmem>> -> memref<128x16xf32, #tpu.memory_space<vmem>>
        %dma_start3A_241 = arith.constant 0 : i32
        %dma_start3A_242 = tpu.memref_slice %arg6[%dma_start3A, %dma_start3A_241] : memref<16x128xi32, #tpu.memory_space<vmem>> -> memref<1x128xi32, #tpu.memory_space<vmem>>
        %dma_start3A_243 = tpu.memref_squeeze %dma_start3A_242 : memref<1x128xi32, #tpu.memory_space<vmem>> -> memref<128xi32, #tpu.memory_space<vmem>>
        %dma_start3A_244 = arith.constant 0 : i32
        %dma_start3A_245 = arith.constant 0 : i32
        %dma_start3A_246 = tpu.memref_slice %arg8[%dma_start3A_244, %dma_start3A_245] : memref<10008x16xf32, #tpu.memory_space<vmem_shared>> -> memref<10008x16xf32, #tpu.memory_space<vmem_shared>>
        tpu.enqueue_indirect_dma source(%dma_start3A_240 : memref<128x16xf32, #tpu.memory_space<vmem>>) target(%dma_start3A_246 : memref<10008x16xf32, #tpu.memory_space<vmem_shared>>) offsets(%dma_start3A_243 : memref<128xi32, #tpu.memory_space<vmem>>) semaphore(%arg9 : memref<!tpu.dma_semaphore, #tpu.memory_space<semaphore_mem>>) {add = true}
      } else {
      }
      %add3A_88 = arith.constant 7 : i32
      %add3A_89 = arith.addi %min3A_42, %add3A_88 : i32
      %ge3A_90 = arith.cmpi sge, %add3A_89, %add3A_39 : i32
      %convert_element_type3A_91 = arith.extui %ge3A_90 : i1 to i32
      %cond3A_92 = arith.constant 0 : i32
      %cond3A_93 = arith.cmpi ne, %convert_element_type3A_91, %cond3A_92 : i32
      scf.if %cond3A_93 {
        %dma_start3A = arith.constant 7 : i32
        %dma_start3A_238 = arith.constant 896 : i32
        %dma_start3A_239 = arith.constant 0 : i32
        %dma_start3A_240 = tpu.memref_slice %arg7[%dma_start3A_238, %dma_start3A_239] : memref<2048x16xf32, #tpu.memory_space<vmem>> -> memref<128x16xf32, #tpu.memory_space<vmem>>
        %dma_start3A_241 = arith.constant 0 : i32
        %dma_start3A_242 = tpu.memref_slice %arg6[%dma_start3A, %dma_start3A_241] : memref<16x128xi32, #tpu.memory_space<vmem>> -> memref<1x128xi32, #tpu.memory_space<vmem>>
        %dma_start3A_243 = tpu.memref_squeeze %dma_start3A_242 : memref<1x128xi32, #tpu.memory_space<vmem>> -> memref<128xi32, #tpu.memory_space<vmem>>
        %dma_start3A_244 = arith.constant 0 : i32
        %dma_start3A_245 = arith.constant 0 : i32
        %dma_start3A_246 = tpu.memref_slice %arg8[%dma_start3A_244, %dma_start3A_245] : memref<10008x16xf32, #tpu.memory_space<vmem_shared>> -> memref<10008x16xf32, #tpu.memory_space<vmem_shared>>
        tpu.enqueue_indirect_dma source(%dma_start3A_240 : memref<128x16xf32, #tpu.memory_space<vmem>>) target(%dma_start3A_246 : memref<10008x16xf32, #tpu.memory_space<vmem_shared>>) offsets(%dma_start3A_243 : memref<128xi32, #tpu.memory_space<vmem>>) semaphore(%arg9 : memref<!tpu.dma_semaphore, #tpu.memory_space<semaphore_mem>>) {add = true}
      } else {
      }
      %add3A_94 = arith.constant 8 : i32
      %add3A_95 = arith.addi %min3A_42, %add3A_94 : i32
      %ge3A_96 = arith.cmpi sge, %add3A_95, %add3A_39 : i32
      %convert_element_type3A_97 = arith.extui %ge3A_96 : i1 to i32
      %cond3A_98 = arith.constant 0 : i32
      %cond3A_99 = arith.cmpi ne, %convert_element_type3A_97, %cond3A_98 : i32
      scf.if %cond3A_99 {
        %dma_start3A = arith.constant 8 : i32
        %dma_start3A_238 = arith.constant 1024 : i32
        %dma_start3A_239 = arith.constant 0 : i32
        %dma_start3A_240 = tpu.memref_slice %arg7[%dma_start3A_238, %dma_start3A_239] : memref<2048x16xf32, #tpu.memory_space<vmem>> -> memref<128x16xf32, #tpu.memory_space<vmem>>
        %dma_start3A_241 = arith.constant 0 : i32
        %dma_start3A_242 = tpu.memref_slice %arg6[%dma_start3A, %dma_start3A_241] : memref<16x128xi32, #tpu.memory_space<vmem>> -> memref<1x128xi32, #tpu.memory_space<vmem>>
        %dma_start3A_243 = tpu.memref_squeeze %dma_start3A_242 : memref<1x128xi32, #tpu.memory_space<vmem>> -> memref<128xi32, #tpu.memory_space<vmem>>
        %dma_start3A_244 = arith.constant 0 : i32
        %dma_start3A_245 = arith.constant 0 : i32
        %dma_start3A_246 = tpu.memref_slice %arg8[%dma_start3A_244, %dma_start3A_245] : memref<10008x16xf32, #tpu.memory_space<vmem_shared>> -> memref<10008x16xf32, #tpu.memory_space<vmem_shared>>
        tpu.enqueue_indirect_dma source(%dma_start3A_240 : memref<128x16xf32, #tpu.memory_space<vmem>>) target(%dma_start3A_246 : memref<10008x16xf32, #tpu.memory_space<vmem_shared>>) offsets(%dma_start3A_243 : memref<128xi32, #tpu.memory_space<vmem>>) semaphore(%arg9 : memref<!tpu.dma_semaphore, #tpu.memory_space<semaphore_mem>>) {add = true}
      } else {
      }
      %add3A_100 = arith.constant 9 : i32
      %add3A_101 = arith.addi %min3A_42, %add3A_100 : i32
      %ge3A_102 = arith.cmpi sge, %add3A_101, %add3A_39 : i32
      %convert_element_type3A_103 = arith.extui %ge3A_102 : i1 to i32
      %cond3A_104 = arith.constant 0 : i32
      %cond3A_105 = arith.cmpi ne, %convert_element_type3A_103, %cond3A_104 : i32
      scf.if %cond3A_105 {
        %dma_start3A = arith.constant 9 : i32
        %dma_start3A_238 = arith.constant 1152 : i32
        %dma_start3A_239 = arith.constant 0 : i32
        %dma_start3A_240 = tpu.memref_slice %arg7[%dma_start3A_238, %dma_start3A_239] : memref<2048x16xf32, #tpu.memory_space<vmem>> -> memref<128x16xf32, #tpu.memory_space<vmem>>
        %dma_start3A_241 = arith.constant 0 : i32
        %dma_start3A_242 = tpu.memref_slice %arg6[%dma_start3A, %dma_start3A_241] : memref<16x128xi32, #tpu.memory_space<vmem>> -> memref<1x128xi32, #tpu.memory_space<vmem>>
        %dma_start3A_243 = tpu.memref_squeeze %dma_start3A_242 : memref<1x128xi32, #tpu.memory_space<vmem>> -> memref<128xi32, #tpu.memory_space<vmem>>
        %dma_start3A_244 = arith.constant 0 : i32
        %dma_start3A_245 = arith.constant 0 : i32
        %dma_start3A_246 = tpu.memref_slice %arg8[%dma_start3A_244, %dma_start3A_245] : memref<10008x16xf32, #tpu.memory_space<vmem_shared>> -> memref<10008x16xf32, #tpu.memory_space<vmem_shared>>
        tpu.enqueue_indirect_dma source(%dma_start3A_240 : memref<128x16xf32, #tpu.memory_space<vmem>>) target(%dma_start3A_246 : memref<10008x16xf32, #tpu.memory_space<vmem_shared>>) offsets(%dma_start3A_243 : memref<128xi32, #tpu.memory_space<vmem>>) semaphore(%arg9 : memref<!tpu.dma_semaphore, #tpu.memory_space<semaphore_mem>>) {add = true}
      } else {
      }
      %add3A_106 = arith.constant 10 : i32
      %add3A_107 = arith.addi %min3A_42, %add3A_106 : i32
      %ge3A_108 = arith.cmpi sge, %add3A_107, %add3A_39 : i32
      %convert_element_type3A_109 = arith.extui %ge3A_108 : i1 to i32
      %cond3A_110 = arith.constant 0 : i32
      %cond3A_111 = arith.cmpi ne, %convert_element_type3A_109, %cond3A_110 : i32
      scf.if %cond3A_111 {
        %dma_start3A = arith.constant 10 : i32
        %dma_start3A_238 = arith.constant 1280 : i32
        %dma_start3A_239 = arith.constant 0 : i32
        %dma_start3A_240 = tpu.memref_slice %arg7[%dma_start3A_238, %dma_start3A_239] : memref<2048x16xf32, #tpu.memory_space<vmem>> -> memref<128x16xf32, #tpu.memory_space<vmem>>
        %dma_start3A_241 = arith.constant 0 : i32
        %dma_start3A_242 = tpu.memref_slice %arg6[%dma_start3A, %dma_start3A_241] : memref<16x128xi32, #tpu.memory_space<vmem>> -> memref<1x128xi32, #tpu.memory_space<vmem>>
        %dma_start3A_243 = tpu.memref_squeeze %dma_start3A_242 : memref<1x128xi32, #tpu.memory_space<vmem>> -> memref<128xi32, #tpu.memory_space<vmem>>
        %dma_start3A_244 = arith.constant 0 : i32
        %dma_start3A_245 = arith.constant 0 : i32
        %dma_start3A_246 = tpu.memref_slice %arg8[%dma_start3A_244, %dma_start3A_245] : memref<10008x16xf32, #tpu.memory_space<vmem_shared>> -> memref<10008x16xf32, #tpu.memory_space<vmem_shared>>
        tpu.enqueue_indirect_dma source(%dma_start3A_240 : memref<128x16xf32, #tpu.memory_space<vmem>>) target(%dma_start3A_246 : memref<10008x16xf32, #tpu.memory_space<vmem_shared>>) offsets(%dma_start3A_243 : memref<128xi32, #tpu.memory_space<vmem>>) semaphore(%arg9 : memref<!tpu.dma_semaphore, #tpu.memory_space<semaphore_mem>>) {add = true}
      } else {
      }
      %add3A_112 = arith.constant 11 : i32
      %add3A_113 = arith.addi %min3A_42, %add3A_112 : i32
      %ge3A_114 = arith.cmpi sge, %add3A_113, %add3A_39 : i32
      %convert_element_type3A_115 = arith.extui %ge3A_114 : i1 to i32
      %cond3A_116 = arith.constant 0 : i32
      %cond3A_117 = arith.cmpi ne, %convert_element_type3A_115, %cond3A_116 : i32
      scf.if %cond3A_117 {
        %dma_start3A = arith.constant 11 : i32
        %dma_start3A_238 = arith.constant 1408 : i32
        %dma_start3A_239 = arith.constant 0 : i32
        %dma_start3A_240 = tpu.memref_slice %arg7[%dma_start3A_238, %dma_start3A_239] : memref<2048x16xf32, #tpu.memory_space<vmem>> -> memref<128x16xf32, #tpu.memory_space<vmem>>
        %dma_start3A_241 = arith.constant 0 : i32
        %dma_start3A_242 = tpu.memref_slice %arg6[%dma_start3A, %dma_start3A_241] : memref<16x128xi32, #tpu.memory_space<vmem>> -> memref<1x128xi32, #tpu.memory_space<vmem>>
        %dma_start3A_243 = tpu.memref_squeeze %dma_start3A_242 : memref<1x128xi32, #tpu.memory_space<vmem>> -> memref<128xi32, #tpu.memory_space<vmem>>
        %dma_start3A_244 = arith.constant 0 : i32
        %dma_start3A_245 = arith.constant 0 : i32
        %dma_start3A_246 = tpu.memref_slice %arg8[%dma_start3A_244, %dma_start3A_245] : memref<10008x16xf32, #tpu.memory_space<vmem_shared>> -> memref<10008x16xf32, #tpu.memory_space<vmem_shared>>
        tpu.enqueue_indirect_dma source(%dma_start3A_240 : memref<128x16xf32, #tpu.memory_space<vmem>>) target(%dma_start3A_246 : memref<10008x16xf32, #tpu.memory_space<vmem_shared>>) offsets(%dma_start3A_243 : memref<128xi32, #tpu.memory_space<vmem>>) semaphore(%arg9 : memref<!tpu.dma_semaphore, #tpu.memory_space<semaphore_mem>>) {add = true}
      } else {
      }
      %add3A_118 = arith.constant 12 : i32
      %add3A_119 = arith.addi %min3A_42, %add3A_118 : i32
      %ge3A_120 = arith.cmpi sge, %add3A_119, %add3A_39 : i32
      %convert_element_type3A_121 = arith.extui %ge3A_120 : i1 to i32
      %cond3A_122 = arith.constant 0 : i32
      %cond3A_123 = arith.cmpi ne, %convert_element_type3A_121, %cond3A_122 : i32
      scf.if %cond3A_123 {
        %dma_start3A = arith.constant 12 : i32
        %dma_start3A_238 = arith.constant 1536 : i32
        %dma_start3A_239 = arith.constant 0 : i32
        %dma_start3A_240 = tpu.memref_slice %arg7[%dma_start3A_238, %dma_start3A_239] : memref<2048x16xf32, #tpu.memory_space<vmem>> -> memref<128x16xf32, #tpu.memory_space<vmem>>
        %dma_start3A_241 = arith.constant 0 : i32
        %dma_start3A_242 = tpu.memref_slice %arg6[%dma_start3A, %dma_start3A_241] : memref<16x128xi32, #tpu.memory_space<vmem>> -> memref<1x128xi32, #tpu.memory_space<vmem>>
        %dma_start3A_243 = tpu.memref_squeeze %dma_start3A_242 : memref<1x128xi32, #tpu.memory_space<vmem>> -> memref<128xi32, #tpu.memory_space<vmem>>
        %dma_start3A_244 = arith.constant 0 : i32
        %dma_start3A_245 = arith.constant 0 : i32
        %dma_start3A_246 = tpu.memref_slice %arg8[%dma_start3A_244, %dma_start3A_245] : memref<10008x16xf32, #tpu.memory_space<vmem_shared>> -> memref<10008x16xf32, #tpu.memory_space<vmem_shared>>
        tpu.enqueue_indirect_dma source(%dma_start3A_240 : memref<128x16xf32, #tpu.memory_space<vmem>>) target(%dma_start3A_246 : memref<10008x16xf32, #tpu.memory_space<vmem_shared>>) offsets(%dma_start3A_243 : memref<128xi32, #tpu.memory_space<vmem>>) semaphore(%arg9 : memref<!tpu.dma_semaphore, #tpu.memory_space<semaphore_mem>>) {add = true}
      } else {
      }
      %add3A_124 = arith.constant 13 : i32
      %add3A_125 = arith.addi %min3A_42, %add3A_124 : i32
      %ge3A_126 = arith.cmpi sge, %add3A_125, %add3A_39 : i32
      %convert_element_type3A_127 = arith.extui %ge3A_126 : i1 to i32
      %cond3A_128 = arith.constant 0 : i32
      %cond3A_129 = arith.cmpi ne, %convert_element_type3A_127, %cond3A_128 : i32
      scf.if %cond3A_129 {
        %dma_start3A = arith.constant 13 : i32
        %dma_start3A_238 = arith.constant 1664 : i32
        %dma_start3A_239 = arith.constant 0 : i32
        %dma_start3A_240 = tpu.memref_slice %arg7[%dma_start3A_238, %dma_start3A_239] : memref<2048x16xf32, #tpu.memory_space<vmem>> -> memref<128x16xf32, #tpu.memory_space<vmem>>
        %dma_start3A_241 = arith.constant 0 : i32
        %dma_start3A_242 = tpu.memref_slice %arg6[%dma_start3A, %dma_start3A_241] : memref<16x128xi32, #tpu.memory_space<vmem>> -> memref<1x128xi32, #tpu.memory_space<vmem>>
        %dma_start3A_243 = tpu.memref_squeeze %dma_start3A_242 : memref<1x128xi32, #tpu.memory_space<vmem>> -> memref<128xi32, #tpu.memory_space<vmem>>
        %dma_start3A_244 = arith.constant 0 : i32
        %dma_start3A_245 = arith.constant 0 : i32
        %dma_start3A_246 = tpu.memref_slice %arg8[%dma_start3A_244, %dma_start3A_245] : memref<10008x16xf32, #tpu.memory_space<vmem_shared>> -> memref<10008x16xf32, #tpu.memory_space<vmem_shared>>
        tpu.enqueue_indirect_dma source(%dma_start3A_240 : memref<128x16xf32, #tpu.memory_space<vmem>>) target(%dma_start3A_246 : memref<10008x16xf32, #tpu.memory_space<vmem_shared>>) offsets(%dma_start3A_243 : memref<128xi32, #tpu.memory_space<vmem>>) semaphore(%arg9 : memref<!tpu.dma_semaphore, #tpu.memory_space<semaphore_mem>>) {add = true}
      } else {
      }
      %add3A_130 = arith.constant 14 : i32
      %add3A_131 = arith.addi %min3A_42, %add3A_130 : i32
      %ge3A_132 = arith.cmpi sge, %add3A_131, %add3A_39 : i32
      %convert_element_type3A_133 = arith.extui %ge3A_132 : i1 to i32
      %cond3A_134 = arith.constant 0 : i32
      %cond3A_135 = arith.cmpi ne, %convert_element_type3A_133, %cond3A_134 : i32
      scf.if %cond3A_135 {
        %dma_start3A = arith.constant 14 : i32
        %dma_start3A_238 = arith.constant 1792 : i32
        %dma_start3A_239 = arith.constant 0 : i32
        %dma_start3A_240 = tpu.memref_slice %arg7[%dma_start3A_238, %dma_start3A_239] : memref<2048x16xf32, #tpu.memory_space<vmem>> -> memref<128x16xf32, #tpu.memory_space<vmem>>
        %dma_start3A_241 = arith.constant 0 : i32
        %dma_start3A_242 = tpu.memref_slice %arg6[%dma_start3A, %dma_start3A_241] : memref<16x128xi32, #tpu.memory_space<vmem>> -> memref<1x128xi32, #tpu.memory_space<vmem>>
        %dma_start3A_243 = tpu.memref_squeeze %dma_start3A_242 : memref<1x128xi32, #tpu.memory_space<vmem>> -> memref<128xi32, #tpu.memory_space<vmem>>
        %dma_start3A_244 = arith.constant 0 : i32
        %dma_start3A_245 = arith.constant 0 : i32
        %dma_start3A_246 = tpu.memref_slice %arg8[%dma_start3A_244, %dma_start3A_245] : memref<10008x16xf32, #tpu.memory_space<vmem_shared>> -> memref<10008x16xf32, #tpu.memory_space<vmem_shared>>
        tpu.enqueue_indirect_dma source(%dma_start3A_240 : memref<128x16xf32, #tpu.memory_space<vmem>>) target(%dma_start3A_246 : memref<10008x16xf32, #tpu.memory_space<vmem_shared>>) offsets(%dma_start3A_243 : memref<128xi32, #tpu.memory_space<vmem>>) semaphore(%arg9 : memref<!tpu.dma_semaphore, #tpu.memory_space<semaphore_mem>>) {add = true}
      } else {
      }
      %add3A_136 = arith.constant 15 : i32
      %add3A_137 = arith.addi %min3A_42, %add3A_136 : i32
      %ge3A_138 = arith.cmpi sge, %add3A_137, %add3A_39 : i32
      %convert_element_type3A_139 = arith.extui %ge3A_138 : i1 to i32
      %cond3A_140 = arith.constant 0 : i32
      %cond3A_141 = arith.cmpi ne, %convert_element_type3A_139, %cond3A_140 : i32
      scf.if %cond3A_141 {
        %dma_start3A = arith.constant 15 : i32
        %dma_start3A_238 = arith.constant 1920 : i32
        %dma_start3A_239 = arith.constant 0 : i32
        %dma_start3A_240 = tpu.memref_slice %arg7[%dma_start3A_238, %dma_start3A_239] : memref<2048x16xf32, #tpu.memory_space<vmem>> -> memref<128x16xf32, #tpu.memory_space<vmem>>
        %dma_start3A_241 = arith.constant 0 : i32
        %dma_start3A_242 = tpu.memref_slice %arg6[%dma_start3A, %dma_start3A_241] : memref<16x128xi32, #tpu.memory_space<vmem>> -> memref<1x128xi32, #tpu.memory_space<vmem>>
        %dma_start3A_243 = tpu.memref_squeeze %dma_start3A_242 : memref<1x128xi32, #tpu.memory_space<vmem>> -> memref<128xi32, #tpu.memory_space<vmem>>
        %dma_start3A_244 = arith.constant 0 : i32
        %dma_start3A_245 = arith.constant 0 : i32
        %dma_start3A_246 = tpu.memref_slice %arg8[%dma_start3A_244, %dma_start3A_245] : memref<10008x16xf32, #tpu.memory_space<vmem_shared>> -> memref<10008x16xf32, #tpu.memory_space<vmem_shared>>
        tpu.enqueue_indirect_dma source(%dma_start3A_240 : memref<128x16xf32, #tpu.memory_space<vmem>>) target(%dma_start3A_246 : memref<10008x16xf32, #tpu.memory_space<vmem_shared>>) offsets(%dma_start3A_243 : memref<128xi32, #tpu.memory_space<vmem>>) semaphore(%arg9 : memref<!tpu.dma_semaphore, #tpu.memory_space<semaphore_mem>>) {add = true}
      } else {
      }
      %add3A_142 = arith.constant 0 : i32
      %add3A_143 = arith.addi %min3A_42, %add3A_142 : i32
      %ge3A_144 = arith.cmpi sge, %add3A_143, %add3A_39 : i32
      %convert_element_type3A_145 = arith.extui %ge3A_144 : i1 to i32
      %cond3A_146 = arith.constant 0 : i32
      %cond3A_147 = arith.cmpi ne, %convert_element_type3A_145, %cond3A_146 : i32
      scf.if %cond3A_147 {
        %dma_wait3A = arith.constant 0 : i32
        %dma_wait3A_238 = arith.constant 0 : i32
        %dma_wait3A_239 = arith.constant 0 : i32
        %dma_wait3A_240 = tpu.memref_slice %arg7[%dma_wait3A_238, %dma_wait3A_239] : memref<2048x16xf32, #tpu.memory_space<vmem>> -> memref<128x16xf32, #tpu.memory_space<vmem>>
        %dma_wait3A_241 = arith.constant 0 : i32
        %dma_wait3A_242 = tpu.memref_slice %arg6[%dma_wait3A, %dma_wait3A_241] : memref<16x128xi32, #tpu.memory_space<vmem>> -> memref<1x128xi32, #tpu.memory_space<vmem>>
        %dma_wait3A_243 = tpu.memref_squeeze %dma_wait3A_242 : memref<1x128xi32, #tpu.memory_space<vmem>> -> memref<128xi32, #tpu.memory_space<vmem>>
        %dma_wait3A_244 = arith.constant 0 : i32
        %dma_wait3A_245 = arith.constant 0 : i32
        %dma_wait3A_246 = tpu.memref_slice %arg8[%dma_wait3A_244, %dma_wait3A_245] : memref<10008x16xf32, #tpu.memory_space<vmem_shared>> -> memref<10008x16xf32, #tpu.memory_space<vmem_shared>>
        tpu.wait_indirect_dma semaphore(%arg9 : memref<!tpu.dma_semaphore, #tpu.memory_space<semaphore_mem>>) src(%dma_wait3A_240 : memref<128x16xf32, #tpu.memory_space<vmem>>) dst(%dma_wait3A_246 : memref<10008x16xf32, #tpu.memory_space<vmem_shared>>)
      } else {
      }
      %add3A_148 = arith.constant 1 : i32
      %add3A_149 = arith.addi %min3A_42, %add3A_148 : i32
      %ge3A_150 = arith.cmpi sge, %add3A_149, %add3A_39 : i32
      %convert_element_type3A_151 = arith.extui %ge3A_150 : i1 to i32
      %cond3A_152 = arith.constant 0 : i32
      %cond3A_153 = arith.cmpi ne, %convert_element_type3A_151, %cond3A_152 : i32
      scf.if %cond3A_153 {
        %dma_wait3A = arith.constant 1 : i32
        %dma_wait3A_238 = arith.constant 128 : i32
        %dma_wait3A_239 = arith.constant 0 : i32
        %dma_wait3A_240 = tpu.memref_slice %arg7[%dma_wait3A_238, %dma_wait3A_239] : memref<2048x16xf32, #tpu.memory_space<vmem>> -> memref<128x16xf32, #tpu.memory_space<vmem>>
        %dma_wait3A_241 = arith.constant 0 : i32
        %dma_wait3A_242 = tpu.memref_slice %arg6[%dma_wait3A, %dma_wait3A_241] : memref<16x128xi32, #tpu.memory_space<vmem>> -> memref<1x128xi32, #tpu.memory_space<vmem>>
        %dma_wait3A_243 = tpu.memref_squeeze %dma_wait3A_242 : memref<1x128xi32, #tpu.memory_space<vmem>> -> memref<128xi32, #tpu.memory_space<vmem>>
        %dma_wait3A_244 = arith.constant 0 : i32
        %dma_wait3A_245 = arith.constant 0 : i32
        %dma_wait3A_246 = tpu.memref_slice %arg8[%dma_wait3A_244, %dma_wait3A_245] : memref<10008x16xf32, #tpu.memory_space<vmem_shared>> -> memref<10008x16xf32, #tpu.memory_space<vmem_shared>>
        tpu.wait_indirect_dma semaphore(%arg9 : memref<!tpu.dma_semaphore, #tpu.memory_space<semaphore_mem>>) src(%dma_wait3A_240 : memref<128x16xf32, #tpu.memory_space<vmem>>) dst(%dma_wait3A_246 : memref<10008x16xf32, #tpu.memory_space<vmem_shared>>)
      } else {
      }
      %add3A_154 = arith.constant 2 : i32
      %add3A_155 = arith.addi %min3A_42, %add3A_154 : i32
      %ge3A_156 = arith.cmpi sge, %add3A_155, %add3A_39 : i32
      %convert_element_type3A_157 = arith.extui %ge3A_156 : i1 to i32
      %cond3A_158 = arith.constant 0 : i32
      %cond3A_159 = arith.cmpi ne, %convert_element_type3A_157, %cond3A_158 : i32
      scf.if %cond3A_159 {
        %dma_wait3A = arith.constant 2 : i32
        %dma_wait3A_238 = arith.constant 256 : i32
        %dma_wait3A_239 = arith.constant 0 : i32
        %dma_wait3A_240 = tpu.memref_slice %arg7[%dma_wait3A_238, %dma_wait3A_239] : memref<2048x16xf32, #tpu.memory_space<vmem>> -> memref<128x16xf32, #tpu.memory_space<vmem>>
        %dma_wait3A_241 = arith.constant 0 : i32
        %dma_wait3A_242 = tpu.memref_slice %arg6[%dma_wait3A, %dma_wait3A_241] : memref<16x128xi32, #tpu.memory_space<vmem>> -> memref<1x128xi32, #tpu.memory_space<vmem>>
        %dma_wait3A_243 = tpu.memref_squeeze %dma_wait3A_242 : memref<1x128xi32, #tpu.memory_space<vmem>> -> memref<128xi32, #tpu.memory_space<vmem>>
        %dma_wait3A_244 = arith.constant 0 : i32
        %dma_wait3A_245 = arith.constant 0 : i32
        %dma_wait3A_246 = tpu.memref_slice %arg8[%dma_wait3A_244, %dma_wait3A_245] : memref<10008x16xf32, #tpu.memory_space<vmem_shared>> -> memref<10008x16xf32, #tpu.memory_space<vmem_shared>>
        tpu.wait_indirect_dma semaphore(%arg9 : memref<!tpu.dma_semaphore, #tpu.memory_space<semaphore_mem>>) src(%dma_wait3A_240 : memref<128x16xf32, #tpu.memory_space<vmem>>) dst(%dma_wait3A_246 : memref<10008x16xf32, #tpu.memory_space<vmem_shared>>)
      } else {
      }
      %add3A_160 = arith.constant 3 : i32
      %add3A_161 = arith.addi %min3A_42, %add3A_160 : i32
      %ge3A_162 = arith.cmpi sge, %add3A_161, %add3A_39 : i32
      %convert_element_type3A_163 = arith.extui %ge3A_162 : i1 to i32
      %cond3A_164 = arith.constant 0 : i32
      %cond3A_165 = arith.cmpi ne, %convert_element_type3A_163, %cond3A_164 : i32
      scf.if %cond3A_165 {
        %dma_wait3A = arith.constant 3 : i32
        %dma_wait3A_238 = arith.constant 384 : i32
        %dma_wait3A_239 = arith.constant 0 : i32
        %dma_wait3A_240 = tpu.memref_slice %arg7[%dma_wait3A_238, %dma_wait3A_239] : memref<2048x16xf32, #tpu.memory_space<vmem>> -> memref<128x16xf32, #tpu.memory_space<vmem>>
        %dma_wait3A_241 = arith.constant 0 : i32
        %dma_wait3A_242 = tpu.memref_slice %arg6[%dma_wait3A, %dma_wait3A_241] : memref<16x128xi32, #tpu.memory_space<vmem>> -> memref<1x128xi32, #tpu.memory_space<vmem>>
        %dma_wait3A_243 = tpu.memref_squeeze %dma_wait3A_242 : memref<1x128xi32, #tpu.memory_space<vmem>> -> memref<128xi32, #tpu.memory_space<vmem>>
        %dma_wait3A_244 = arith.constant 0 : i32
        %dma_wait3A_245 = arith.constant 0 : i32
        %dma_wait3A_246 = tpu.memref_slice %arg8[%dma_wait3A_244, %dma_wait3A_245] : memref<10008x16xf32, #tpu.memory_space<vmem_shared>> -> memref<10008x16xf32, #tpu.memory_space<vmem_shared>>
        tpu.wait_indirect_dma semaphore(%arg9 : memref<!tpu.dma_semaphore, #tpu.memory_space<semaphore_mem>>) src(%dma_wait3A_240 : memref<128x16xf32, #tpu.memory_space<vmem>>) dst(%dma_wait3A_246 : memref<10008x16xf32, #tpu.memory_space<vmem_shared>>)
      } else {
      }
      %add3A_166 = arith.constant 4 : i32
      %add3A_167 = arith.addi %min3A_42, %add3A_166 : i32
      %ge3A_168 = arith.cmpi sge, %add3A_167, %add3A_39 : i32
      %convert_element_type3A_169 = arith.extui %ge3A_168 : i1 to i32
      %cond3A_170 = arith.constant 0 : i32
      %cond3A_171 = arith.cmpi ne, %convert_element_type3A_169, %cond3A_170 : i32
      scf.if %cond3A_171 {
        %dma_wait3A = arith.constant 4 : i32
        %dma_wait3A_238 = arith.constant 512 : i32
        %dma_wait3A_239 = arith.constant 0 : i32
        %dma_wait3A_240 = tpu.memref_slice %arg7[%dma_wait3A_238, %dma_wait3A_239] : memref<2048x16xf32, #tpu.memory_space<vmem>> -> memref<128x16xf32, #tpu.memory_space<vmem>>
        %dma_wait3A_241 = arith.constant 0 : i32
        %dma_wait3A_242 = tpu.memref_slice %arg6[%dma_wait3A, %dma_wait3A_241] : memref<16x128xi32, #tpu.memory_space<vmem>> -> memref<1x128xi32, #tpu.memory_space<vmem>>
        %dma_wait3A_243 = tpu.memref_squeeze %dma_wait3A_242 : memref<1x128xi32, #tpu.memory_space<vmem>> -> memref<128xi32, #tpu.memory_space<vmem>>
        %dma_wait3A_244 = arith.constant 0 : i32
        %dma_wait3A_245 = arith.constant 0 : i32
        %dma_wait3A_246 = tpu.memref_slice %arg8[%dma_wait3A_244, %dma_wait3A_245] : memref<10008x16xf32, #tpu.memory_space<vmem_shared>> -> memref<10008x16xf32, #tpu.memory_space<vmem_shared>>
        tpu.wait_indirect_dma semaphore(%arg9 : memref<!tpu.dma_semaphore, #tpu.memory_space<semaphore_mem>>) src(%dma_wait3A_240 : memref<128x16xf32, #tpu.memory_space<vmem>>) dst(%dma_wait3A_246 : memref<10008x16xf32, #tpu.memory_space<vmem_shared>>)
      } else {
      }
      %add3A_172 = arith.constant 5 : i32
      %add3A_173 = arith.addi %min3A_42, %add3A_172 : i32
      %ge3A_174 = arith.cmpi sge, %add3A_173, %add3A_39 : i32
      %convert_element_type3A_175 = arith.extui %ge3A_174 : i1 to i32
      %cond3A_176 = arith.constant 0 : i32
      %cond3A_177 = arith.cmpi ne, %convert_element_type3A_175, %cond3A_176 : i32
      scf.if %cond3A_177 {
        %dma_wait3A = arith.constant 5 : i32
        %dma_wait3A_238 = arith.constant 640 : i32
        %dma_wait3A_239 = arith.constant 0 : i32
        %dma_wait3A_240 = tpu.memref_slice %arg7[%dma_wait3A_238, %dma_wait3A_239] : memref<2048x16xf32, #tpu.memory_space<vmem>> -> memref<128x16xf32, #tpu.memory_space<vmem>>
        %dma_wait3A_241 = arith.constant 0 : i32
        %dma_wait3A_242 = tpu.memref_slice %arg6[%dma_wait3A, %dma_wait3A_241] : memref<16x128xi32, #tpu.memory_space<vmem>> -> memref<1x128xi32, #tpu.memory_space<vmem>>
        %dma_wait3A_243 = tpu.memref_squeeze %dma_wait3A_242 : memref<1x128xi32, #tpu.memory_space<vmem>> -> memref<128xi32, #tpu.memory_space<vmem>>
        %dma_wait3A_244 = arith.constant 0 : i32
        %dma_wait3A_245 = arith.constant 0 : i32
        %dma_wait3A_246 = tpu.memref_slice %arg8[%dma_wait3A_244, %dma_wait3A_245] : memref<10008x16xf32, #tpu.memory_space<vmem_shared>> -> memref<10008x16xf32, #tpu.memory_space<vmem_shared>>
        tpu.wait_indirect_dma semaphore(%arg9 : memref<!tpu.dma_semaphore, #tpu.memory_space<semaphore_mem>>) src(%dma_wait3A_240 : memref<128x16xf32, #tpu.memory_space<vmem>>) dst(%dma_wait3A_246 : memref<10008x16xf32, #tpu.memory_space<vmem_shared>>)
      } else {
      }
      %add3A_178 = arith.constant 6 : i32
      %add3A_179 = arith.addi %min3A_42, %add3A_178 : i32
      %ge3A_180 = arith.cmpi sge, %add3A_179, %add3A_39 : i32
      %convert_element_type3A_181 = arith.extui %ge3A_180 : i1 to i32
      %cond3A_182 = arith.constant 0 : i32
      %cond3A_183 = arith.cmpi ne, %convert_element_type3A_181, %cond3A_182 : i32
      scf.if %cond3A_183 {
        %dma_wait3A = arith.constant 6 : i32
        %dma_wait3A_238 = arith.constant 768 : i32
        %dma_wait3A_239 = arith.constant 0 : i32
        %dma_wait3A_240 = tpu.memref_slice %arg7[%dma_wait3A_238, %dma_wait3A_239] : memref<2048x16xf32, #tpu.memory_space<vmem>> -> memref<128x16xf32, #tpu.memory_space<vmem>>
        %dma_wait3A_241 = arith.constant 0 : i32
        %dma_wait3A_242 = tpu.memref_slice %arg6[%dma_wait3A, %dma_wait3A_241] : memref<16x128xi32, #tpu.memory_space<vmem>> -> memref<1x128xi32, #tpu.memory_space<vmem>>
        %dma_wait3A_243 = tpu.memref_squeeze %dma_wait3A_242 : memref<1x128xi32, #tpu.memory_space<vmem>> -> memref<128xi32, #tpu.memory_space<vmem>>
        %dma_wait3A_244 = arith.constant 0 : i32
        %dma_wait3A_245 = arith.constant 0 : i32
        %dma_wait3A_246 = tpu.memref_slice %arg8[%dma_wait3A_244, %dma_wait3A_245] : memref<10008x16xf32, #tpu.memory_space<vmem_shared>> -> memref<10008x16xf32, #tpu.memory_space<vmem_shared>>
        tpu.wait_indirect_dma semaphore(%arg9 : memref<!tpu.dma_semaphore, #tpu.memory_space<semaphore_mem>>) src(%dma_wait3A_240 : memref<128x16xf32, #tpu.memory_space<vmem>>) dst(%dma_wait3A_246 : memref<10008x16xf32, #tpu.memory_space<vmem_shared>>)
      } else {
      }
      %add3A_184 = arith.constant 7 : i32
      %add3A_185 = arith.addi %min3A_42, %add3A_184 : i32
      %ge3A_186 = arith.cmpi sge, %add3A_185, %add3A_39 : i32
      %convert_element_type3A_187 = arith.extui %ge3A_186 : i1 to i32
      %cond3A_188 = arith.constant 0 : i32
      %cond3A_189 = arith.cmpi ne, %convert_element_type3A_187, %cond3A_188 : i32
      scf.if %cond3A_189 {
        %dma_wait3A = arith.constant 7 : i32
        %dma_wait3A_238 = arith.constant 896 : i32
        %dma_wait3A_239 = arith.constant 0 : i32
        %dma_wait3A_240 = tpu.memref_slice %arg7[%dma_wait3A_238, %dma_wait3A_239] : memref<2048x16xf32, #tpu.memory_space<vmem>> -> memref<128x16xf32, #tpu.memory_space<vmem>>
        %dma_wait3A_241 = arith.constant 0 : i32
        %dma_wait3A_242 = tpu.memref_slice %arg6[%dma_wait3A, %dma_wait3A_241] : memref<16x128xi32, #tpu.memory_space<vmem>> -> memref<1x128xi32, #tpu.memory_space<vmem>>
        %dma_wait3A_243 = tpu.memref_squeeze %dma_wait3A_242 : memref<1x128xi32, #tpu.memory_space<vmem>> -> memref<128xi32, #tpu.memory_space<vmem>>
        %dma_wait3A_244 = arith.constant 0 : i32
        %dma_wait3A_245 = arith.constant 0 : i32
        %dma_wait3A_246 = tpu.memref_slice %arg8[%dma_wait3A_244, %dma_wait3A_245] : memref<10008x16xf32, #tpu.memory_space<vmem_shared>> -> memref<10008x16xf32, #tpu.memory_space<vmem_shared>>
        tpu.wait_indirect_dma semaphore(%arg9 : memref<!tpu.dma_semaphore, #tpu.memory_space<semaphore_mem>>) src(%dma_wait3A_240 : memref<128x16xf32, #tpu.memory_space<vmem>>) dst(%dma_wait3A_246 : memref<10008x16xf32, #tpu.memory_space<vmem_shared>>)
      } else {
      }
      %add3A_190 = arith.constant 8 : i32
      %add3A_191 = arith.addi %min3A_42, %add3A_190 : i32
      %ge3A_192 = arith.cmpi sge, %add3A_191, %add3A_39 : i32
      %convert_element_type3A_193 = arith.extui %ge3A_192 : i1 to i32
      %cond3A_194 = arith.constant 0 : i32
      %cond3A_195 = arith.cmpi ne, %convert_element_type3A_193, %cond3A_194 : i32
      scf.if %cond3A_195 {
        %dma_wait3A = arith.constant 8 : i32
        %dma_wait3A_238 = arith.constant 1024 : i32
        %dma_wait3A_239 = arith.constant 0 : i32
        %dma_wait3A_240 = tpu.memref_slice %arg7[%dma_wait3A_238, %dma_wait3A_239] : memref<2048x16xf32, #tpu.memory_space<vmem>> -> memref<128x16xf32, #tpu.memory_space<vmem>>
        %dma_wait3A_241 = arith.constant 0 : i32
        %dma_wait3A_242 = tpu.memref_slice %arg6[%dma_wait3A, %dma_wait3A_241] : memref<16x128xi32, #tpu.memory_space<vmem>> -> memref<1x128xi32, #tpu.memory_space<vmem>>
        %dma_wait3A_243 = tpu.memref_squeeze %dma_wait3A_242 : memref<1x128xi32, #tpu.memory_space<vmem>> -> memref<128xi32, #tpu.memory_space<vmem>>
        %dma_wait3A_244 = arith.constant 0 : i32
        %dma_wait3A_245 = arith.constant 0 : i32
        %dma_wait3A_246 = tpu.memref_slice %arg8[%dma_wait3A_244, %dma_wait3A_245] : memref<10008x16xf32, #tpu.memory_space<vmem_shared>> -> memref<10008x16xf32, #tpu.memory_space<vmem_shared>>
        tpu.wait_indirect_dma semaphore(%arg9 : memref<!tpu.dma_semaphore, #tpu.memory_space<semaphore_mem>>) src(%dma_wait3A_240 : memref<128x16xf32, #tpu.memory_space<vmem>>) dst(%dma_wait3A_246 : memref<10008x16xf32, #tpu.memory_space<vmem_shared>>)
      } else {
      }
      %add3A_196 = arith.constant 9 : i32
      %add3A_197 = arith.addi %min3A_42, %add3A_196 : i32
      %ge3A_198 = arith.cmpi sge, %add3A_197, %add3A_39 : i32
      %convert_element_type3A_199 = arith.extui %ge3A_198 : i1 to i32
      %cond3A_200 = arith.constant 0 : i32
      %cond3A_201 = arith.cmpi ne, %convert_element_type3A_199, %cond3A_200 : i32
      scf.if %cond3A_201 {
        %dma_wait3A = arith.constant 9 : i32
        %dma_wait3A_238 = arith.constant 1152 : i32
        %dma_wait3A_239 = arith.constant 0 : i32
        %dma_wait3A_240 = tpu.memref_slice %arg7[%dma_wait3A_238, %dma_wait3A_239] : memref<2048x16xf32, #tpu.memory_space<vmem>> -> memref<128x16xf32, #tpu.memory_space<vmem>>
        %dma_wait3A_241 = arith.constant 0 : i32
        %dma_wait3A_242 = tpu.memref_slice %arg6[%dma_wait3A, %dma_wait3A_241] : memref<16x128xi32, #tpu.memory_space<vmem>> -> memref<1x128xi32, #tpu.memory_space<vmem>>
        %dma_wait3A_243 = tpu.memref_squeeze %dma_wait3A_242 : memref<1x128xi32, #tpu.memory_space<vmem>> -> memref<128xi32, #tpu.memory_space<vmem>>
        %dma_wait3A_244 = arith.constant 0 : i32
        %dma_wait3A_245 = arith.constant 0 : i32
        %dma_wait3A_246 = tpu.memref_slice %arg8[%dma_wait3A_244, %dma_wait3A_245] : memref<10008x16xf32, #tpu.memory_space<vmem_shared>> -> memref<10008x16xf32, #tpu.memory_space<vmem_shared>>
        tpu.wait_indirect_dma semaphore(%arg9 : memref<!tpu.dma_semaphore, #tpu.memory_space<semaphore_mem>>) src(%dma_wait3A_240 : memref<128x16xf32, #tpu.memory_space<vmem>>) dst(%dma_wait3A_246 : memref<10008x16xf32, #tpu.memory_space<vmem_shared>>)
      } else {
      }
      %add3A_202 = arith.constant 10 : i32
      %add3A_203 = arith.addi %min3A_42, %add3A_202 : i32
      %ge3A_204 = arith.cmpi sge, %add3A_203, %add3A_39 : i32
      %convert_element_type3A_205 = arith.extui %ge3A_204 : i1 to i32
      %cond3A_206 = arith.constant 0 : i32
      %cond3A_207 = arith.cmpi ne, %convert_element_type3A_205, %cond3A_206 : i32
      scf.if %cond3A_207 {
        %dma_wait3A = arith.constant 10 : i32
        %dma_wait3A_238 = arith.constant 1280 : i32
        %dma_wait3A_239 = arith.constant 0 : i32
        %dma_wait3A_240 = tpu.memref_slice %arg7[%dma_wait3A_238, %dma_wait3A_239] : memref<2048x16xf32, #tpu.memory_space<vmem>> -> memref<128x16xf32, #tpu.memory_space<vmem>>
        %dma_wait3A_241 = arith.constant 0 : i32
        %dma_wait3A_242 = tpu.memref_slice %arg6[%dma_wait3A, %dma_wait3A_241] : memref<16x128xi32, #tpu.memory_space<vmem>> -> memref<1x128xi32, #tpu.memory_space<vmem>>
        %dma_wait3A_243 = tpu.memref_squeeze %dma_wait3A_242 : memref<1x128xi32, #tpu.memory_space<vmem>> -> memref<128xi32, #tpu.memory_space<vmem>>
        %dma_wait3A_244 = arith.constant 0 : i32
        %dma_wait3A_245 = arith.constant 0 : i32
        %dma_wait3A_246 = tpu.memref_slice %arg8[%dma_wait3A_244, %dma_wait3A_245] : memref<10008x16xf32, #tpu.memory_space<vmem_shared>> -> memref<10008x16xf32, #tpu.memory_space<vmem_shared>>
        tpu.wait_indirect_dma semaphore(%arg9 : memref<!tpu.dma_semaphore, #tpu.memory_space<semaphore_mem>>) src(%dma_wait3A_240 : memref<128x16xf32, #tpu.memory_space<vmem>>) dst(%dma_wait3A_246 : memref<10008x16xf32, #tpu.memory_space<vmem_shared>>)
      } else {
      }
      %add3A_208 = arith.constant 11 : i32
      %add3A_209 = arith.addi %min3A_42, %add3A_208 : i32
      %ge3A_210 = arith.cmpi sge, %add3A_209, %add3A_39 : i32
      %convert_element_type3A_211 = arith.extui %ge3A_210 : i1 to i32
      %cond3A_212 = arith.constant 0 : i32
      %cond3A_213 = arith.cmpi ne, %convert_element_type3A_211, %cond3A_212 : i32
      scf.if %cond3A_213 {
        %dma_wait3A = arith.constant 11 : i32
        %dma_wait3A_238 = arith.constant 1408 : i32
        %dma_wait3A_239 = arith.constant 0 : i32
        %dma_wait3A_240 = tpu.memref_slice %arg7[%dma_wait3A_238, %dma_wait3A_239] : memref<2048x16xf32, #tpu.memory_space<vmem>> -> memref<128x16xf32, #tpu.memory_space<vmem>>
        %dma_wait3A_241 = arith.constant 0 : i32
        %dma_wait3A_242 = tpu.memref_slice %arg6[%dma_wait3A, %dma_wait3A_241] : memref<16x128xi32, #tpu.memory_space<vmem>> -> memref<1x128xi32, #tpu.memory_space<vmem>>
        %dma_wait3A_243 = tpu.memref_squeeze %dma_wait3A_242 : memref<1x128xi32, #tpu.memory_space<vmem>> -> memref<128xi32, #tpu.memory_space<vmem>>
        %dma_wait3A_244 = arith.constant 0 : i32
        %dma_wait3A_245 = arith.constant 0 : i32
        %dma_wait3A_246 = tpu.memref_slice %arg8[%dma_wait3A_244, %dma_wait3A_245] : memref<10008x16xf32, #tpu.memory_space<vmem_shared>> -> memref<10008x16xf32, #tpu.memory_space<vmem_shared>>
        tpu.wait_indirect_dma semaphore(%arg9 : memref<!tpu.dma_semaphore, #tpu.memory_space<semaphore_mem>>) src(%dma_wait3A_240 : memref<128x16xf32, #tpu.memory_space<vmem>>) dst(%dma_wait3A_246 : memref<10008x16xf32, #tpu.memory_space<vmem_shared>>)
      } else {
      }
      %add3A_214 = arith.constant 12 : i32
      %add3A_215 = arith.addi %min3A_42, %add3A_214 : i32
      %ge3A_216 = arith.cmpi sge, %add3A_215, %add3A_39 : i32
      %convert_element_type3A_217 = arith.extui %ge3A_216 : i1 to i32
      %cond3A_218 = arith.constant 0 : i32
      %cond3A_219 = arith.cmpi ne, %convert_element_type3A_217, %cond3A_218 : i32
      scf.if %cond3A_219 {
        %dma_wait3A = arith.constant 12 : i32
        %dma_wait3A_238 = arith.constant 1536 : i32
        %dma_wait3A_239 = arith.constant 0 : i32
        %dma_wait3A_240 = tpu.memref_slice %arg7[%dma_wait3A_238, %dma_wait3A_239] : memref<2048x16xf32, #tpu.memory_space<vmem>> -> memref<128x16xf32, #tpu.memory_space<vmem>>
        %dma_wait3A_241 = arith.constant 0 : i32
        %dma_wait3A_242 = tpu.memref_slice %arg6[%dma_wait3A, %dma_wait3A_241] : memref<16x128xi32, #tpu.memory_space<vmem>> -> memref<1x128xi32, #tpu.memory_space<vmem>>
        %dma_wait3A_243 = tpu.memref_squeeze %dma_wait3A_242 : memref<1x128xi32, #tpu.memory_space<vmem>> -> memref<128xi32, #tpu.memory_space<vmem>>
        %dma_wait3A_244 = arith.constant 0 : i32
        %dma_wait3A_245 = arith.constant 0 : i32
        %dma_wait3A_246 = tpu.memref_slice %arg8[%dma_wait3A_244, %dma_wait3A_245] : memref<10008x16xf32, #tpu.memory_space<vmem_shared>> -> memref<10008x16xf32, #tpu.memory_space<vmem_shared>>
        tpu.wait_indirect_dma semaphore(%arg9 : memref<!tpu.dma_semaphore, #tpu.memory_space<semaphore_mem>>) src(%dma_wait3A_240 : memref<128x16xf32, #tpu.memory_space<vmem>>) dst(%dma_wait3A_246 : memref<10008x16xf32, #tpu.memory_space<vmem_shared>>)
      } else {
      }
      %add3A_220 = arith.constant 13 : i32
      %add3A_221 = arith.addi %min3A_42, %add3A_220 : i32
      %ge3A_222 = arith.cmpi sge, %add3A_221, %add3A_39 : i32
      %convert_element_type3A_223 = arith.extui %ge3A_222 : i1 to i32
      %cond3A_224 = arith.constant 0 : i32
      %cond3A_225 = arith.cmpi ne, %convert_element_type3A_223, %cond3A_224 : i32
      scf.if %cond3A_225 {
        %dma_wait3A = arith.constant 13 : i32
        %dma_wait3A_238 = arith.constant 1664 : i32
        %dma_wait3A_239 = arith.constant 0 : i32
        %dma_wait3A_240 = tpu.memref_slice %arg7[%dma_wait3A_238, %dma_wait3A_239] : memref<2048x16xf32, #tpu.memory_space<vmem>> -> memref<128x16xf32, #tpu.memory_space<vmem>>
        %dma_wait3A_241 = arith.constant 0 : i32
        %dma_wait3A_242 = tpu.memref_slice %arg6[%dma_wait3A, %dma_wait3A_241] : memref<16x128xi32, #tpu.memory_space<vmem>> -> memref<1x128xi32, #tpu.memory_space<vmem>>
        %dma_wait3A_243 = tpu.memref_squeeze %dma_wait3A_242 : memref<1x128xi32, #tpu.memory_space<vmem>> -> memref<128xi32, #tpu.memory_space<vmem>>
        %dma_wait3A_244 = arith.constant 0 : i32
        %dma_wait3A_245 = arith.constant 0 : i32
        %dma_wait3A_246 = tpu.memref_slice %arg8[%dma_wait3A_244, %dma_wait3A_245] : memref<10008x16xf32, #tpu.memory_space<vmem_shared>> -> memref<10008x16xf32, #tpu.memory_space<vmem_shared>>
        tpu.wait_indirect_dma semaphore(%arg9 : memref<!tpu.dma_semaphore, #tpu.memory_space<semaphore_mem>>) src(%dma_wait3A_240 : memref<128x16xf32, #tpu.memory_space<vmem>>) dst(%dma_wait3A_246 : memref<10008x16xf32, #tpu.memory_space<vmem_shared>>)
      } else {
      }
      %add3A_226 = arith.constant 14 : i32
      %add3A_227 = arith.addi %min3A_42, %add3A_226 : i32
      %ge3A_228 = arith.cmpi sge, %add3A_227, %add3A_39 : i32
      %convert_element_type3A_229 = arith.extui %ge3A_228 : i1 to i32
      %cond3A_230 = arith.constant 0 : i32
      %cond3A_231 = arith.cmpi ne, %convert_element_type3A_229, %cond3A_230 : i32
      scf.if %cond3A_231 {
        %dma_wait3A = arith.constant 14 : i32
        %dma_wait3A_238 = arith.constant 1792 : i32
        %dma_wait3A_239 = arith.constant 0 : i32
        %dma_wait3A_240 = tpu.memref_slice %arg7[%dma_wait3A_238, %dma_wait3A_239] : memref<2048x16xf32, #tpu.memory_space<vmem>> -> memref<128x16xf32, #tpu.memory_space<vmem>>
        %dma_wait3A_241 = arith.constant 0 : i32
        %dma_wait3A_242 = tpu.memref_slice %arg6[%dma_wait3A, %dma_wait3A_241] : memref<16x128xi32, #tpu.memory_space<vmem>> -> memref<1x128xi32, #tpu.memory_space<vmem>>
        %dma_wait3A_243 = tpu.memref_squeeze %dma_wait3A_242 : memref<1x128xi32, #tpu.memory_space<vmem>> -> memref<128xi32, #tpu.memory_space<vmem>>
        %dma_wait3A_244 = arith.constant 0 : i32
        %dma_wait3A_245 = arith.constant 0 : i32
        %dma_wait3A_246 = tpu.memref_slice %arg8[%dma_wait3A_244, %dma_wait3A_245] : memref<10008x16xf32, #tpu.memory_space<vmem_shared>> -> memref<10008x16xf32, #tpu.memory_space<vmem_shared>>
        tpu.wait_indirect_dma semaphore(%arg9 : memref<!tpu.dma_semaphore, #tpu.memory_space<semaphore_mem>>) src(%dma_wait3A_240 : memref<128x16xf32, #tpu.memory_space<vmem>>) dst(%dma_wait3A_246 : memref<10008x16xf32, #tpu.memory_space<vmem_shared>>)
      } else {
      }
      %add3A_232 = arith.constant 15 : i32
      %add3A_233 = arith.addi %min3A_42, %add3A_232 : i32
      %ge3A_234 = arith.cmpi sge, %add3A_233, %add3A_39 : i32
      %convert_element_type3A_235 = arith.extui %ge3A_234 : i1 to i32
      %cond3A_236 = arith.constant 0 : i32
      %cond3A_237 = arith.cmpi ne, %convert_element_type3A_235, %cond3A_236 : i32
      scf.if %cond3A_237 {
        %dma_wait3A = arith.constant 15 : i32
        %dma_wait3A_238 = arith.constant 1920 : i32
        %dma_wait3A_239 = arith.constant 0 : i32
        %dma_wait3A_240 = tpu.memref_slice %arg7[%dma_wait3A_238, %dma_wait3A_239] : memref<2048x16xf32, #tpu.memory_space<vmem>> -> memref<128x16xf32, #tpu.memory_space<vmem>>
        %dma_wait3A_241 = arith.constant 0 : i32
        %dma_wait3A_242 = tpu.memref_slice %arg6[%dma_wait3A, %dma_wait3A_241] : memref<16x128xi32, #tpu.memory_space<vmem>> -> memref<1x128xi32, #tpu.memory_space<vmem>>
        %dma_wait3A_243 = tpu.memref_squeeze %dma_wait3A_242 : memref<1x128xi32, #tpu.memory_space<vmem>> -> memref<128xi32, #tpu.memory_space<vmem>>
        %dma_wait3A_244 = arith.constant 0 : i32
        %dma_wait3A_245 = arith.constant 0 : i32
        %dma_wait3A_246 = tpu.memref_slice %arg8[%dma_wait3A_244, %dma_wait3A_245] : memref<10008x16xf32, #tpu.memory_space<vmem_shared>> -> memref<10008x16xf32, #tpu.memory_space<vmem_shared>>
        tpu.wait_indirect_dma semaphore(%arg9 : memref<!tpu.dma_semaphore, #tpu.memory_space<semaphore_mem>>) src(%dma_wait3A_240 : memref<128x16xf32, #tpu.memory_space<vmem>>) dst(%dma_wait3A_246 : memref<10008x16xf32, #tpu.memory_space<vmem_shared>>)
      } else {
      }
    }
    %scan3A_24 = arith.constant 5 : i32
    %barrier3A_25 = arith.constant 0 : index
    tpu.barrier barrier_id(%barrier3A_25)
    %lt3A_26 = arith.constant 15 : i32
    %lt3A_27 = arith.cmpi slt, %arg1, %lt3A_26 : i32
    %convert_element_type3A_28 = arith.extui %lt3A_27 : i1 to i32
    %cond3A_29 = arith.constant 0 : i32
    %cond3A_30 = arith.cmpi ne, %convert_element_type3A_28, %cond3A_29 : i32
    scf.if %cond3A_30 {
      %mul3A_36 = arith.constant 640 : i32
      %mul3A_37 = arith.muli %arg1, %mul3A_36 : i32
      %mul3A_38 = arith.constant 10000 : i32
      %mul3A_39 = arith.muli %arg0, %mul3A_38 : i32
      %add3A_40 = arith.addi %mul3A_39, %mul3A_37 : i32
      "tpu.region"() ({
        %run_scoped3A = tpu.sem_alloc : memref<!tpu.dma_semaphore, #tpu.memory_space<semaphore_mem>>
        %dma_start3A = arith.constant 0 : i32
        %dma_start3A_41 = tpu.memref_slice %arg5[%add3A_40, %dma_start3A] : memref<20000x16xf32, #tpu.memory_space<hbm>> -> memref<640x16xf32, #tpu.memory_space<hbm>>
        %dma_start3A_42 = arith.constant 0 : i32
        %dma_start3A_43 = tpu.memref_slice %arg8[%mul3A_37, %dma_start3A_42] : memref<10008x16xf32, #tpu.memory_space<vmem_shared>> -> memref<640x16xf32, #tpu.memory_space<vmem_shared>>
        tpu.enqueue_dma source(%dma_start3A_43 : memref<640x16xf32, #tpu.memory_space<vmem_shared>>) target(%dma_start3A_41 : memref<640x16xf32, #tpu.memory_space<hbm>>) target_semaphore(%run_scoped3A : memref<!tpu.dma_semaphore, #tpu.memory_space<semaphore_mem>>)
        %dma_wait3A = arith.constant 0 : i32
        %dma_wait3A_44 = tpu.memref_slice %arg5[%add3A_40, %dma_wait3A] : memref<20000x16xf32, #tpu.memory_space<hbm>> -> memref<640x16xf32, #tpu.memory_space<hbm>>
        %dma_wait3A_45 = arith.constant 0 : i32
        %dma_wait3A_46 = tpu.memref_slice %arg8[%mul3A_37, %dma_wait3A_45] : memref<10008x16xf32, #tpu.memory_space<vmem_shared>> -> memref<640x16xf32, #tpu.memory_space<vmem_shared>>
        tpu.wait_dma2 semaphore(%run_scoped3A : memref<!tpu.dma_semaphore, #tpu.memory_space<semaphore_mem>>) src(%dma_wait3A_46 : memref<640x16xf32, #tpu.memory_space<vmem_shared>>) dst(%dma_wait3A_44 : memref<640x16xf32, #tpu.memory_space<hbm>>)
        tpu.yield
      }) : () -> ()
    } else {
    }
    %eq3A_31 = arith.constant 15 : i32
    %eq3A_32 = arith.cmpi eq, %arg1, %eq3A_31 : i32
    %convert_element_type3A_33 = arith.extui %eq3A_32 : i1 to i32
    %cond3A_34 = arith.constant 0 : i32
    %cond3A_35 = arith.cmpi ne, %convert_element_type3A_33, %cond3A_34 : i32
    scf.if %cond3A_35 {
      %mul3A_36 = arith.constant 10000 : i32
      %mul3A_37 = arith.muli %arg0, %mul3A_36 : i32
      %add3A_38 = arith.constant 9600 : i32
      %add3A_39 = arith.addi %mul3A_37, %add3A_38 : i32
      "tpu.region"() ({
        %run_scoped3A = tpu.sem_alloc : memref<!tpu.dma_semaphore, #tpu.memory_space<semaphore_mem>>
        %dma_start3A = arith.constant 0 : i32
        %dma_start3A_40 = tpu.memref_slice %arg5[%add3A_39, %dma_start3A] : memref<20000x16xf32, #tpu.memory_space<hbm>> -> memref<400x16xf32, #tpu.memory_space<hbm>>
        %dma_start3A_41 = arith.constant 9600 : i32
        %dma_start3A_42 = arith.constant 0 : i32
        %dma_start3A_43 = tpu.memref_slice %arg8[%dma_start3A_41, %dma_start3A_42] : memref<10008x16xf32, #tpu.memory_space<vmem_shared>> -> memref<400x16xf32, #tpu.memory_space<vmem_shared>>
        tpu.enqueue_dma source(%dma_start3A_43 : memref<400x16xf32, #tpu.memory_space<vmem_shared>>) target(%dma_start3A_40 : memref<400x16xf32, #tpu.memory_space<hbm>>) target_semaphore(%run_scoped3A : memref<!tpu.dma_semaphore, #tpu.memory_space<semaphore_mem>>)
        %dma_wait3A = arith.constant 0 : i32
        %dma_wait3A_44 = tpu.memref_slice %arg5[%add3A_39, %dma_wait3A] : memref<20000x16xf32, #tpu.memory_space<hbm>> -> memref<400x16xf32, #tpu.memory_space<hbm>>
        %dma_wait3A_45 = arith.constant 9600 : i32
        %dma_wait3A_46 = arith.constant 0 : i32
        %dma_wait3A_47 = tpu.memref_slice %arg8[%dma_wait3A_45, %dma_wait3A_46] : memref<10008x16xf32, #tpu.memory_space<vmem_shared>> -> memref<400x16xf32, #tpu.memory_space<vmem_shared>>
        tpu.wait_dma2 semaphore(%run_scoped3A : memref<!tpu.dma_semaphore, #tpu.memory_space<semaphore_mem>>) src(%dma_wait3A_47 : memref<400x16xf32, #tpu.memory_space<vmem_shared>>) dst(%dma_wait3A_44 : memref<400x16xf32, #tpu.memory_space<hbm>>)
        tpu.yield
      }) : () -> ()
    } else {
    }
    return
  }
}

module attributes {stable_mosaic.version = 14 : i64} {
  func.func @_edge_mlp_body(%arg0: i32, %arg1: i32, %arg2: memref<12x16384xf32, #tpu.memory_space<vmem>>, %arg3: memref<12x128xbf16, #tpu.memory_space<vmem>>, %arg4: memref<1x128xf32, #tpu.memory_space<vmem>>, %arg5: memref<128x64xbf16, #tpu.memory_space<vmem>>, %arg6: memref<1x64xf32, #tpu.memory_space<vmem>>, %arg7: memref<64x32xbf16, #tpu.memory_space<vmem>>, %arg8: memref<1x32xf32, #tpu.memory_space<vmem>>, %arg9: memref<32x16xbf16, #tpu.memory_space<vmem>>, %arg10: memref<1x16xf32, #tpu.memory_space<vmem>>, %arg11: memref<16x16xbf16, #tpu.memory_space<vmem>>, %arg12: memref<1x16xf32, #tpu.memory_space<vmem>>, %arg13: memref<1x2048x128xf32, #tpu.memory_space<vmem>>) attributes {dimension_semantics = [#tpu.dimension_semantics<arbitrary>, #tpu.dimension_semantics<arbitrary>], iteration_bounds = array<i64: 1, 20>, scalar_prefetch = 0 : i64, scratch_operands = 0 : i64, tpu.core_type = #tpu.core_type<tc>, window_params = [{transform_indices = @transform_0, window_bounds = array<i64: 12, 16384>}, {pipeline_mode = #tpu.pipeline_mode<synchronous>, transform_indices = @transform_1, window_bounds = array<i64: 12, 128>}, {pipeline_mode = #tpu.pipeline_mode<synchronous>, transform_indices = @transform_2, window_bounds = array<i64: 1, 128>}, {pipeline_mode = #tpu.pipeline_mode<synchronous>, transform_indices = @transform_3, window_bounds = array<i64: 128, 64>}, {pipeline_mode = #tpu.pipeline_mode<synchronous>, transform_indices = @transform_4, window_bounds = array<i64: 1, 64>}, {pipeline_mode = #tpu.pipeline_mode<synchronous>, transform_indices = @transform_5, window_bounds = array<i64: 64, 32>}, {pipeline_mode = #tpu.pipeline_mode<synchronous>, transform_indices = @transform_6, window_bounds = array<i64: 1, 32>}, {pipeline_mode = #tpu.pipeline_mode<synchronous>, transform_indices = @transform_7, window_bounds = array<i64: 32, 16>}, {pipeline_mode = #tpu.pipeline_mode<synchronous>, transform_indices = @transform_8, window_bounds = array<i64: 1, 16>}, {pipeline_mode = #tpu.pipeline_mode<synchronous>, transform_indices = @transform_9, window_bounds = array<i64: 16, 16>}, {pipeline_mode = #tpu.pipeline_mode<synchronous>, transform_indices = @transform_10, window_bounds = array<i64: 1, 16>}, {transform_indices = @transform_11, window_bounds = array<i64: 1, 2048, 128>}]} {
    %get3A = arith.constant 0 : index
    %get3A_0 = arith.constant 0 : index
    %get3A_1 = vector.load %arg2[%get3A, %get3A_0] : memref<12x16384xf32, #tpu.memory_space<vmem>>, vector<12x16384xf32>
    %convert_element_type3A = arith.truncf %get3A_1 : vector<12x16384xf32> to vector<12x16384xbf16>
    %get3A_2 = arith.constant 0 : index
    %get3A_3 = arith.constant 0 : index
    %get3A_4 = vector.load %arg3[%get3A_2, %get3A_3] : memref<12x128xbf16, #tpu.memory_space<vmem>>, vector<12x128xbf16>
    %dot_general3A = arith.constant dense<0.000000e+00> : vector<16384x128xf32>
    %dot_general3A_5 = tpu.matmul %convert_element_type3A, %get3A_4, %dot_general3A {dimension_numbers = #tpu.dot_dimension_numbers<[0], [0], [1], [1], [0, 1, 1, 1], [], []>, transpose_lhs_hint = false} : vector<12x16384xbf16>, vector<12x128xbf16>, vector<16384x128xf32> -> vector<16384x128xf32>
    %get3A_6 = arith.constant 0 : index
    %get3A_7 = arith.constant 0 : index
    %get3A_8 = vector.load %arg4[%get3A_6, %get3A_7] : memref<1x128xf32, #tpu.memory_space<vmem>>, vector<1x128xf32>
    %add3A = vector.broadcast %get3A_8 : vector<1x128xf32> to vector<16384x128xf32>
    %add3A_9 = arith.addf %dot_general3A_5, %add3A : vector<16384x128xf32>
    %max3A = arith.constant 0.000000e+00 : f32
    %max3A_10 = vector.broadcast %max3A : f32 to vector<16384x128xf32>
    %max3A_11 = arith.maximumf %add3A_9, %max3A_10 : vector<16384x128xf32>
    %convert_element_type3A_12 = arith.truncf %max3A_11 : vector<16384x128xf32> to vector<16384x128xbf16>
    %get3A_13 = arith.constant 0 : index
    %get3A_14 = arith.constant 0 : index
    %get3A_15 = vector.load %arg5[%get3A_13, %get3A_14] : memref<128x64xbf16, #tpu.memory_space<vmem>>, vector<128x64xbf16>
    %dot_general3A_16 = arith.constant dense<0.000000e+00> : vector<16384x64xf32>
    %dot_general3A_17 = tpu.matmul %convert_element_type3A_12, %get3A_15, %dot_general3A_16 {dimension_numbers = #tpu.dot_dimension_numbers<[1], [0], [0], [1], [0, 0, 1, 1], [], []>, transpose_lhs_hint = false} : vector<16384x128xbf16>, vector<128x64xbf16>, vector<16384x64xf32> -> vector<16384x64xf32>
    %get3A_18 = arith.constant 0 : index
    %get3A_19 = arith.constant 0 : index
    %get3A_20 = vector.load %arg6[%get3A_18, %get3A_19] : memref<1x64xf32, #tpu.memory_space<vmem>>, vector<1x64xf32>
    %add3A_21 = vector.broadcast %get3A_20 : vector<1x64xf32> to vector<16384x64xf32>
    %add3A_22 = arith.addf %dot_general3A_17, %add3A_21 : vector<16384x64xf32>
    %max3A_23 = arith.constant 0.000000e+00 : f32
    %max3A_24 = vector.broadcast %max3A_23 : f32 to vector<16384x64xf32>
    %max3A_25 = arith.maximumf %add3A_22, %max3A_24 : vector<16384x64xf32>
    %convert_element_type3A_26 = arith.truncf %max3A_25 : vector<16384x64xf32> to vector<16384x64xbf16>
    %get3A_27 = arith.constant 0 : index
    %get3A_28 = arith.constant 0 : index
    %get3A_29 = vector.load %arg7[%get3A_27, %get3A_28] : memref<64x32xbf16, #tpu.memory_space<vmem>>, vector<64x32xbf16>
    %dot_general3A_30 = arith.constant dense<0.000000e+00> : vector<16384x32xf32>
    %dot_general3A_31 = tpu.matmul %convert_element_type3A_26, %get3A_29, %dot_general3A_30 {dimension_numbers = #tpu.dot_dimension_numbers<[1], [0], [0], [1], [0, 0, 1, 1], [], []>, transpose_lhs_hint = false} : vector<16384x64xbf16>, vector<64x32xbf16>, vector<16384x32xf32> -> vector<16384x32xf32>
    %get3A_32 = arith.constant 0 : index
    %get3A_33 = arith.constant 0 : index
    %get3A_34 = vector.load %arg8[%get3A_32, %get3A_33] : memref<1x32xf32, #tpu.memory_space<vmem>>, vector<1x32xf32>
    %add3A_35 = vector.broadcast %get3A_34 : vector<1x32xf32> to vector<16384x32xf32>
    %add3A_36 = arith.addf %dot_general3A_31, %add3A_35 : vector<16384x32xf32>
    %max3A_37 = arith.constant 0.000000e+00 : f32
    %max3A_38 = vector.broadcast %max3A_37 : f32 to vector<16384x32xf32>
    %max3A_39 = arith.maximumf %add3A_36, %max3A_38 : vector<16384x32xf32>
    %convert_element_type3A_40 = arith.truncf %max3A_39 : vector<16384x32xf32> to vector<16384x32xbf16>
    %get3A_41 = arith.constant 0 : index
    %get3A_42 = arith.constant 0 : index
    %get3A_43 = vector.load %arg9[%get3A_41, %get3A_42] : memref<32x16xbf16, #tpu.memory_space<vmem>>, vector<32x16xbf16>
    %dot_general3A_44 = arith.constant dense<0.000000e+00> : vector<16384x16xf32>
    %dot_general3A_45 = tpu.matmul %convert_element_type3A_40, %get3A_43, %dot_general3A_44 {dimension_numbers = #tpu.dot_dimension_numbers<[1], [0], [0], [1], [0, 0, 1, 1], [], []>, transpose_lhs_hint = false} : vector<16384x32xbf16>, vector<32x16xbf16>, vector<16384x16xf32> -> vector<16384x16xf32>
    %get3A_46 = arith.constant 0 : index
    %get3A_47 = arith.constant 0 : index
    %get3A_48 = vector.load %arg10[%get3A_46, %get3A_47] : memref<1x16xf32, #tpu.memory_space<vmem>>, vector<1x16xf32>
    %add3A_49 = vector.broadcast %get3A_48 : vector<1x16xf32> to vector<16384x16xf32>
    %add3A_50 = arith.addf %dot_general3A_45, %add3A_49 : vector<16384x16xf32>
    %max3A_51 = arith.constant 0.000000e+00 : f32
    %max3A_52 = vector.broadcast %max3A_51 : f32 to vector<16384x16xf32>
    %max3A_53 = arith.maximumf %add3A_50, %max3A_52 : vector<16384x16xf32>
    %convert_element_type3A_54 = arith.truncf %max3A_53 : vector<16384x16xf32> to vector<16384x16xbf16>
    %get3A_55 = arith.constant 0 : index
    %get3A_56 = arith.constant 0 : index
    %get3A_57 = vector.load %arg11[%get3A_55, %get3A_56] : memref<16x16xbf16, #tpu.memory_space<vmem>>, vector<16x16xbf16>
    %dot_general3A_58 = arith.constant dense<0.000000e+00> : vector<16384x16xf32>
    %dot_general3A_59 = tpu.matmul %convert_element_type3A_54, %get3A_57, %dot_general3A_58 {dimension_numbers = #tpu.dot_dimension_numbers<[1], [0], [0], [1], [0, 0, 1, 1], [], []>, transpose_lhs_hint = false} : vector<16384x16xbf16>, vector<16x16xbf16>, vector<16384x16xf32> -> vector<16384x16xf32>
    %get3A_60 = arith.constant 0 : index
    %get3A_61 = arith.constant 0 : index
    %get3A_62 = vector.load %arg12[%get3A_60, %get3A_61] : memref<1x16xf32, #tpu.memory_space<vmem>>, vector<1x16xf32>
    %add3A_63 = vector.broadcast %get3A_62 : vector<1x16xf32> to vector<16384x16xf32>
    %add3A_64 = arith.addf %dot_general3A_59, %add3A_63 : vector<16384x16xf32>
    %slice3A = vector.extract_strided_slice %add3A_64 {offsets = [0, 0], sizes = [2048, 16], strides = [1, 1]} : vector<16384x16xf32> to vector<2048x16xf32>
    %swap3A = arith.constant 0 : index
    %swap3A_65 = arith.constant 0 : index
    %swap3A_66 = arith.constant 0 : index
    %swap3A_67 = vector.load %arg13[%swap3A, %swap3A_65, %swap3A_66] : memref<1x2048x128xf32, #tpu.memory_space<vmem>>, vector<1x2048x16xf32>
    %swap3A_68 = vector.shape_cast %swap3A_67 : vector<1x2048x16xf32> to vector<2048x16xf32>
    %swap3A_69 = vector.shape_cast %slice3A : vector<2048x16xf32> to vector<1x2048x16xf32>
    tpu.vector_store %arg13[%swap3A, %swap3A_65, %swap3A_66], %swap3A_69 {strides = array<i32>} : memref<1x2048x128xf32, #tpu.memory_space<vmem>>, vector<1x2048x16xf32>,
    %slice3A_70 = vector.extract_strided_slice %add3A_64 {offsets = [2048, 0], sizes = [2048, 16], strides = [1, 1]} : vector<16384x16xf32> to vector<2048x16xf32>
    %swap3A_71 = arith.constant 0 : index
    %swap3A_72 = arith.constant 0 : index
    %swap3A_73 = arith.constant 16 : index
    %swap3A_74 = vector.load %arg13[%swap3A_71, %swap3A_72, %swap3A_73] : memref<1x2048x128xf32, #tpu.memory_space<vmem>>, vector<1x2048x16xf32>
    %swap3A_75 = vector.shape_cast %swap3A_74 : vector<1x2048x16xf32> to vector<2048x16xf32>
    %swap3A_76 = vector.shape_cast %slice3A_70 : vector<2048x16xf32> to vector<1x2048x16xf32>
    tpu.vector_store %arg13[%swap3A_71, %swap3A_72, %swap3A_73], %swap3A_76 {strides = array<i32>} : memref<1x2048x128xf32, #tpu.memory_space<vmem>>, vector<1x2048x16xf32>,
    %slice3A_77 = vector.extract_strided_slice %add3A_64 {offsets = [4096, 0], sizes = [2048, 16], strides = [1, 1]} : vector<16384x16xf32> to vector<2048x16xf32>
    %swap3A_78 = arith.constant 0 : index
    %swap3A_79 = arith.constant 0 : index
    %swap3A_80 = arith.constant 32 : index
    %swap3A_81 = vector.load %arg13[%swap3A_78, %swap3A_79, %swap3A_80] : memref<1x2048x128xf32, #tpu.memory_space<vmem>>, vector<1x2048x16xf32>
    %swap3A_82 = vector.shape_cast %swap3A_81 : vector<1x2048x16xf32> to vector<2048x16xf32>
    %swap3A_83 = vector.shape_cast %slice3A_77 : vector<2048x16xf32> to vector<1x2048x16xf32>
    tpu.vector_store %arg13[%swap3A_78, %swap3A_79, %swap3A_80], %swap3A_83 {strides = array<i32>} : memref<1x2048x128xf32, #tpu.memory_space<vmem>>, vector<1x2048x16xf32>,
    %slice3A_84 = vector.extract_strided_slice %add3A_64 {offsets = [6144, 0], sizes = [2048, 16], strides = [1, 1]} : vector<16384x16xf32> to vector<2048x16xf32>
    %swap3A_85 = arith.constant 0 : index
    %swap3A_86 = arith.constant 0 : index
    %swap3A_87 = arith.constant 48 : index
    %swap3A_88 = vector.load %arg13[%swap3A_85, %swap3A_86, %swap3A_87] : memref<1x2048x128xf32, #tpu.memory_space<vmem>>, vector<1x2048x16xf32>
    %swap3A_89 = vector.shape_cast %swap3A_88 : vector<1x2048x16xf32> to vector<2048x16xf32>
    %swap3A_90 = vector.shape_cast %slice3A_84 : vector<2048x16xf32> to vector<1x2048x16xf32>
    tpu.vector_store %arg13[%swap3A_85, %swap3A_86, %swap3A_87], %swap3A_90 {strides = array<i32>} : memref<1x2048x128xf32, #tpu.memory_space<vmem>>, vector<1x2048x16xf32>,
    %slice3A_91 = vector.extract_strided_slice %add3A_64 {offsets = [8192, 0], sizes = [2048, 16], strides = [1, 1]} : vector<16384x16xf32> to vector<2048x16xf32>
    %swap3A_92 = arith.constant 0 : index
    %swap3A_93 = arith.constant 0 : index
    %swap3A_94 = arith.constant 64 : index
    %swap3A_95 = vector.load %arg13[%swap3A_92, %swap3A_93, %swap3A_94] : memref<1x2048x128xf32, #tpu.memory_space<vmem>>, vector<1x2048x16xf32>
    %swap3A_96 = vector.shape_cast %swap3A_95 : vector<1x2048x16xf32> to vector<2048x16xf32>
    %swap3A_97 = vector.shape_cast %slice3A_91 : vector<2048x16xf32> to vector<1x2048x16xf32>
    tpu.vector_store %arg13[%swap3A_92, %swap3A_93, %swap3A_94], %swap3A_97 {strides = array<i32>} : memref<1x2048x128xf32, #tpu.memory_space<vmem>>, vector<1x2048x16xf32>,
    %slice3A_98 = vector.extract_strided_slice %add3A_64 {offsets = [10240, 0], sizes = [2048, 16], strides = [1, 1]} : vector<16384x16xf32> to vector<2048x16xf32>
    %swap3A_99 = arith.constant 0 : index
    %swap3A_100 = arith.constant 0 : index
    %swap3A_101 = arith.constant 80 : index
    %swap3A_102 = vector.load %arg13[%swap3A_99, %swap3A_100, %swap3A_101] : memref<1x2048x128xf32, #tpu.memory_space<vmem>>, vector<1x2048x16xf32>
    %swap3A_103 = vector.shape_cast %swap3A_102 : vector<1x2048x16xf32> to vector<2048x16xf32>
    %swap3A_104 = vector.shape_cast %slice3A_98 : vector<2048x16xf32> to vector<1x2048x16xf32>
    tpu.vector_store %arg13[%swap3A_99, %swap3A_100, %swap3A_101], %swap3A_104 {strides = array<i32>} : memref<1x2048x128xf32, #tpu.memory_space<vmem>>, vector<1x2048x16xf32>,
    %slice3A_105 = vector.extract_strided_slice %add3A_64 {offsets = [12288, 0], sizes = [2048, 16], strides = [1, 1]} : vector<16384x16xf32> to vector<2048x16xf32>
    %swap3A_106 = arith.constant 0 : index
    %swap3A_107 = arith.constant 0 : index
    %swap3A_108 = arith.constant 96 : index
    %swap3A_109 = vector.load %arg13[%swap3A_106, %swap3A_107, %swap3A_108] : memref<1x2048x128xf32, #tpu.memory_space<vmem>>, vector<1x2048x16xf32>
    %swap3A_110 = vector.shape_cast %swap3A_109 : vector<1x2048x16xf32> to vector<2048x16xf32>
    %swap3A_111 = vector.shape_cast %slice3A_105 : vector<2048x16xf32> to vector<1x2048x16xf32>
    tpu.vector_store %arg13[%swap3A_106, %swap3A_107, %swap3A_108], %swap3A_111 {strides = array<i32>} : memref<1x2048x128xf32, #tpu.memory_space<vmem>>, vector<1x2048x16xf32>,
    %slice3A_112 = vector.extract_strided_slice %add3A_64 {offsets = [14336, 0], sizes = [2048, 16], strides = [1, 1]} : vector<16384x16xf32> to vector<2048x16xf32>
    %swap3A_113 = arith.constant 0 : index
    %swap3A_114 = arith.constant 0 : index
    %swap3A_115 = arith.constant 112 : index
    %swap3A_116 = vector.load %arg13[%swap3A_113, %swap3A_114, %swap3A_115] : memref<1x2048x128xf32, #tpu.memory_space<vmem>>, vector<1x2048x16xf32>
    %swap3A_117 = vector.shape_cast %swap3A_116 : vector<1x2048x16xf32> to vector<2048x16xf32>
    %swap3A_118 = vector.shape_cast %slice3A_112 : vector<2048x16xf32> to vector<1x2048x16xf32>
    tpu.vector_store %arg13[%swap3A_113, %swap3A_114, %swap3A_115], %swap3A_118 {strides = array<i32>} : memref<1x2048x128xf32, #tpu.memory_space<vmem>>, vector<1x2048x16xf32>,
    return
  }
  func.func @transform_0(%arg0: i32, %arg1: i32) -> (i32, i32) {
    %add3A = arith.constant 0 : i32
    %add3A_0 = arith.addi %add3A, %arg1 : i32
    %c0_i32 = arith.constant 0 : i32
    %c0_i32_1 = arith.constant 0 : i32
    return %c0_i32, %add3A_0 : i32, i32
  }
  func.func @transform_1(%arg0: i32, %arg1: i32) -> (i32, i32) {
    %c0_i32 = arith.constant 0 : i32
    %c0_i32_0 = arith.constant 0 : i32
    %c0_i32_1 = arith.constant 0 : i32
    return %c0_i32, %c0_i32_0 : i32, i32
  }
  func.func @transform_2(%arg0: i32, %arg1: i32) -> (i32, i32) {
    %c0_i32 = arith.constant 0 : i32
    %c0_i32_0 = arith.constant 0 : i32
    %c0_i32_1 = arith.constant 0 : i32
    return %c0_i32, %c0_i32_0 : i32, i32
  }
  func.func @transform_3(%arg0: i32, %arg1: i32) -> (i32, i32) {
    %c0_i32 = arith.constant 0 : i32
    %c0_i32_0 = arith.constant 0 : i32
    %c0_i32_1 = arith.constant 0 : i32
    return %c0_i32, %c0_i32_0 : i32, i32
  }
  func.func @transform_4(%arg0: i32, %arg1: i32) -> (i32, i32) {
    %c0_i32 = arith.constant 0 : i32
    %c0_i32_0 = arith.constant 0 : i32
    %c0_i32_1 = arith.constant 0 : i32
    return %c0_i32, %c0_i32_0 : i32, i32
  }
  func.func @transform_5(%arg0: i32, %arg1: i32) -> (i32, i32) {
    %c0_i32 = arith.constant 0 : i32
    %c0_i32_0 = arith.constant 0 : i32
    %c0_i32_1 = arith.constant 0 : i32
    return %c0_i32, %c0_i32_0 : i32, i32
  }
  func.func @transform_6(%arg0: i32, %arg1: i32) -> (i32, i32) {
    %c0_i32 = arith.constant 0 : i32
    %c0_i32_0 = arith.constant 0 : i32
    %c0_i32_1 = arith.constant 0 : i32
    return %c0_i32, %c0_i32_0 : i32, i32
  }
  func.func @transform_7(%arg0: i32, %arg1: i32) -> (i32, i32) {
    %c0_i32 = arith.constant 0 : i32
    %c0_i32_0 = arith.constant 0 : i32
    %c0_i32_1 = arith.constant 0 : i32
    return %c0_i32, %c0_i32_0 : i32, i32
  }
  func.func @transform_8(%arg0: i32, %arg1: i32) -> (i32, i32) {
    %c0_i32 = arith.constant 0 : i32
    %c0_i32_0 = arith.constant 0 : i32
    %c0_i32_1 = arith.constant 0 : i32
    return %c0_i32, %c0_i32_0 : i32, i32
  }
  func.func @transform_9(%arg0: i32, %arg1: i32) -> (i32, i32) {
    %c0_i32 = arith.constant 0 : i32
    %c0_i32_0 = arith.constant 0 : i32
    %c0_i32_1 = arith.constant 0 : i32
    return %c0_i32, %c0_i32_0 : i32, i32
  }
  func.func @transform_10(%arg0: i32, %arg1: i32) -> (i32, i32) {
    %c0_i32 = arith.constant 0 : i32
    %c0_i32_0 = arith.constant 0 : i32
    %c0_i32_1 = arith.constant 0 : i32
    return %c0_i32, %c0_i32_0 : i32, i32
  }
  func.func @transform_11(%arg0: i32, %arg1: i32) -> (i32, i32, i32) {
    %c0_i32 = arith.constant 0 : i32
    %c0_i32_0 = arith.constant 0 : i32
    return %arg0, %arg1, %c0_i32 : i32, i32, i32
  }
}

module attributes {stable_mosaic.version = 14 : i64} {
  func.func @_edge_mlp_body(%arg0: i32, %arg1: i32, %arg2: memref<12x16384xf32, #tpu.memory_space<vmem>>, %arg3: memref<12x128xbf16, #tpu.memory_space<vmem>>, %arg4: memref<1x128xf32, #tpu.memory_space<vmem>>, %arg5: memref<128x64xbf16, #tpu.memory_space<vmem>>, %arg6: memref<1x64xf32, #tpu.memory_space<vmem>>, %arg7: memref<64x32xbf16, #tpu.memory_space<vmem>>, %arg8: memref<1x32xf32, #tpu.memory_space<vmem>>, %arg9: memref<32x16xbf16, #tpu.memory_space<vmem>>, %arg10: memref<1x16xf32, #tpu.memory_space<vmem>>, %arg11: memref<16x16xbf16, #tpu.memory_space<vmem>>, %arg12: memref<1x16xf32, #tpu.memory_space<vmem>>, %arg13: memref<1x2048x128xf32, #tpu.memory_space<vmem>>) attributes {dimension_semantics = [#tpu.dimension_semantics<arbitrary>, #tpu.dimension_semantics<arbitrary>], iteration_bounds = array<i64: 1, 20>, scalar_prefetch = 0 : i64, scratch_operands = 0 : i64, tpu.core_type = #tpu.core_type<tc>, window_params = [{transform_indices = @transform_0, window_bounds = array<i64: 12, 16384>}, {pipeline_mode = #tpu.pipeline_mode<synchronous>, transform_indices = @transform_1, window_bounds = array<i64: 12, 128>}, {pipeline_mode = #tpu.pipeline_mode<synchronous>, transform_indices = @transform_2, window_bounds = array<i64: 1, 128>}, {pipeline_mode = #tpu.pipeline_mode<synchronous>, transform_indices = @transform_3, window_bounds = array<i64: 128, 64>}, {pipeline_mode = #tpu.pipeline_mode<synchronous>, transform_indices = @transform_4, window_bounds = array<i64: 1, 64>}, {pipeline_mode = #tpu.pipeline_mode<synchronous>, transform_indices = @transform_5, window_bounds = array<i64: 64, 32>}, {pipeline_mode = #tpu.pipeline_mode<synchronous>, transform_indices = @transform_6, window_bounds = array<i64: 1, 32>}, {pipeline_mode = #tpu.pipeline_mode<synchronous>, transform_indices = @transform_7, window_bounds = array<i64: 32, 16>}, {pipeline_mode = #tpu.pipeline_mode<synchronous>, transform_indices = @transform_8, window_bounds = array<i64: 1, 16>}, {pipeline_mode = #tpu.pipeline_mode<synchronous>, transform_indices = @transform_9, window_bounds = array<i64: 16, 16>}, {pipeline_mode = #tpu.pipeline_mode<synchronous>, transform_indices = @transform_10, window_bounds = array<i64: 1, 16>}, {transform_indices = @transform_11, window_bounds = array<i64: 1, 2048, 128>}]} {
    %get3A = arith.constant 0 : index
    %get3A_0 = arith.constant 0 : index
    %get3A_1 = vector.load %arg2[%get3A, %get3A_0] : memref<12x16384xf32, #tpu.memory_space<vmem>>, vector<12x16384xf32>
    %convert_element_type3A = arith.truncf %get3A_1 : vector<12x16384xf32> to vector<12x16384xbf16>
    %get3A_2 = arith.constant 0 : index
    %get3A_3 = arith.constant 0 : index
    %get3A_4 = vector.load %arg3[%get3A_2, %get3A_3] : memref<12x128xbf16, #tpu.memory_space<vmem>>, vector<12x128xbf16>
    %dot_general3A = arith.constant dense<0.000000e+00> : vector<16384x128xf32>
    %dot_general3A_5 = tpu.matmul %convert_element_type3A, %get3A_4, %dot_general3A {dimension_numbers = #tpu.dot_dimension_numbers<[0], [0], [1], [1], [0, 1, 1, 1], [], []>, transpose_lhs_hint = false} : vector<12x16384xbf16>, vector<12x128xbf16>, vector<16384x128xf32> -> vector<16384x128xf32>
    %get3A_6 = arith.constant 0 : index
    %get3A_7 = arith.constant 0 : index
    %get3A_8 = vector.load %arg4[%get3A_6, %get3A_7] : memref<1x128xf32, #tpu.memory_space<vmem>>, vector<1x128xf32>
    %add3A = vector.broadcast %get3A_8 : vector<1x128xf32> to vector<16384x128xf32>
    %add3A_9 = arith.addf %dot_general3A_5, %add3A : vector<16384x128xf32>
    %max3A = arith.constant 0.000000e+00 : f32
    %max3A_10 = vector.broadcast %max3A : f32 to vector<16384x128xf32>
    %max3A_11 = arith.maximumf %add3A_9, %max3A_10 : vector<16384x128xf32>
    %convert_element_type3A_12 = arith.truncf %max3A_11 : vector<16384x128xf32> to vector<16384x128xbf16>
    %get3A_13 = arith.constant 0 : index
    %get3A_14 = arith.constant 0 : index
    %get3A_15 = vector.load %arg5[%get3A_13, %get3A_14] : memref<128x64xbf16, #tpu.memory_space<vmem>>, vector<128x64xbf16>
    %dot_general3A_16 = arith.constant dense<0.000000e+00> : vector<16384x64xf32>
    %dot_general3A_17 = tpu.matmul %convert_element_type3A_12, %get3A_15, %dot_general3A_16 {dimension_numbers = #tpu.dot_dimension_numbers<[1], [0], [0], [1], [0, 0, 1, 1], [], []>, transpose_lhs_hint = false} : vector<16384x128xbf16>, vector<128x64xbf16>, vector<16384x64xf32> -> vector<16384x64xf32>
    %get3A_18 = arith.constant 0 : index
    %get3A_19 = arith.constant 0 : index
    %get3A_20 = vector.load %arg6[%get3A_18, %get3A_19] : memref<1x64xf32, #tpu.memory_space<vmem>>, vector<1x64xf32>
    %add3A_21 = vector.broadcast %get3A_20 : vector<1x64xf32> to vector<16384x64xf32>
    %add3A_22 = arith.addf %dot_general3A_17, %add3A_21 : vector<16384x64xf32>
    %max3A_23 = arith.constant 0.000000e+00 : f32
    %max3A_24 = vector.broadcast %max3A_23 : f32 to vector<16384x64xf32>
    %max3A_25 = arith.maximumf %add3A_22, %max3A_24 : vector<16384x64xf32>
    %convert_element_type3A_26 = arith.truncf %max3A_25 : vector<16384x64xf32> to vector<16384x64xbf16>
    %get3A_27 = arith.constant 0 : index
    %get3A_28 = arith.constant 0 : index
    %get3A_29 = vector.load %arg7[%get3A_27, %get3A_28] : memref<64x32xbf16, #tpu.memory_space<vmem>>, vector<64x32xbf16>
    %dot_general3A_30 = arith.constant dense<0.000000e+00> : vector<16384x32xf32>
    %dot_general3A_31 = tpu.matmul %convert_element_type3A_26, %get3A_29, %dot_general3A_30 {dimension_numbers = #tpu.dot_dimension_numbers<[1], [0], [0], [1], [0, 0, 1, 1], [], []>, transpose_lhs_hint = false} : vector<16384x64xbf16>, vector<64x32xbf16>, vector<16384x32xf32> -> vector<16384x32xf32>
    %get3A_32 = arith.constant 0 : index
    %get3A_33 = arith.constant 0 : index
    %get3A_34 = vector.load %arg8[%get3A_32, %get3A_33] : memref<1x32xf32, #tpu.memory_space<vmem>>, vector<1x32xf32>
    %add3A_35 = vector.broadcast %get3A_34 : vector<1x32xf32> to vector<16384x32xf32>
    %add3A_36 = arith.addf %dot_general3A_31, %add3A_35 : vector<16384x32xf32>
    %max3A_37 = arith.constant 0.000000e+00 : f32
    %max3A_38 = vector.broadcast %max3A_37 : f32 to vector<16384x32xf32>
    %max3A_39 = arith.maximumf %add3A_36, %max3A_38 : vector<16384x32xf32>
    %convert_element_type3A_40 = arith.truncf %max3A_39 : vector<16384x32xf32> to vector<16384x32xbf16>
    %get3A_41 = arith.constant 0 : index
    %get3A_42 = arith.constant 0 : index
    %get3A_43 = vector.load %arg9[%get3A_41, %get3A_42] : memref<32x16xbf16, #tpu.memory_space<vmem>>, vector<32x16xbf16>
    %dot_general3A_44 = arith.constant dense<0.000000e+00> : vector<16384x16xf32>
    %dot_general3A_45 = tpu.matmul %convert_element_type3A_40, %get3A_43, %dot_general3A_44 {dimension_numbers = #tpu.dot_dimension_numbers<[1], [0], [0], [1], [0, 0, 1, 1], [], []>, transpose_lhs_hint = false} : vector<16384x32xbf16>, vector<32x16xbf16>, vector<16384x16xf32> -> vector<16384x16xf32>
    %get3A_46 = arith.constant 0 : index
    %get3A_47 = arith.constant 0 : index
    %get3A_48 = vector.load %arg10[%get3A_46, %get3A_47] : memref<1x16xf32, #tpu.memory_space<vmem>>, vector<1x16xf32>
    %add3A_49 = vector.broadcast %get3A_48 : vector<1x16xf32> to vector<16384x16xf32>
    %add3A_50 = arith.addf %dot_general3A_45, %add3A_49 : vector<16384x16xf32>
    %max3A_51 = arith.constant 0.000000e+00 : f32
    %max3A_52 = vector.broadcast %max3A_51 : f32 to vector<16384x16xf32>
    %max3A_53 = arith.maximumf %add3A_50, %max3A_52 : vector<16384x16xf32>
    %convert_element_type3A_54 = arith.truncf %max3A_53 : vector<16384x16xf32> to vector<16384x16xbf16>
    %get3A_55 = arith.constant 0 : index
    %get3A_56 = arith.constant 0 : index
    %get3A_57 = vector.load %arg11[%get3A_55, %get3A_56] : memref<16x16xbf16, #tpu.memory_space<vmem>>, vector<16x16xbf16>
    %dot_general3A_58 = arith.constant dense<0.000000e+00> : vector<16384x16xf32>
    %dot_general3A_59 = tpu.matmul %convert_element_type3A_54, %get3A_57, %dot_general3A_58 {dimension_numbers = #tpu.dot_dimension_numbers<[1], [0], [0], [1], [0, 0, 1, 1], [], []>, transpose_lhs_hint = false} : vector<16384x16xbf16>, vector<16x16xbf16>, vector<16384x16xf32> -> vector<16384x16xf32>
    %get3A_60 = arith.constant 0 : index
    %get3A_61 = arith.constant 0 : index
    %get3A_62 = vector.load %arg12[%get3A_60, %get3A_61] : memref<1x16xf32, #tpu.memory_space<vmem>>, vector<1x16xf32>
    %add3A_63 = vector.broadcast %get3A_62 : vector<1x16xf32> to vector<16384x16xf32>
    %add3A_64 = arith.addf %dot_general3A_59, %add3A_63 : vector<16384x16xf32>
    %slice3A = vector.extract_strided_slice %add3A_64 {offsets = [0, 0], sizes = [2048, 16], strides = [1, 1]} : vector<16384x16xf32> to vector<2048x16xf32>
    %swap3A = arith.constant 0 : index
    %swap3A_65 = arith.constant 0 : index
    %swap3A_66 = arith.constant 0 : index
    %swap3A_67 = vector.load %arg13[%swap3A, %swap3A_65, %swap3A_66] : memref<1x2048x128xf32, #tpu.memory_space<vmem>>, vector<1x2048x16xf32>
    %swap3A_68 = vector.shape_cast %swap3A_67 : vector<1x2048x16xf32> to vector<2048x16xf32>
    %swap3A_69 = vector.shape_cast %slice3A : vector<2048x16xf32> to vector<1x2048x16xf32>
    tpu.vector_store %arg13[%swap3A, %swap3A_65, %swap3A_66], %swap3A_69 {strides = array<i32>} : memref<1x2048x128xf32, #tpu.memory_space<vmem>>, vector<1x2048x16xf32>,
    %slice3A_70 = vector.extract_strided_slice %add3A_64 {offsets = [2048, 0], sizes = [2048, 16], strides = [1, 1]} : vector<16384x16xf32> to vector<2048x16xf32>
    %swap3A_71 = arith.constant 0 : index
    %swap3A_72 = arith.constant 0 : index
    %swap3A_73 = arith.constant 16 : index
    %swap3A_74 = vector.load %arg13[%swap3A_71, %swap3A_72, %swap3A_73] : memref<1x2048x128xf32, #tpu.memory_space<vmem>>, vector<1x2048x16xf32>
    %swap3A_75 = vector.shape_cast %swap3A_74 : vector<1x2048x16xf32> to vector<2048x16xf32>
    %swap3A_76 = vector.shape_cast %slice3A_70 : vector<2048x16xf32> to vector<1x2048x16xf32>
    tpu.vector_store %arg13[%swap3A_71, %swap3A_72, %swap3A_73], %swap3A_76 {strides = array<i32>} : memref<1x2048x128xf32, #tpu.memory_space<vmem>>, vector<1x2048x16xf32>,
    %slice3A_77 = vector.extract_strided_slice %add3A_64 {offsets = [4096, 0], sizes = [2048, 16], strides = [1, 1]} : vector<16384x16xf32> to vector<2048x16xf32>
    %swap3A_78 = arith.constant 0 : index
    %swap3A_79 = arith.constant 0 : index
    %swap3A_80 = arith.constant 32 : index
    %swap3A_81 = vector.load %arg13[%swap3A_78, %swap3A_79, %swap3A_80] : memref<1x2048x128xf32, #tpu.memory_space<vmem>>, vector<1x2048x16xf32>
    %swap3A_82 = vector.shape_cast %swap3A_81 : vector<1x2048x16xf32> to vector<2048x16xf32>
    %swap3A_83 = vector.shape_cast %slice3A_77 : vector<2048x16xf32> to vector<1x2048x16xf32>
    tpu.vector_store %arg13[%swap3A_78, %swap3A_79, %swap3A_80], %swap3A_83 {strides = array<i32>} : memref<1x2048x128xf32, #tpu.memory_space<vmem>>, vector<1x2048x16xf32>,
    %slice3A_84 = vector.extract_strided_slice %add3A_64 {offsets = [6144, 0], sizes = [2048, 16], strides = [1, 1]} : vector<16384x16xf32> to vector<2048x16xf32>
    %swap3A_85 = arith.constant 0 : index
    %swap3A_86 = arith.constant 0 : index
    %swap3A_87 = arith.constant 48 : index
    %swap3A_88 = vector.load %arg13[%swap3A_85, %swap3A_86, %swap3A_87] : memref<1x2048x128xf32, #tpu.memory_space<vmem>>, vector<1x2048x16xf32>
    %swap3A_89 = vector.shape_cast %swap3A_88 : vector<1x2048x16xf32> to vector<2048x16xf32>
    %swap3A_90 = vector.shape_cast %slice3A_84 : vector<2048x16xf32> to vector<1x2048x16xf32>
    tpu.vector_store %arg13[%swap3A_85, %swap3A_86, %swap3A_87], %swap3A_90 {strides = array<i32>} : memref<1x2048x128xf32, #tpu.memory_space<vmem>>, vector<1x2048x16xf32>,
    %slice3A_91 = vector.extract_strided_slice %add3A_64 {offsets = [8192, 0], sizes = [2048, 16], strides = [1, 1]} : vector<16384x16xf32> to vector<2048x16xf32>
    %swap3A_92 = arith.constant 0 : index
    %swap3A_93 = arith.constant 0 : index
    %swap3A_94 = arith.constant 64 : index
    %swap3A_95 = vector.load %arg13[%swap3A_92, %swap3A_93, %swap3A_94] : memref<1x2048x128xf32, #tpu.memory_space<vmem>>, vector<1x2048x16xf32>
    %swap3A_96 = vector.shape_cast %swap3A_95 : vector<1x2048x16xf32> to vector<2048x16xf32>
    %swap3A_97 = vector.shape_cast %slice3A_91 : vector<2048x16xf32> to vector<1x2048x16xf32>
    tpu.vector_store %arg13[%swap3A_92, %swap3A_93, %swap3A_94], %swap3A_97 {strides = array<i32>} : memref<1x2048x128xf32, #tpu.memory_space<vmem>>, vector<1x2048x16xf32>,
    %slice3A_98 = vector.extract_strided_slice %add3A_64 {offsets = [10240, 0], sizes = [2048, 16], strides = [1, 1]} : vector<16384x16xf32> to vector<2048x16xf32>
    %swap3A_99 = arith.constant 0 : index
    %swap3A_100 = arith.constant 0 : index
    %swap3A_101 = arith.constant 80 : index
    %swap3A_102 = vector.load %arg13[%swap3A_99, %swap3A_100, %swap3A_101] : memref<1x2048x128xf32, #tpu.memory_space<vmem>>, vector<1x2048x16xf32>
    %swap3A_103 = vector.shape_cast %swap3A_102 : vector<1x2048x16xf32> to vector<2048x16xf32>
    %swap3A_104 = vector.shape_cast %slice3A_98 : vector<2048x16xf32> to vector<1x2048x16xf32>
    tpu.vector_store %arg13[%swap3A_99, %swap3A_100, %swap3A_101], %swap3A_104 {strides = array<i32>} : memref<1x2048x128xf32, #tpu.memory_space<vmem>>, vector<1x2048x16xf32>,
    %slice3A_105 = vector.extract_strided_slice %add3A_64 {offsets = [12288, 0], sizes = [2048, 16], strides = [1, 1]} : vector<16384x16xf32> to vector<2048x16xf32>
    %swap3A_106 = arith.constant 0 : index
    %swap3A_107 = arith.constant 0 : index
    %swap3A_108 = arith.constant 96 : index
    %swap3A_109 = vector.load %arg13[%swap3A_106, %swap3A_107, %swap3A_108] : memref<1x2048x128xf32, #tpu.memory_space<vmem>>, vector<1x2048x16xf32>
    %swap3A_110 = vector.shape_cast %swap3A_109 : vector<1x2048x16xf32> to vector<2048x16xf32>
    %swap3A_111 = vector.shape_cast %slice3A_105 : vector<2048x16xf32> to vector<1x2048x16xf32>
    tpu.vector_store %arg13[%swap3A_106, %swap3A_107, %swap3A_108], %swap3A_111 {strides = array<i32>} : memref<1x2048x128xf32, #tpu.memory_space<vmem>>, vector<1x2048x16xf32>,
    %slice3A_112 = vector.extract_strided_slice %add3A_64 {offsets = [14336, 0], sizes = [2048, 16], strides = [1, 1]} : vector<16384x16xf32> to vector<2048x16xf32>
    %swap3A_113 = arith.constant 0 : index
    %swap3A_114 = arith.constant 0 : index
    %swap3A_115 = arith.constant 112 : index
    %swap3A_116 = vector.load %arg13[%swap3A_113, %swap3A_114, %swap3A_115] : memref<1x2048x128xf32, #tpu.memory_space<vmem>>, vector<1x2048x16xf32>
    %swap3A_117 = vector.shape_cast %swap3A_116 : vector<1x2048x16xf32> to vector<2048x16xf32>
    %swap3A_118 = vector.shape_cast %slice3A_112 : vector<2048x16xf32> to vector<1x2048x16xf32>
    tpu.vector_store %arg13[%swap3A_113, %swap3A_114, %swap3A_115], %swap3A_118 {strides = array<i32>} : memref<1x2048x128xf32, #tpu.memory_space<vmem>>, vector<1x2048x16xf32>,
    return
  }
  func.func @transform_0(%arg0: i32, %arg1: i32) -> (i32, i32) {
    %add3A = arith.constant 20 : i32
    %add3A_0 = arith.addi %add3A, %arg1 : i32
    %c0_i32 = arith.constant 0 : i32
    %c0_i32_1 = arith.constant 0 : i32
    return %c0_i32, %add3A_0 : i32, i32
  }
  func.func @transform_1(%arg0: i32, %arg1: i32) -> (i32, i32) {
    %c0_i32 = arith.constant 0 : i32
    %c0_i32_0 = arith.constant 0 : i32
    %c0_i32_1 = arith.constant 0 : i32
    return %c0_i32, %c0_i32_0 : i32, i32
  }
  func.func @transform_2(%arg0: i32, %arg1: i32) -> (i32, i32) {
    %c0_i32 = arith.constant 0 : i32
    %c0_i32_0 = arith.constant 0 : i32
    %c0_i32_1 = arith.constant 0 : i32
    return %c0_i32, %c0_i32_0 : i32, i32
  }
  func.func @transform_3(%arg0: i32, %arg1: i32) -> (i32, i32) {
    %c0_i32 = arith.constant 0 : i32
    %c0_i32_0 = arith.constant 0 : i32
    %c0_i32_1 = arith.constant 0 : i32
    return %c0_i32, %c0_i32_0 : i32, i32
  }
  func.func @transform_4(%arg0: i32, %arg1: i32) -> (i32, i32) {
    %c0_i32 = arith.constant 0 : i32
    %c0_i32_0 = arith.constant 0 : i32
    %c0_i32_1 = arith.constant 0 : i32
    return %c0_i32, %c0_i32_0 : i32, i32
  }
  func.func @transform_5(%arg0: i32, %arg1: i32) -> (i32, i32) {
    %c0_i32 = arith.constant 0 : i32
    %c0_i32_0 = arith.constant 0 : i32
    %c0_i32_1 = arith.constant 0 : i32
    return %c0_i32, %c0_i32_0 : i32, i32
  }
  func.func @transform_6(%arg0: i32, %arg1: i32) -> (i32, i32) {
    %c0_i32 = arith.constant 0 : i32
    %c0_i32_0 = arith.constant 0 : i32
    %c0_i32_1 = arith.constant 0 : i32
    return %c0_i32, %c0_i32_0 : i32, i32
  }
  func.func @transform_7(%arg0: i32, %arg1: i32) -> (i32, i32) {
    %c0_i32 = arith.constant 0 : i32
    %c0_i32_0 = arith.constant 0 : i32
    %c0_i32_1 = arith.constant 0 : i32
    return %c0_i32, %c0_i32_0 : i32, i32
  }
  func.func @transform_8(%arg0: i32, %arg1: i32) -> (i32, i32) {
    %c0_i32 = arith.constant 0 : i32
    %c0_i32_0 = arith.constant 0 : i32
    %c0_i32_1 = arith.constant 0 : i32
    return %c0_i32, %c0_i32_0 : i32, i32
  }
  func.func @transform_9(%arg0: i32, %arg1: i32) -> (i32, i32) {
    %c0_i32 = arith.constant 0 : i32
    %c0_i32_0 = arith.constant 0 : i32
    %c0_i32_1 = arith.constant 0 : i32
    return %c0_i32, %c0_i32_0 : i32, i32
  }
  func.func @transform_10(%arg0: i32, %arg1: i32) -> (i32, i32) {
    %c0_i32 = arith.constant 0 : i32
    %c0_i32_0 = arith.constant 0 : i32
    %c0_i32_1 = arith.constant 0 : i32
    return %c0_i32, %c0_i32_0 : i32, i32
  }
  func.func @transform_11(%arg0: i32, %arg1: i32) -> (i32, i32, i32) {
    %c0_i32 = arith.constant 0 : i32
    %c0_i32_0 = arith.constant 0 : i32
    return %arg0, %arg1, %c0_i32 : i32, i32, i32
  }
}

module attributes {stable_mosaic.version = 14 : i64} {
  func.func @_node_mlp_body(%arg0: i32, %arg1: memref<5000x6xf32, #tpu.memory_space<vmem>>, %arg2: memref<5000x16xf32, #tpu.memory_space<vmem>>, %arg3: memref<5000x16xf32, #tpu.memory_space<vmem>>, %arg4: memref<6x128xf32, #tpu.memory_space<vmem>>, %arg5: memref<16x128xf32, #tpu.memory_space<vmem>>, %arg6: memref<1x128xf32, #tpu.memory_space<vmem>>, %arg7: memref<128x64xf32, #tpu.memory_space<vmem>>, %arg8: memref<1x64xf32, #tpu.memory_space<vmem>>, %arg9: memref<64x32xf32, #tpu.memory_space<vmem>>, %arg10: memref<1x32xf32, #tpu.memory_space<vmem>>, %arg11: memref<32x16xf32, #tpu.memory_space<vmem>>, %arg12: memref<1x16xf32, #tpu.memory_space<vmem>>, %arg13: memref<16x6xf32, #tpu.memory_space<vmem>>, %arg14: memref<1x6xf32, #tpu.memory_space<vmem>>, %arg15: memref<5000x6xf32, #tpu.memory_space<vmem>>) attributes {dimension_semantics = [#tpu.dimension_semantics<arbitrary>], iteration_bounds = array<i64: 4>, scalar_prefetch = 0 : i64, scratch_operands = 0 : i64, tpu.core_type = #tpu.core_type<tc>, window_params = [{transform_indices = @transform_0, window_bounds = array<i64: 5000, 6>}, {transform_indices = @transform_1, window_bounds = array<i64: 5000, 16>}, {transform_indices = @transform_2, window_bounds = array<i64: 5000, 16>}, {pipeline_mode = #tpu.pipeline_mode<synchronous>, transform_indices = @transform_3, window_bounds = array<i64: 6, 128>}, {pipeline_mode = #tpu.pipeline_mode<synchronous>, transform_indices = @transform_4, window_bounds = array<i64: 16, 128>}, {pipeline_mode = #tpu.pipeline_mode<synchronous>, transform_indices = @transform_5, window_bounds = array<i64: 1, 128>}, {pipeline_mode = #tpu.pipeline_mode<synchronous>, transform_indices = @transform_6, window_bounds = array<i64: 128, 64>}, {pipeline_mode = #tpu.pipeline_mode<synchronous>, transform_indices = @transform_7, window_bounds = array<i64: 1, 64>}, {pipeline_mode = #tpu.pipeline_mode<synchronous>, transform_indices = @transform_8, window_bounds = array<i64: 64, 32>}, {pipeline_mode = #tpu.pipeline_mode<synchronous>, transform_indices = @transform_9, window_bounds = array<i64: 1, 32>}, {pipeline_mode = #tpu.pipeline_mode<synchronous>, transform_indices = @transform_10, window_bounds = array<i64: 32, 16>}, {pipeline_mode = #tpu.pipeline_mode<synchronous>, transform_indices = @transform_11, window_bounds = array<i64: 1, 16>}, {pipeline_mode = #tpu.pipeline_mode<synchronous>, transform_indices = @transform_12, window_bounds = array<i64: 16, 6>}, {pipeline_mode = #tpu.pipeline_mode<synchronous>, transform_indices = @transform_13, window_bounds = array<i64: 1, 6>}, {transform_indices = @transform_14, window_bounds = array<i64: 5000, 6>}]} {
    %get3A = arith.constant 0 : index
    %get3A_0 = arith.constant 0 : index
    %get3A_1 = vector.load %arg2[%get3A, %get3A_0] : memref<5000x16xf32, #tpu.memory_space<vmem>>, vector<5000x16xf32>
    %get3A_2 = arith.constant 0 : index
    %get3A_3 = arith.constant 0 : index
    %get3A_4 = vector.load %arg3[%get3A_2, %get3A_3] : memref<5000x16xf32, #tpu.memory_space<vmem>>, vector<5000x16xf32>
    %add3A = arith.addf %get3A_1, %get3A_4 : vector<5000x16xf32>
    %get3A_5 = arith.constant 0 : index
    %get3A_6 = arith.constant 0 : index
    %get3A_7 = vector.load %arg1[%get3A_5, %get3A_6] : memref<5000x6xf32, #tpu.memory_space<vmem>>, vector<5000x6xf32>
    %get3A_8 = arith.constant 0 : index
    %get3A_9 = arith.constant 0 : index
    %get3A_10 = vector.load %arg4[%get3A_8, %get3A_9] : memref<6x128xf32, #tpu.memory_space<vmem>>, vector<6x128xf32>
    %dot_general3A = arith.constant dense<0.000000e+00> : vector<5000x128xf32>
    %dot_general3A_11 = tpu.matmul %get3A_7, %get3A_10, %dot_general3A {dimension_numbers = #tpu.dot_dimension_numbers<[1], [0], [0], [1], [0, 0, 1, 1], [], []>, transpose_lhs_hint = false} : vector<5000x6xf32>, vector<6x128xf32>, vector<5000x128xf32> -> vector<5000x128xf32>
    %get3A_12 = arith.constant 0 : index
    %get3A_13 = arith.constant 0 : index
    %get3A_14 = vector.load %arg5[%get3A_12, %get3A_13] : memref<16x128xf32, #tpu.memory_space<vmem>>, vector<16x128xf32>
    %dot_general3A_15 = arith.constant dense<0.000000e+00> : vector<5000x128xf32>
    %dot_general3A_16 = tpu.matmul %add3A, %get3A_14, %dot_general3A_15 {dimension_numbers = #tpu.dot_dimension_numbers<[1], [0], [0], [1], [0, 0, 1, 1], [], []>, transpose_lhs_hint = false} : vector<5000x16xf32>, vector<16x128xf32>, vector<5000x128xf32> -> vector<5000x128xf32>
    %add3A_17 = arith.addf %dot_general3A_11, %dot_general3A_16 : vector<5000x128xf32>
    %get3A_18 = arith.constant 0 : index
    %get3A_19 = arith.constant 0 : index
    %get3A_20 = vector.load %arg6[%get3A_18, %get3A_19] : memref<1x128xf32, #tpu.memory_space<vmem>>, vector<1x128xf32>
    %add3A_21 = vector.broadcast %get3A_20 : vector<1x128xf32> to vector<5000x128xf32>
    %add3A_22 = arith.addf %add3A_17, %add3A_21 : vector<5000x128xf32>
    %max3A = arith.constant 0.000000e+00 : f32
    %max3A_23 = vector.broadcast %max3A : f32 to vector<5000x128xf32>
    %max3A_24 = arith.maximumf %add3A_22, %max3A_23 : vector<5000x128xf32>
    %get3A_25 = arith.constant 0 : index
    %get3A_26 = arith.constant 0 : index
    %get3A_27 = vector.load %arg7[%get3A_25, %get3A_26] : memref<128x64xf32, #tpu.memory_space<vmem>>, vector<128x64xf32>
    %dot_general3A_28 = arith.constant dense<0.000000e+00> : vector<5000x64xf32>
    %dot_general3A_29 = tpu.matmul %max3A_24, %get3A_27, %dot_general3A_28 {dimension_numbers = #tpu.dot_dimension_numbers<[1], [0], [0], [1], [0, 0, 1, 1], [], []>, transpose_lhs_hint = false} : vector<5000x128xf32>, vector<128x64xf32>, vector<5000x64xf32> -> vector<5000x64xf32>
    %get3A_30 = arith.constant 0 : index
    %get3A_31 = arith.constant 0 : index
    %get3A_32 = vector.load %arg8[%get3A_30, %get3A_31] : memref<1x64xf32, #tpu.memory_space<vmem>>, vector<1x64xf32>
    %add3A_33 = vector.broadcast %get3A_32 : vector<1x64xf32> to vector<5000x64xf32>
    %add3A_34 = arith.addf %dot_general3A_29, %add3A_33 : vector<5000x64xf32>
    %max3A_35 = arith.constant 0.000000e+00 : f32
    %max3A_36 = vector.broadcast %max3A_35 : f32 to vector<5000x64xf32>
    %max3A_37 = arith.maximumf %add3A_34, %max3A_36 : vector<5000x64xf32>
    %get3A_38 = arith.constant 0 : index
    %get3A_39 = arith.constant 0 : index
    %get3A_40 = vector.load %arg9[%get3A_38, %get3A_39] : memref<64x32xf32, #tpu.memory_space<vmem>>, vector<64x32xf32>
    %dot_general3A_41 = arith.constant dense<0.000000e+00> : vector<5000x32xf32>
    %dot_general3A_42 = tpu.matmul %max3A_37, %get3A_40, %dot_general3A_41 {dimension_numbers = #tpu.dot_dimension_numbers<[1], [0], [0], [1], [0, 0, 1, 1], [], []>, transpose_lhs_hint = false} : vector<5000x64xf32>, vector<64x32xf32>, vector<5000x32xf32> -> vector<5000x32xf32>
    %get3A_43 = arith.constant 0 : index
    %get3A_44 = arith.constant 0 : index
    %get3A_45 = vector.load %arg10[%get3A_43, %get3A_44] : memref<1x32xf32, #tpu.memory_space<vmem>>, vector<1x32xf32>
    %add3A_46 = vector.broadcast %get3A_45 : vector<1x32xf32> to vector<5000x32xf32>
    %add3A_47 = arith.addf %dot_general3A_42, %add3A_46 : vector<5000x32xf32>
    %max3A_48 = arith.constant 0.000000e+00 : f32
    %max3A_49 = vector.broadcast %max3A_48 : f32 to vector<5000x32xf32>
    %max3A_50 = arith.maximumf %add3A_47, %max3A_49 : vector<5000x32xf32>
    %get3A_51 = arith.constant 0 : index
    %get3A_52 = arith.constant 0 : index
    %get3A_53 = vector.load %arg11[%get3A_51, %get3A_52] : memref<32x16xf32, #tpu.memory_space<vmem>>, vector<32x16xf32>
    %dot_general3A_54 = arith.constant dense<0.000000e+00> : vector<5000x16xf32>
    %dot_general3A_55 = tpu.matmul %max3A_50, %get3A_53, %dot_general3A_54 {dimension_numbers = #tpu.dot_dimension_numbers<[1], [0], [0], [1], [0, 0, 1, 1], [], []>, transpose_lhs_hint = false} : vector<5000x32xf32>, vector<32x16xf32>, vector<5000x16xf32> -> vector<5000x16xf32>
    %get3A_56 = arith.constant 0 : index
    %get3A_57 = arith.constant 0 : index
    %get3A_58 = vector.load %arg12[%get3A_56, %get3A_57] : memref<1x16xf32, #tpu.memory_space<vmem>>, vector<1x16xf32>
    %add3A_59 = vector.broadcast %get3A_58 : vector<1x16xf32> to vector<5000x16xf32>
    %add3A_60 = arith.addf %dot_general3A_55, %add3A_59 : vector<5000x16xf32>
    %max3A_61 = arith.constant 0.000000e+00 : f32
    %max3A_62 = vector.broadcast %max3A_61 : f32 to vector<5000x16xf32>
    %max3A_63 = arith.maximumf %add3A_60, %max3A_62 : vector<5000x16xf32>
    %get3A_64 = arith.constant 0 : index
    %get3A_65 = arith.constant 0 : index
    %get3A_66 = vector.load %arg13[%get3A_64, %get3A_65] : memref<16x6xf32, #tpu.memory_space<vmem>>, vector<16x6xf32>
    %dot_general3A_67 = arith.constant dense<0.000000e+00> : vector<5000x6xf32>
    %dot_general3A_68 = tpu.matmul %max3A_63, %get3A_66, %dot_general3A_67 {dimension_numbers = #tpu.dot_dimension_numbers<[1], [0], [0], [1], [0, 0, 1, 1], [], []>, transpose_lhs_hint = false} : vector<5000x16xf32>, vector<16x6xf32>, vector<5000x6xf32> -> vector<5000x6xf32>
    %get3A_69 = arith.constant 0 : index
    %get3A_70 = arith.constant 0 : index
    %get3A_71 = vector.load %arg14[%get3A_69, %get3A_70] : memref<1x6xf32, #tpu.memory_space<vmem>>, vector<1x6xf32>
    %add3A_72 = vector.broadcast %get3A_71 : vector<1x6xf32> to vector<5000x6xf32>
    %add3A_73 = arith.addf %dot_general3A_68, %add3A_72 : vector<5000x6xf32>
    %swap3A = arith.constant 0 : index
    %swap3A_74 = arith.constant 0 : index
    %swap3A_75 = vector.load %arg15[%swap3A, %swap3A_74] : memref<5000x6xf32, #tpu.memory_space<vmem>>, vector<5000x6xf32>
    tpu.vector_store %arg15[%swap3A, %swap3A_74], %add3A_73 {strides = array<i32>} : memref<5000x6xf32, #tpu.memory_space<vmem>>, vector<5000x6xf32>,
    return
  }
  func.func @transform_0(%arg0: i32) -> (i32, i32) {
    %c0_i32 = arith.constant 0 : i32
    %c0_i32_0 = arith.constant 0 : i32
    return %arg0, %c0_i32 : i32, i32
  }
  func.func @transform_1(%arg0: i32) -> (i32, i32) {
    %c0_i32 = arith.constant 0 : i32
    %c0_i32_0 = arith.constant 0 : i32
    return %arg0, %c0_i32 : i32, i32
  }
  func.func @transform_2(%arg0: i32) -> (i32, i32) {
    %c0_i32 = arith.constant 0 : i32
    %c0_i32_0 = arith.constant 0 : i32
    return %arg0, %c0_i32 : i32, i32
  }
  func.func @transform_3(%arg0: i32) -> (i32, i32) {
    %c0_i32 = arith.constant 0 : i32
    %c0_i32_0 = arith.constant 0 : i32
    %c0_i32_1 = arith.constant 0 : i32
    return %c0_i32, %c0_i32_0 : i32, i32
  }
  func.func @transform_4(%arg0: i32) -> (i32, i32) {
    %c0_i32 = arith.constant 0 : i32
    %c0_i32_0 = arith.constant 0 : i32
    %c0_i32_1 = arith.constant 0 : i32
    return %c0_i32, %c0_i32_0 : i32, i32
  }
  func.func @transform_5(%arg0: i32) -> (i32, i32) {
    %c0_i32 = arith.constant 0 : i32
    %c0_i32_0 = arith.constant 0 : i32
    %c0_i32_1 = arith.constant 0 : i32
    return %c0_i32, %c0_i32_0 : i32, i32
  }
  func.func @transform_6(%arg0: i32) -> (i32, i32) {
    %c0_i32 = arith.constant 0 : i32
    %c0_i32_0 = arith.constant 0 : i32
    %c0_i32_1 = arith.constant 0 : i32
    return %c0_i32, %c0_i32_0 : i32, i32
  }
  func.func @transform_7(%arg0: i32) -> (i32, i32) {
    %c0_i32 = arith.constant 0 : i32
    %c0_i32_0 = arith.constant 0 : i32
    %c0_i32_1 = arith.constant 0 : i32
    return %c0_i32, %c0_i32_0 : i32, i32
  }
  func.func @transform_8(%arg0: i32) -> (i32, i32) {
    %c0_i32 = arith.constant 0 : i32
    %c0_i32_0 = arith.constant 0 : i32
    %c0_i32_1 = arith.constant 0 : i32
    return %c0_i32, %c0_i32_0 : i32, i32
  }
  func.func @transform_9(%arg0: i32) -> (i32, i32) {
    %c0_i32 = arith.constant 0 : i32
    %c0_i32_0 = arith.constant 0 : i32
    %c0_i32_1 = arith.constant 0 : i32
    return %c0_i32, %c0_i32_0 : i32, i32
  }
  func.func @transform_10(%arg0: i32) -> (i32, i32) {
    %c0_i32 = arith.constant 0 : i32
    %c0_i32_0 = arith.constant 0 : i32
    %c0_i32_1 = arith.constant 0 : i32
    return %c0_i32, %c0_i32_0 : i32, i32
  }
  func.func @transform_11(%arg0: i32) -> (i32, i32) {
    %c0_i32 = arith.constant 0 : i32
    %c0_i32_0 = arith.constant 0 : i32
    %c0_i32_1 = arith.constant 0 : i32
    return %c0_i32, %c0_i32_0 : i32, i32
  }
  func.func @transform_12(%arg0: i32) -> (i32, i32) {
    %c0_i32 = arith.constant 0 : i32
    %c0_i32_0 = arith.constant 0 : i32
    %c0_i32_1 = arith.constant 0 : i32
    return %c0_i32, %c0_i32_0 : i32, i32
  }
  func.func @transform_13(%arg0: i32) -> (i32, i32) {
    %c0_i32 = arith.constant 0 : i32
    %c0_i32_0 = arith.constant 0 : i32
    %c0_i32_1 = arith.constant 0 : i32
    return %c0_i32, %c0_i32_0 : i32, i32
  }
  func.func @transform_14(%arg0: i32) -> (i32, i32) {
    %c0_i32 = arith.constant 0 : i32
    %c0_i32_0 = arith.constant 0 : i32
    return %arg0, %c0_i32 : i32, i32
  }
}

</mosaic_0001>

<sc_bundles>
// kernel: kernel.10.cloned.1.call-start
scs
__scs_entry_jumppad:
0x0: {  	(pc) =	sbr.rel $0x88, $3  }
0x1: {  	(tag) =	ssettag $0x0;
	lr =	simm.s32 $0x1  }
0x2: {  	[smem:$0x3F8A] =	sst lr;
	_ =	strace $0xD0000000  }
0x3: {  	_ = 	snop  }
0x4: {  	_ = 	snop  }
0x5: {  	_ = 	snop  }
0x6: {  	_ = 	snop  }
0x7: {  	_ = 	snop  }
__scs_overlays_trampoline_lowered:
0x8: {  	[smem:$0x3F99] =	sst s0  }
0x9: {  	[smem:$0x3F9A] =	sst s1  }
0xa: {  	[smem:$0x3F9B] =	sst s2  }
0xb: {  	[smem:$0x3F9C] =	sst s3  }
0xc: {  	[smem:$0x3F9D] =	sst s4  }
0xd: {  	[smem:$0x3F9E] =	sst s5  }
0xe: {  	[smem:$0x3F9F] =	sst s6  }
0xf: {  	[smem:$0x3FA0] =	sst s7  }
0x10: {  	[smem:$0x3FA1] =	sst s8  }
0x11: {  	[smem:$0x3FA2] =	sst s9;
	s0 =	simm.s32 @!p0 $0x0  }
0x12: {  	s1 =	sld [smem:$0x3F88];
	s0 =	simm.s32 @p0 $0x1  }
0x13: {  	[smem:$0x3FA3] =	sst s0;
	s0 =	simm.s32 @!p1 $0x0  }
0x14: {  	s2 =	sld [smem:$0x3F87];
	s0 =	simm.s32 @p1 $0x1  }
0x15: {  	[smem:$0x3FA4] =	sst s0;
	s0 =	simm.s32 @!p2 $0x0  }
0x16: {  	s3 =	sld [smem:$0x3FDB];
	s0 =	simm.s32 @p2 $0x1  }
0x17: {  	s4 =	simm.s32 $0x1BF5;
	[smem:$0x3FA6] =	sst s0  }
0x18: {  	s0 =	sld [smem:$0x3F89];
	_ =	swait.ge [sflag:s4], $0x0  }
0x19: {  	s7 =	sld [smem:$0x3F8A]  }
0x1a: {  	s8 =	sadd.s32 $0xFFFFE003, lr  }
0x1b: {  	s9 =	sadd.s32 $0xFFFFFEF7, lr;
	s5 =	simm.s32 $0xFFFFFFFF;
	p2 =	slt.u32 s8, $0xFFFFF086  }
0x1c: {  	p1 =	slt.u32 s9, $0xF7A;
	s5 =	simm.s32 @!p2 $0x0  }
0x1d: {  	s5 =	simm.s32 @p1 $0x1;
	p0 =	seq.s32 s7, s2  }
0x1e: {  	s7 =	smul.u32 @!p0 $0xF7A, s2;
	p2 =	seq.s32 @!p0 s5, $0x0  }
0x1f: {  	s9 =	smul.u32 $0xF7A, s1;
	s8 =	simm.s32 @!p0 $0x1BF5;
	p2 =	por !p2, p0  }
0x20: {  	[sflag:s8] =	ssyncset.s32 @!p0 $0xFFFFF086;
	s6 =	sadd.s32 @!p0 s3, s7;
	s7 =	simm.s32 @!p0 $0x108  }
0x21: {  	s3 =	sadd.s32 s3, s9;
	s6 =	sadd.s32 @!p0 $0x88, s6;
	s7 =	simm.s32 @p2 $0x1082  }
0x22: {  	[simem:s7], [sflag:s8] =	dma.local @!p0 [hbm:s6], $0xF7A  }
0x23: {  	s9 =	sor.u32 $0xD0000000, s2;
	s6 =	simm.s32 $0x108;
	_ =	swait.ge @!p0 [sflag:s8], $0x0  }
0x24: {  	s3 =	sadd.s32 $0x88, s3;
	s6 =	simm.s32 @!p1 $0x1082;
	[sflag:s4] =	ssyncset.s32 $0xFFFFF086  }
0x25: {  	[simem:s6], [sflag:s4] =	dma.local [hbm:s3], $0xF7A  }
0x26: {  	[smem:$0x3F8A] =	sst s1;
	(tag) =	ssettag s2;
	_ =	strace s9  }
0x27: {  	s1 =	sld [smem:$0x3F9A]  }
0x28: {  	s2 =	sld [smem:$0x3F9B]  }
0x29: {  	s4 =	sld [smem:$0x3F9D]  }
0x2a: {  	p0 =	seq.s32 s5, $0x0;
	s5 =	sld [smem:$0x3F9E]  }
0x2b: {  	s6 =	sld [smem:$0x3F9F]  }
0x2c: {  	s7 =	sld [smem:$0x3FA0]  }
0x2d: {  	s3 =	simm.s32 $0x108;
	s8 =	sld [smem:$0x3FA1]  }
0x2e: {  	s3 =	simm.s32 @!p0 $0x1082;
	s9 =	sld [smem:$0x3FA2]  }
0x2f: {  	lr =	sadd.s32 s0, s3;
	s0 =	sld [smem:$0x3F99]  }
0x30: {  	s3 =	sld [smem:$0x3F9C]  }
0x31: {  	[smem:$0x3FA5] =	sst s10  }
0x32: {  	s10 =	sld [smem:$0x3FA3];
	_ =	sdelay $0x3  }
0x33: {  	p0 =	seq.s32 s10, $0x1;
	s10 =	sld [smem:$0x3FA5];
	_ =	sdelay $0x3  }
0x34: {  	[smem:$0x3FA5] =	sst s10  }
0x35: {  	s10 =	sld [smem:$0x3FA4];
	_ =	sdelay $0x3  }
0x36: {  	p1 =	seq.s32 s10, $0x1;
	s10 =	sld [smem:$0x3FA5];
	_ =	sdelay $0x3  }
0x37: {  	[smem:$0x3FA5] =	sst s10  }
0x38: {  	s10 =	sld [smem:$0x3FA6]  }
0x39: {  	_ = 	snop;
	(pc) =	sbr.ind lr, $3  }
0x3a: {  	_ = 	snop  }
0x3b: {  	_ = 	snop  }
0x3c: {  	p2 =	seq.s32 s10, $0x1;
	s10 =	sld [smem:$0x3FA5]  }
0x3d: {  	_ =	shalt  }
0x3e: {  	_ =	shalt  }
0x3f: {  	_ =	shalt  }
0x40: {  	_ =	shalt  }
0x41: {  	_ =	shalt  }
0x42: {  	_ =	shalt  }
0x43: {  	_ =	shalt  }
0x44: {  	_ =	shalt  }
0x45: {  	_ =	shalt  }
0x46: {  	_ =	shalt  }
0x47: {  	_ =	shalt  }
0x48: {  	_ =	shalt  }
0x49: {  	_ =	shalt  }
0x4a: {  	_ =	shalt  }
0x4b: {  	_ =	shalt  }
0x4c: {  	_ =	shalt  }
0x4d: {  	_ =	shalt  }
0x4e: {  	_ =	shalt  }
0x4f: {  	_ =	shalt  }
0x50: {  	_ =	shalt  }
0x51: {  	_ =	shalt  }
0x52: {  	_ =	shalt  }
0x53: {  	_ =	shalt  }
0x54: {  	_ =	shalt  }
0x55: {  	_ =	shalt  }
0x56: {  	_ =	shalt  }
0x57: {  	_ =	shalt  }
0x58: {  	_ =	shalt  }
0x59: {  	_ =	shalt  }
0x5a: {  	_ =	shalt  }
0x5b: {  	_ =	shalt  }
0x5c: {  	_ =	shalt  }
0x5d: {  	_ =	shalt  }
0x5e: {  	_ =	shalt  }
0x5f: {  	_ =	shalt  }
0x60: {  	_ =	shalt  }
0x61: {  	_ =	shalt  }
0x62: {  	_ =	shalt  }
0x63: {  	_ =	shalt  }
0x64: {  	_ =	shalt  }
0x65: {  	_ =	shalt  }
0x66: {  	_ =	shalt  }
0x67: {  	_ =	shalt  }
0x68: {  	_ =	shalt  }
0x69: {  	_ =	shalt  }
0x6a: {  	_ =	shalt  }
0x6b: {  	_ =	shalt  }
0x6c: {  	_ =	shalt  }
0x6d: {  	_ =	shalt  }
0x6e: {  	_ =	shalt  }
0x6f: {  	_ =	shalt  }
0x70: {  	_ =	shalt  }
0x71: {  	_ =	shalt  }
0x72: {  	_ =	shalt  }
0x73: {  	_ =	shalt  }
0x74: {  	_ =	shalt  }
0x75: {  	_ =	shalt  }
0x76: {  	_ =	shalt  }
0x77: {  	_ =	shalt  }
0x78: {  	_ =	shalt  }
0x79: {  	_ =	shalt  }
0x7a: {  	_ =	shalt  }
0x7b: {  	_ =	shalt  }
0x7c: {  	_ =	shalt  }
0x7d: {  	_ =	shalt  }
0x7e: {  	_ =	shalt  }
0x7f: {  	_ =	shalt  }
0x80: {  	_ =	shalt  }
0x81: {  	_ =	shalt  }
0x82: {  	_ =	shalt  }
0x83: {  	_ =	shalt  }
0x84: {  	_ =	shalt  }
0x85: {  	_ =	shalt  }
0x86: {  	_ =	shalt  }
0x87: {  	_ =	shalt  }
.Lfunc_end0:
.L_simem_size_0:
called_computation.2_lowered:
.L_overlay_start_0:
0x88: {  	s2 =	sld [smem:$0x3FD9]  }
0x89: {  	s3 =	sld [smem:$0x3FFE];
	_ =	sdelay $0x1  }
0x8a: {  	s1 =	srdreg.scid  }
0x8b: {  	s0 =	sand.u32 $0x1, s1  }
0x8c: {  	s17 =	sshll.u32 s0, $0xA;
	s2 =	sadd.s32 s3, s2  }
0x8d: {  	s2 =	sadd.s32 s2, s17  }
0x8e: {  	[smem:$0x3FB1] =	sst s2  }
0x8f: {  	_ = 	snop  }
0x90: {  	(tm) =	ssettm $0x1  }
0x91: {  	s18 =	sld [smem:$0x3FFB];
	_ =	sdelay $0x3  }
0x92: {  	_ =	strace s18  }
0x93: {  	s2 =	sld [smem:$0x3FFC];
	_ =	sdelay $0x3  }
0x94: {  	_ =	strace s2  }
0x95: {  	s2 =	sld [smem:$0x3FFD];
	_ =	sdelay $0x3  }
0x96: {  	_ =	strace s2  }
0x97: {  	_ =	strace $0x8FFFFFFF  }
0x98: {  	s19 =	sld [smem:$0x3FDB];
	_ =	sdelay $0x1  }
0x99: {  	s20 =	simm.s32 $_scs_section_size  }
0x9a: {  	s4 =	simm.s32 $_size__tile_overlayer_lowered;
	s5 =	simm.s32 $_tile_overlayer_lowered  }
0x9b: {  	s6 =	simm.s32 $0x1BFF;
	s21 =	sshll.u32 s5, $0x1;
	s3 =	sadd.s32 s20, s19  }
0x9c: {  	s22 =	simm.s32 $0x0;
	s4 =	sshll.u32 s4, $0x1;
	s5 =	sadd.s32 s21, s3  }
0x9d: {  	[timem:s22], [sflag:s6] =	dma.local [hbm:s5], s4  }
0x9e: {  	_ =	swait.ge [sflag:s6], s4  }
0x9f: {  	s4 =	ssub.s32 $0x0, s4;
	[sflag:s6] =	ssyncset.done $0x0  }
0xa0: {  	[sflag:s6] =	ssyncadd.s32 s4;
	_ =	sdelay $0x1  }
0xa1: {  	s23 =	simm.s32 $0x1B8B  }
0xa2: {  	_ =	swait.ge [sflag:s23], $0x1  }
0xa3: {  	[sflag:s23] =	ssyncset.done $0x0  }
0xa4: {  	[sflag:s23] =	ssyncadd.s32 $0xFFFFFFFF  }
0xa5: {  	s4 =	sld [smem:$0x0]  }
0xa6: {  	s5 =	sand.u32 $0xFFFFFFFE, s1  }
0xa7: {  	p0 =	sne.s32 s1, s5  }
0xa8: {  	s5 =	sshll.u32 @p0 s5, $0xE  }
0xa9: {  	s5 =	sadd.s32 @p0 $0x11B8D, s5;
	s6 =	sshll.u32 @p0 s4, $0x11  }
0xaa: {  	s5 =	sor.u32 @p0 s6, s5  }
0xab: {  	[sflag:s5] =	ssyncadd.remote.s32 @p0 $0x1;
	_ =	sdelay $0x1  }
0xac: {  	s5 =	simm.s32 @p0 $0x1B8D  }
0xad: {  	_ =	swait.eq @p0 [sflag:s5], $0x1  }
0xae: {  	[sflag:s5] =	ssyncadd.s32 @p0 $0xFFFFFFFF  }
0xaf: {  	s6 =	sshll.u32 @!p0 s1, $0xE  }
0xb0: {  	s6 =	sor.u32 @!p0 $0x4000, s6;
	s5 =	simm.s32 @!p0 $0x1B8D  }
0xb1: {  	s4 =	sshll.u32 @!p0 s4, $0x11;
	s6 =	sadd.s32 @!p0 $0x11B8D, s6;
	_ =	swait.eq @!p0 [sflag:s5], $0x1  }
0xb2: {  	s4 =	sor.u32 @!p0 s4, s6;
	[sflag:s5] =	ssyncadd.s32 @!p0 $0xFFFFFFFF  }
0xb3: {  	s25 =	simm.s32 $0x1B8E;
	s24 =	sld [smem:$0x3FFE];
	[sflag:s4] =	ssyncadd.remote.s32 @!p0 $0x1  }
0xb4: {  	s26 =	simm.s32 $execute0_lowered;
	[smem:$0x3FD2] =	sst s25  }
0xb5: {  	s5 =	sshll.u32 s26, $0x1;
	_ =	strace $0x8000004C;
	[dreg:$0x1] =	wrdreg $0xFFFFFFFF  }
0xb6: {  	s28 =	simm.s32 $_size_execute0_lowered;
	s3 =	sadd.s32 s3, s5;
	[dreg:$0x0] =	wrdreg $0x0  }
0xb7: {  	s5 =	sshll.u32 s28, $0x1;
	[dreg:$0x2] =	wrdreg s3  }
0xb8: {  	[dreg:$0x3] =	wrdreg s5  }
0xb9: {  	[dreg:$0x4] =	wrdreg $0xC0  }
0xba: {  	_ =	task [dreg:s22], $0x5FFFF  }
0xbb: {  	[dreg:$0x1] =	wrdreg $0xFFFFFFFF  }
0xbc: {  	[dreg:$0x0] =	wrdreg $0x60  }
0xbd: {  	[dreg:$0x2] =	wrdreg s24  }
0xbe: {  	[dreg:$0x3] =	wrdreg $0x88000  }
0xbf: {  	[dreg:$0x4] =	wrdreg $0xA  }
0xc0: {  	_ =	task.clear_ibuf [dreg:s22], $0x5FFFF;
	_ =	strace $0x9000004C  }
0xc1: {  	s29 =	simm.s32 $0xA;
	_ =	strace $0x8000004E  }
0xc2: {  	_ =	swait.ge [sflag:s29], $0x1  }
0xc3: {  	[sflag:s29] =	ssyncadd.s32 $0xFFFFFFFF  }
0xc4: {  	_ =	strace $0x9000004E  }
0xc5: {  	_ =	sfence  }
0xc6: {  	s30 =	sld [smem:$0x0];
	_ =	sdelay $0x2  }
0xc7: {  	s31 =	sshll.u32 s1, $0xD;
	s1 =	sshrl.u32 s1, $0x2  }
0xc8: {  	s4 =	sand.u32 $0x4000, s31;
	s1 =	sadd.s32 s1, s30  }
0xc9: {  	s0 =	sor.u32 s4, s0;
	s1 =	sshll.u32 s1, $0x11  }
0xca: {  	s0 =	sor.u32 s1, s0  }
0xcb: {  	s0 =	sadd.s32 $0x8F2B, s0  }
0xcc: {  	[sflag:s0] =	ssyncadd.remote.s32 $0x1  }
0xcd: {  	_ =	sfence.sel $0xFFFF  }
0xce: {  	[dreg:$0x0] =	wrdreg $0xFFFFFFFF;
	(pc) =	sbr.abs _section_cstart, $3  }
0xcf: {  	[dreg:$0x1] =	wrdreg $0xFFFFFFFF  }
0xd0: {  	_ =	task.clear_ibuf [dreg:s22], $0x2FFFF;
	_ =	strace $0x9FFFFFFF  }
0xd1: {  	(tm) =	ssettm $0x7FFFFFFF  }
tec
execute0_lowered:
.L_overlay_start_1:
0x0: {  	(tag) =	ssettag $0x1  }
0x1: {  	s0 =	rddreg [dreg:$0x0]  }
0x2: {  	s2 =	rddreg [dreg:$0x1];
	s14 =	stileid.u32;
	s3 =	simm.s32 $0x0  }
0x3: {  	s6 =	srdreg.scid;
	s18 =	simm.s32 $0x1000;
	s19 =	simm.s32 $0x100  }
0x4: {  	s20 =	simm.s32 $0x1800;
	s21 =	simm.s32 $0x180;
	s22 =	simm.s32 $0x2000  }
0x5: {  	s23 =	simm.s32 $0x200;
	s28 =	simm.s32 $0x580;
	s29 =	simm.s32 $0x6000  }
0x6: {  	s30 =	simm.s32 $0x600;
	s1 =	smul.u32 $0xA000, s14;
	[smem:$0x7FF] =	sst s3  }
0x7: {  	s4 =	smul.u32 $0xA00, s14;
	_ =	strace $0x8000004D;
	[dreg:$0x4] =	wrdreg s18  }
0x8: {  	s31 =	simm.s32 $0x6800;
	s5 =	smul.u32 $0x2800, s14;
	[dreg:$0x5] =	wrdreg s19  }
0x9: {  	s6 =	sand.u32 $0x1, s6;
	s12 =	sadd.s32 $0x153000, s0;
	[dreg:$0x6] =	wrdreg s20  }
0xa: {  	s24 =	smul.u32 $0x500, s14;
	s13 =	sadd.s32 $0x25800, s2;
	[dreg:$0x7] =	wrdreg s21  }
0xb: {  	p0 =	seq.s32 s14, $0xF;
	s11 =	smul.u32 $0x4E20, s6;
	[dreg:$0x8] =	wrdreg s22  }
0xc: {  	s9 =	ssub.s32 $0x2, s6;
	s25 =	smul.u32 $0x27100, s6;
	[dreg:$0x9] =	wrdreg s23  }
0xd: {  	s18 =	simm.s32 $0x380;
	s19 =	simm.s32 $0x4000;
	s20 =	simm.s32 $0x400  }
0xe: {  	s21 =	simm.s32 $0x4800;
	s22 =	simm.s32 $0x480;
	s23 =	simm.s32 $0x5000  }
0xf: {  	s7 =	sadd.s32 s1, s0;
	s4 =	sadd.s32 s4, s0;
	s8 =	sshrl.u32 s5, $0x3  }
0x10: {  	s10 =	sshrl.u32 s9, $0x1;
	s5 =	sadd.s32 s5, s2;
	s1 =	sshrl.u32 s1, $0x2  }
0x11: {  	s8 =	sadd.s32 s8, s0;
	s9 =	ssub.s32 s9, s10;
	s0 =	sadd.s32 $0xA8D00, s0  }
0x12: {  	s26 =	sadd.s32 s24, s11;
	s10 =	sshrl.u32 s25, $0x3;
	s11 =	smul.u32 $0x500, s6  }
0x13: {  	s6 =	smul.u32 $0x5000, s6;
	s24 =	simm.s32 $0x2800;
	[dreg:$0xe] =	wrdreg s0  }
0x14: {  	s1 =	sadd.s32 s1, s2;
	s25 =	simm.s32 $0x280;
	[dreg:$0xa] =	wrdreg s24  }
0x15: {  	s8 =	sadd.s32 $0xA4200, s8;
	s0 =	sadd.s32 s12, s26;
	[dreg:$0xb] =	wrdreg s25  }
0x16: {  	s15 =	smax.u32 s9, $0x1;
	s26 =	simm.s32 $0x3000;
	[dreg:$0xd] =	wrdreg s8  }
0x17: {  	s24 =	simm.s32 $0x500;
	s25 =	simm.s32 $0x0;
	[dreg:$0xf] =	wrdreg s0  }
0x18: {  	s0 =	sadd.s32 s12, s10;
	s12 =	sadd.s32 s11, s4;
	[dreg:$0x11] =	wrdreg s15  }
0x19: {  	s16 =	sadd.s32 s6, s7;
	s11 =	sshrl.u32 @p0 s13, $0x3;
	s4 =	sshll.u32 @!p0 s14, $0x6  }
0x1a: {  	s13 =	simm.s32 $0x2;
	s14 =	simm.s32 $0x800;
	s15 =	simm.s32 $0x80  }
0x1b: {  	[dreg:$0xc] =	wrdreg s26;
	s26 =	simm.s32 $0x5800;
	s6 =	simm.s32 $0x780  }
0x1c: {  	s7 =	simm.s32 $0x8000;
	s0 =	sadd.s32 $0x4B00, s0;
	[dreg:$0x13] =	wrdreg s11  }
0x1d: {  	s8 =	simm.s32 $0x1;
	s17 =	sadd.s32 $0xB3000, s16;
	[dreg:$0x10] =	wrdreg s0  }
0x1e: {  	s16 =	simm.s32 $0x300;
	s0 =	sadd.s32 $0x284200, s12;
	[dreg:$0x12] =	wrdreg s17  }
0x1f: {  	s12 =	sor.u32 @!p0 $0x1C02, s4;
	s4 =	sshrl.u32 @!p0 s5, $0x3;
	[dreg:$0x3] =	wrdreg s0  }
0x20: {  	s17 =	simm.s32 $0x3800;
	s5 =	simm.s32 $0x7800;
	[dreg:$0x15] =	wrdreg s4  }
0x21: {  	s0 =	sshrl.u32 @!p0 s1, $0x3;
	s1 =	simm.s32 $0x7000;
	[dreg:$0x14] =	wrdreg s12  }
0x22: {  	s4 =	simm.s32 $0x700;
	[dreg:$0x16] =	wrdreg s0;
	s0 =	simm.s32 $0x680  }
.LBB2_1:
0x23: {  	[dreg:$0x17] =	wrdreg s25  }
0x24: {  	s9 =	simm.s32 @p0 $0x1FC2;
	s10 =	rddreg [dreg:$0xe]  }
0x25: {  	[spmem:s11], [sflag:s9] =	dma.local @p0 [hbm:s10], $0x320  }
0x26: {  	s9 =	simm.s32 @p0 $0x2  }
0x27: {  	_ =	swait.ge @p0 [sflag:s9], $0x320  }
0x28: {  	[sflag:s9] =	ssyncset.done @p0 $0x0;
	s10 =	rddreg [dreg:$0x15]  }
0x29: {  	[sflag:s9] =	ssyncadd.s32 @p0 $0xFFFFFCE0;
	s9 =	rddreg [dreg:$0xd]  }
0x2a: {  	[spmem:s10], [sflag:s12] =	dma.local @!p0 [hbm:s9], $0x500  }
0x2b: {  	s9 =	simm.s32 @!p0 $0x2  }
0x2c: {  	_ =	swait.ge @!p0 [sflag:s9], $0x500  }
0x2d: {  	[sflag:s9] =	ssyncset.done @!p0 $0x0  }
0x2e: {  	[sflag:s9] =	ssyncadd.s32 @!p0 $0xFFFFFB00  }
0x2f: {  	[bflag:$0x0] =	sbarrier.arrive $0xFFFF  }
0x30: {  	s25 =	rddreg [dreg:$0x3]  }
0x31: {  	s9 =	sadd.s32 $0x0, s25  }
0x32: {  	[tilespmem:s3], [sflag:$0x2] =	stream.linear.gather [hbm4b:s9+s3], $0x800, $0x38;
	[tilespmem:$0xAF18] =	vst v63  }
0x33: {  	_ =	swait.ge [sflag:s13], $0x800  }
0x34: {  	[sflag:s13] =	ssyncset.done $0x0  }
0x35: {  	s12 =	rddreg [dreg:$0x12];
	[sflag:s13] =	ssyncadd.s32 $0xFFFFF800  }
0x36: {  	[tilespmem:s14], [sflag:$0x2] =	stream.linear.gather [hbm4b:s12+s3], $0x8000, $0x38;
	[tilespmem:$0xAF18] =	vst v63  }
0x37: {  	_ =	swait.ge [sflag:s13], $0x8000  }
0x38: {  	s9 =	rddreg [dreg:$0x5]  }
0x39: {  	[sflag:s13] =	ssyncset.done $0x0;
	s25 =	rddreg [dreg:$0x4]  }
0x3a: {  	s10 =	rddreg [dreg:$0x6];
	[sflag:s13] =	ssyncadd.s32 $0xFFFF8000  }
0x3b: {  	[spmem:s2] =	stream.indirect.scatter.add.f32 [tilespmem:s14], [sflag:$0x1], $0x10, s3, s15, $0xb8;
	[tilespmem:$0xAF18] =	vst v63  }
0x3c: {  	s11 =	rddreg [dreg:$0x8]  }
0x3d: {  	[spmem:s2] =	stream.indirect.scatter.add.f32 [tilespmem:s25], [sflag:$0x1], $0x10, s15, s15, $0xb8;
	[tilespmem:$0xAF18] =	vst v63  }
0x3e: {  	s25 =	rddreg [dreg:$0x7]  }
0x3f: {  	[spmem:s2] =	stream.indirect.scatter.add.f32 [tilespmem:s10], [sflag:$0x1], $0x10, s9, s15, $0xb8;
	[tilespmem:$0xAF18] =	vst v63  }
0x40: {  	s9 =	rddreg [dreg:$0xa]  }
0x41: {  	s10 =	rddreg [dreg:$0x9]  }
0x42: {  	[spmem:s2] =	stream.indirect.scatter.add.f32 [tilespmem:s11], [sflag:$0x1], $0x10, s25, s15, $0xb8;
	[tilespmem:$0xAF18] =	vst v63  }
0x43: {  	s11 =	rddreg [dreg:$0xc]  }
0x44: {  	[spmem:s2] =	stream.indirect.scatter.add.f32 [tilespmem:s9], [sflag:$0x1], $0x10, s10, s15, $0xb8;
	[tilespmem:$0xAF18] =	vst v63  }
0x45: {  	s25 =	rddreg [dreg:$0xb]  }
0x46: {  	[spmem:s2] =	stream.indirect.scatter.add.f32 [tilespmem:s11], [sflag:$0x1], $0x10, s25, s15, $0xb8;
	[tilespmem:$0xAF18] =	vst v63  }
0x47: {  	_ = 	snop  }
0x48: {  	[spmem:s2] =	stream.indirect.scatter.add.f32 [tilespmem:s17], [sflag:$0x1], $0x10, s16, s15, $0xb8;
	[tilespmem:$0xAF18] =	vst v63  }
0x49: {  	_ = 	snop  }
0x4a: {  	[spmem:s2] =	stream.indirect.scatter.add.f32 [tilespmem:s19], [sflag:$0x1], $0x10, s18, s15, $0xb8;
	[tilespmem:$0xAF18] =	vst v63  }
0x4b: {  	_ = 	snop  }
0x4c: {  	[spmem:s2] =	stream.indirect.scatter.add.f32 [tilespmem:s21], [sflag:$0x1], $0x10, s20, s15, $0xb8;
	[tilespmem:$0xAF18] =	vst v63  }
0x4d: {  	_ = 	snop  }
0x4e: {  	[spmem:s2] =	stream.indirect.scatter.add.f32 [tilespmem:s23], [sflag:$0x1], $0x10, s22, s15, $0xb8;
	[tilespmem:$0xAF18] =	vst v63  }
0x4f: {  	_ = 	snop  }
0x50: {  	[spmem:s2] =	stream.indirect.scatter.add.f32 [tilespmem:s26], [sflag:$0x1], $0x10, s24, s15, $0xb8;
	[tilespmem:$0xAF18] =	vst v63  }
0x51: {  	_ = 	snop  }
0x52: {  	[spmem:s2] =	stream.indirect.scatter.add.f32 [tilespmem:s29], [sflag:$0x1], $0x10, s28, s15, $0xb8;
	[tilespmem:$0xAF18] =	vst v63  }
0x53: {  	_ = 	snop  }
0x54: {  	[spmem:s2] =	stream.indirect.scatter.add.f32 [tilespmem:s31], [sflag:$0x1], $0x10, s30, s15, $0xb8;
	[tilespmem:$0xAF18] =	vst v63  }
0x55: {  	_ = 	snop  }
0x56: {  	[spmem:s2] =	stream.indirect.scatter.add.f32 [tilespmem:s1], [sflag:$0x1], $0x10, s0, s15, $0xb8;
	[tilespmem:$0xAF18] =	vst v63  }
0x57: {  	_ = 	snop  }
0x58: {  	[spmem:s2] =	stream.indirect.scatter.add.f32 [tilespmem:s5], [sflag:$0x1], $0x10, s4, s15, $0xb8;
	[tilespmem:$0xAF18] =	vst v63  }
0x59: {  	_ = 	snop  }
0x5a: {  	[spmem:s2] =	stream.indirect.scatter.add.f32 [tilespmem:s7], [sflag:$0x1], $0x10, s6, s15, $0xb8;
	[tilespmem:$0xAF18] =	vst v63  }
0x5b: {  	_ =	swait.ge [sflag:s8], $0x800  }
0x5c: {  	[sflag:s8] =	ssyncset.done $0x0  }
0x5d: {  	[sflag:s8] =	ssyncadd.s32 $0xFFFFF800  }
0x5e: {  	_ =	swait.ge [sflag:s8], $0x800  }
0x5f: {  	[sflag:s8] =	ssyncset.done $0x0  }
0x60: {  	[sflag:s8] =	ssyncadd.s32 $0xFFFFF800  }
0x61: {  	_ =	swait.ge [sflag:s8], $0x800  }
0x62: {  	[sflag:s8] =	ssyncset.done $0x0  }
0x63: {  	[sflag:s8] =	ssyncadd.s32 $0xFFFFF800  }
0x64: {  	_ =	swait.ge [sflag:s8], $0x800  }
0x65: {  	[sflag:s8] =	ssyncset.done $0x0  }
0x66: {  	[sflag:s8] =	ssyncadd.s32 $0xFFFFF800  }
0x67: {  	_ =	swait.ge [sflag:s8], $0x800  }
0x68: {  	[sflag:s8] =	ssyncset.done $0x0  }
0x69: {  	[sflag:s8] =	ssyncadd.s32 $0xFFFFF800  }
0x6a: {  	_ =	swait.ge [sflag:s8], $0x800  }
0x6b: {  	[sflag:s8] =	ssyncset.done $0x0  }
0x6c: {  	[sflag:s8] =	ssyncadd.s32 $0xFFFFF800  }
0x6d: {  	_ =	swait.ge [sflag:s8], $0x800  }
0x6e: {  	[sflag:s8] =	ssyncset.done $0x0  }
0x6f: {  	[sflag:s8] =	ssyncadd.s32 $0xFFFFF800  }
0x70: {  	_ =	swait.ge [sflag:s8], $0x800  }
0x71: {  	[sflag:s8] =	ssyncset.done $0x0  }
0x72: {  	[sflag:s8] =	ssyncadd.s32 $0xFFFFF800  }
0x73: {  	_ =	swait.ge [sflag:s8], $0x800  }
0x74: {  	[sflag:s8] =	ssyncset.done $0x0  }
0x75: {  	[sflag:s8] =	ssyncadd.s32 $0xFFFFF800  }
0x76: {  	_ =	swait.ge [sflag:s8], $0x800  }
0x77: {  	[sflag:s8] =	ssyncset.done $0x0  }
0x78: {  	[sflag:s8] =	ssyncadd.s32 $0xFFFFF800  }
0x79: {  	_ =	swait.ge [sflag:s8], $0x800  }
0x7a: {  	[sflag:s8] =	ssyncset.done $0x0  }
0x7b: {  	[sflag:s8] =	ssyncadd.s32 $0xFFFFF800  }
0x7c: {  	_ =	swait.ge [sflag:s8], $0x800  }
0x7d: {  	[sflag:s8] =	ssyncset.done $0x0  }
0x7e: {  	[sflag:s8] =	ssyncadd.s32 $0xFFFFF800  }
0x7f: {  	_ =	swait.ge [sflag:s8], $0x800  }
0x80: {  	[sflag:s8] =	ssyncset.done $0x0  }
0x81: {  	[sflag:s8] =	ssyncadd.s32 $0xFFFFF800  }
0x82: {  	_ =	swait.ge [sflag:s8], $0x800  }
0x83: {  	[sflag:s8] =	ssyncset.done $0x0  }
0x84: {  	[sflag:s8] =	ssyncadd.s32 $0xFFFFF800  }
0x85: {  	_ =	swait.ge [sflag:s8], $0x800  }
0x86: {  	s9 =	smov.u32 s12;
	s25 =	simm.s32 $0x100;
	[sflag:s8] =	ssyncset.done $0x0  }
.LBB2_2:
0x87: {  	[sflag:s8] =	ssyncadd.s32 $0xFFFFF800  }
0x88: {  	_ =	swait.ge [sflag:s8], $0x800  }
0x89: {  	s10 =	smov.u32 s25;
	s11 =	rddreg [dreg:$0x3];
	[sflag:s8] =	ssyncset.done $0x0  }
0x8a: {  	[sflag:s8] =	ssyncadd.s32 $0xFFFFF800;
	s10 =	sadd.s32 s10, s11  }
0x8b: {  	[tilespmem:s3], [sflag:$0x2] =	stream.linear.gather [hbm4b:s10+s3], $0x800, $0x38;
	[tilespmem:$0xAF18] =	vst v63  }
0x8c: {  	_ =	swait.ge [sflag:s13], $0x800  }
0x8d: {  	[sflag:s13] =	ssyncset.done $0x0  }
0x8e: {  	s9 =	sadd.s32 $0x1000, s9;
	[sflag:s13] =	ssyncadd.s32 $0xFFFFF800  }
0x8f: {  	[tilespmem:s14], [sflag:$0x2] =	stream.linear.gather [hbm4b:s9+s3], $0x8000, $0x38;
	[tilespmem:$0xAF18] =	vst v63  }
0x90: {  	_ =	swait.ge [sflag:s13], $0x8000  }
0x91: {  	s10 =	rddreg [dreg:$0xc]  }
0x92: {  	s11 =	rddreg [dreg:$0xa]  }
0x93: {  	[sflag:s13] =	ssyncset.done $0x0;
	s12 =	rddreg [dreg:$0x5]  }
0x94: {  	s16 =	rddreg [dreg:$0x4];
	[sflag:s13] =	ssyncadd.s32 $0xFFFF8000  }
0x95: {  	[spmem:s2] =	stream.indirect.scatter.add.f32 [tilespmem:s14], [sflag:$0x1], $0x10, s3, s15, $0xb8;
	[tilespmem:$0xAF18] =	vst v63  }
0x96: {  	s17 =	rddreg [dreg:$0x6]  }
0x97: {  	[spmem:s2] =	stream.indirect.scatter.add.f32 [tilespmem:s16], [sflag:$0x1], $0x10, s15, s15, $0xb8;
	[tilespmem:$0xAF18] =	vst v63  }
0x98: {  	s18 =	rddreg [dreg:$0x8]  }
0x99: {  	[spmem:s2] =	stream.indirect.scatter.add.f32 [tilespmem:s17], [sflag:$0x1], $0x10, s12, s15, $0xb8;
	[tilespmem:$0xAF18] =	vst v63  }
0x9a: {  	s16 =	rddreg [dreg:$0x7]  }
0x9b: {  	[spmem:s2] =	stream.indirect.scatter.add.f32 [tilespmem:s18], [sflag:$0x1], $0x10, s16, s15, $0xb8;
	[tilespmem:$0xAF18] =	vst v63  }
0x9c: {  	s12 =	rddreg [dreg:$0x9]  }
0x9d: {  	[spmem:s2] =	stream.indirect.scatter.add.f32 [tilespmem:s11], [sflag:$0x1], $0x10, s12, s15, $0xb8;
	[tilespmem:$0xAF18] =	vst v63  }
0x9e: {  	s16 =	rddreg [dreg:$0xb]  }
0x9f: {  	[spmem:s2] =	stream.indirect.scatter.add.f32 [tilespmem:s10], [sflag:$0x1], $0x10, s16, s15, $0xb8;
	[tilespmem:$0xAF18] =	vst v63  }
0xa0: {  	s17 =	simm.s32 $0x3800;
	s16 =	simm.s32 $0x300  }
0xa1: {  	[spmem:s2] =	stream.indirect.scatter.add.f32 [tilespmem:s17], [sflag:$0x1], $0x10, s16, s15, $0xb8;
	[tilespmem:$0xAF18] =	vst v63  }
0xa2: {  	s18 =	simm.s32 $0x380  }
0xa3: {  	[spmem:s2] =	stream.indirect.scatter.add.f32 [tilespmem:s19], [sflag:$0x1], $0x10, s18, s15, $0xb8;
	[tilespmem:$0xAF18] =	vst v63  }
0xa4: {  	_ = 	snop  }
0xa5: {  	[spmem:s2] =	stream.indirect.scatter.add.f32 [tilespmem:s21], [sflag:$0x1], $0x10, s20, s15, $0xb8;
	[tilespmem:$0xAF18] =	vst v63  }
0xa6: {  	_ = 	snop  }
0xa7: {  	[spmem:s2] =	stream.indirect.scatter.add.f32 [tilespmem:s23], [sflag:$0x1], $0x10, s22, s15, $0xb8;
	[tilespmem:$0xAF18] =	vst v63  }
0xa8: {  	_ = 	snop  }
0xa9: {  	[spmem:s2] =	stream.indirect.scatter.add.f32 [tilespmem:s26], [sflag:$0x1], $0x10, s24, s15, $0xb8;
	[tilespmem:$0xAF18] =	vst v63  }
0xaa: {  	_ = 	snop  }
0xab: {  	[spmem:s2] =	stream.indirect.scatter.add.f32 [tilespmem:s29], [sflag:$0x1], $0x10, s28, s15, $0xb8;
	[tilespmem:$0xAF18] =	vst v63  }
0xac: {  	_ = 	snop  }
0xad: {  	[spmem:s2] =	stream.indirect.scatter.add.f32 [tilespmem:s31], [sflag:$0x1], $0x10, s30, s15, $0xb8;
	[tilespmem:$0xAF18] =	vst v63  }
0xae: {  	_ = 	snop  }
0xaf: {  	[spmem:s2] =	stream.indirect.scatter.add.f32 [tilespmem:s1], [sflag:$0x1], $0x10, s0, s15, $0xb8;
	[tilespmem:$0xAF18] =	vst v63  }
0xb0: {  	_ = 	snop  }
0xb1: {  	[spmem:s2] =	stream.indirect.scatter.add.f32 [tilespmem:s5], [sflag:$0x1], $0x10, s4, s15, $0xb8;
	[tilespmem:$0xAF18] =	vst v63  }
0xb2: {  	_ = 	snop  }
0xb3: {  	[spmem:s2] =	stream.indirect.scatter.add.f32 [tilespmem:s7], [sflag:$0x1], $0x10, s6, s15, $0xb8;
	[tilespmem:$0xAF18] =	vst v63  }
0xb4: {  	_ =	swait.ge [sflag:s8], $0x800  }
0xb5: {  	[sflag:s8] =	ssyncset.done $0x0  }
0xb6: {  	[sflag:s8] =	ssyncadd.s32 $0xFFFFF800  }
0xb7: {  	_ =	swait.ge [sflag:s8], $0x800  }
0xb8: {  	[sflag:s8] =	ssyncset.done $0x0  }
0xb9: {  	[sflag:s8] =	ssyncadd.s32 $0xFFFFF800  }
0xba: {  	_ =	swait.ge [sflag:s8], $0x800  }
0xbb: {  	[sflag:s8] =	ssyncset.done $0x0  }
0xbc: {  	[sflag:s8] =	ssyncadd.s32 $0xFFFFF800  }
0xbd: {  	_ =	swait.ge [sflag:s8], $0x800  }
0xbe: {  	[sflag:s8] =	ssyncset.done $0x0  }
0xbf: {  	[sflag:s8] =	ssyncadd.s32 $0xFFFFF800  }
0xc0: {  	_ =	swait.ge [sflag:s8], $0x800  }
0xc1: {  	[sflag:s8] =	ssyncset.done $0x0  }
0xc2: {  	[sflag:s8] =	ssyncadd.s32 $0xFFFFF800  }
0xc3: {  	_ =	swait.ge [sflag:s8], $0x800  }
0xc4: {  	[sflag:s8] =	ssyncset.done $0x0  }
0xc5: {  	[sflag:s8] =	ssyncadd.s32 $0xFFFFF800  }
0xc6: {  	_ =	swait.ge [sflag:s8], $0x800  }
0xc7: {  	[sflag:s8] =	ssyncset.done $0x0  }
0xc8: {  	[sflag:s8] =	ssyncadd.s32 $0xFFFFF800  }
0xc9: {  	_ =	swait.ge [sflag:s8], $0x800  }
0xca: {  	[sflag:s8] =	ssyncset.done $0x0  }
0xcb: {  	[sflag:s8] =	ssyncadd.s32 $0xFFFFF800  }
0xcc: {  	_ =	swait.ge [sflag:s8], $0x800  }
0xcd: {  	[sflag:s8] =	ssyncset.done $0x0  }
0xce: {  	[sflag:s8] =	ssyncadd.s32 $0xFFFFF800  }
0xcf: {  	_ =	swait.ge [sflag:s8], $0x800  }
0xd0: {  	[sflag:s8] =	ssyncset.done $0x0  }
0xd1: {  	[sflag:s8] =	ssyncadd.s32 $0xFFFFF800  }
0xd2: {  	_ =	swait.ge [sflag:s8], $0x800  }
0xd3: {  	[sflag:s8] =	ssyncset.done $0x0  }
0xd4: {  	[sflag:s8] =	ssyncadd.s32 $0xFFFFF800  }
0xd5: {  	_ =	swait.ge [sflag:s8], $0x800  }
0xd6: {  	[sflag:s8] =	ssyncset.done $0x0  }
0xd7: {  	[sflag:s8] =	ssyncadd.s32 $0xFFFFF800  }
0xd8: {  	_ =	swait.ge [sflag:s8], $0x800  }
0xd9: {  	[sflag:s8] =	ssyncset.done $0x0  }
0xda: {  	p1 =	sne.s32 s25, $0x400;
	[sflag:s8] =	ssyncadd.s32 $0xFFFFF800  }
.Ltmp0:
0xdb: {  	_ =	swait.ge [sflag:s8], $0x800;
	(pc) =	sbr.rel @p1 .LBB2_2-.Ltmp0, $4  }
0xdc: {  	[sflag:s8] =	ssyncset.done $0x0  }
0xdd: {  	[sflag:s8] =	ssyncadd.s32 $0xFFFFF800  }
0xde: {  	_ =	swait.ge [sflag:s8], $0x800  }
0xdf: {  	s25 =	sadd.s32 $0x100, s25;
	[sflag:s8] =	ssyncset.done $0x0  }
0xe0: {  	[sflag:s8] =	ssyncadd.s32 $0xFFFFF800  }
0xe1: {  	_ =	swait.ge [sflag:s8], $0x800  }
0xe2: {  	[sflag:s8] =	ssyncset.done $0x0  }
0xe3: {  	[sflag:s8] =	ssyncadd.s32 $0xFFFFF800  }
0xe4: {  	[bflag:$0x0] =	sbarrier.arrive $0xFFFF  }
0xe5: {  	s10 =	rddreg [dreg:$0x10]  }
0xe6: {  	s9 =	simm.s32 @p0 $0x1FC2;
	s11 =	rddreg [dreg:$0x13]  }
0xe7: {  	[hbm:s10], [sflag:s9] =	dma.local @p0 [spmem:s11], $0x320  }
0xe8: {  	s9 =	simm.s32 @p0 $0x2  }
0xe9: {  	_ =	swait.ge @p0 [sflag:s9], $0x320  }
0xea: {  	s12 =	rddreg [dreg:$0x14]  }
0xeb: {  	[sflag:s9] =	ssyncset.done @p0 $0x0;
	s10 =	rddreg [dreg:$0x16]  }
0xec: {  	[sflag:s9] =	ssyncadd.s32 @p0 $0xFFFFFCE0;
	s9 =	rddreg [dreg:$0xf]  }
0xed: {  	[hbm:s9], [sflag:s12] =	dma.local @!p0 [spmem:s10], $0x500  }
0xee: {  	s9 =	simm.s32 @!p0 $0x2  }
0xef: {  	_ =	swait.ge @!p0 [sflag:s9], $0x500  }
0xf0: {  	s25 =	rddreg [dreg:$0x17]  }
0xf1: {  	s10 =	rddreg [dreg:$0x11];
	s25 =	sadd.s32 $0x1, s25  }
0xf2: {  	p1 =	sne.s32 s25, s10  }
.Ltmp1:
0xf3: {  	_ = 	snop;
	(pc) =	sbr.rel @p1 .LBB2_1-.Ltmp1, $3  }
0xf4: {  	_ =	sdelay $0x1  }
0xf5: {  	[sflag:s9] =	ssyncset.done @!p0 $0x0  }
0xf6: {  	[sflag:s9] =	ssyncadd.s32 @!p0 $0xFFFFFB00  }
0xf7: {  	_ =	sfence.sel $0x180000  }
0xf8: {  	[bflag:$0x0] =	sbarrier.arrive $0xFFFF  }
0xf9: {  	_ =	strace $0x9000004D  }
0xfa: {  	s0 =	stileid.u32;
	[bflag:$0x2] =	sbarrier.arrive $0xFFFF  }
0xfb: {  	p0 =	sne.s32 s0, $0x0;
	s0 =	rddreg [dreg:$0x2]  }
0xfc: {  	s0 =	sadd.s32 @!p0 $0x100000, s0  }
0xfd: {  	[sflag:s0] =	ssyncadd.tile.s32 @!p0 $0x1;
	_ =	shalt  }
.Lfunc_end2:
_tile_overlayer_lowered:
.L_overlay_start_2:
0xfe: {  	(tag) =	ssettag $0x2  }
0xff: {  	s0 =	rddreg [dreg:$0x0];
	s2 =	stileid.u32  }
0x100: {  	s1 =	rddreg [dreg:$0x1];
	p0 =	sne.s32 s2, $0x0  }
0x101: {  	s3 =	rddreg [dreg:$0x2];
	[bflag:$0x3] =	sbarrier.arrive $0xFFFF;
	s2 =	simm.s32 @!p0 $0x1C02  }
0x102: {  	[timem:s3], [sflag:s2] =	dma.local @!p0 [hbm:s0], s1  }
0x103: {  	s0 =	simm.s32 @!p0 $0x2  }
0x104: {  	_ =	swait.ge @!p0 [sflag:s0], s1  }
0x105: {  	s1 =	ssub.s32 @!p0 $0x0, s1;
	[sflag:s0] =	ssyncset.done @!p0 $0x0  }
0x106: {  	[sflag:s0] =	ssyncadd.s32 @!p0 s1  }
0x107: {  	[bflag:$0x3] =	sbarrier.arrive $0xFFFF  }
0x108: {  	_ =	shalt  }

// kernel: kernel.7.cloned.1.call-start
scs
__scs_entry_jumppad:
0x0: {  	(pc) =	sbr.rel $0x88, $3  }
0x1: {  	(tag) =	ssettag $0x0;
	lr =	simm.s32 $0x1  }
0x2: {  	[smem:$0x3F8A] =	sst lr;
	_ =	strace $0xD0000000  }
0x3: {  	_ = 	snop  }
0x4: {  	_ = 	snop  }
0x5: {  	_ = 	snop  }
0x6: {  	_ = 	snop  }
0x7: {  	_ = 	snop  }
__scs_overlays_trampoline_lowered:
0x8: {  	[smem:$0x3F99] =	sst s0  }
0x9: {  	[smem:$0x3F9A] =	sst s1  }
0xa: {  	[smem:$0x3F9B] =	sst s2  }
0xb: {  	[smem:$0x3F9C] =	sst s3  }
0xc: {  	[smem:$0x3F9D] =	sst s4  }
0xd: {  	[smem:$0x3F9E] =	sst s5  }
0xe: {  	[smem:$0x3F9F] =	sst s6  }
0xf: {  	[smem:$0x3FA0] =	sst s7  }
0x10: {  	[smem:$0x3FA1] =	sst s8  }
0x11: {  	[smem:$0x3FA2] =	sst s9;
	s0 =	simm.s32 @!p0 $0x0  }
0x12: {  	s1 =	sld [smem:$0x3F88];
	s0 =	simm.s32 @p0 $0x1  }
0x13: {  	[smem:$0x3FA3] =	sst s0;
	s0 =	simm.s32 @!p1 $0x0  }
0x14: {  	s2 =	sld [smem:$0x3F87];
	s0 =	simm.s32 @p1 $0x1  }
0x15: {  	[smem:$0x3FA4] =	sst s0;
	s0 =	simm.s32 @!p2 $0x0  }
0x16: {  	s3 =	sld [smem:$0x3FDB];
	s0 =	simm.s32 @p2 $0x1  }
0x17: {  	s4 =	simm.s32 $0x1BF5;
	[smem:$0x3FA6] =	sst s0  }
0x18: {  	s0 =	sld [smem:$0x3F89];
	_ =	swait.ge [sflag:s4], $0x0  }
0x19: {  	s7 =	sld [smem:$0x3F8A]  }
0x1a: {  	s8 =	sadd.s32 $0xFFFFE003, lr  }
0x1b: {  	s9 =	sadd.s32 $0xFFFFFEF7, lr;
	s5 =	simm.s32 $0xFFFFFFFF;
	p2 =	slt.u32 s8, $0xFFFFF086  }
0x1c: {  	p1 =	slt.u32 s9, $0xF7A;
	s5 =	simm.s32 @!p2 $0x0  }
0x1d: {  	s5 =	simm.s32 @p1 $0x1;
	p0 =	seq.s32 s7, s2  }
0x1e: {  	s7 =	smul.u32 @!p0 $0xF7A, s2;
	p2 =	seq.s32 @!p0 s5, $0x0  }
0x1f: {  	s9 =	smul.u32 $0xF7A, s1;
	s8 =	simm.s32 @!p0 $0x1BF5;
	p2 =	por !p2, p0  }
0x20: {  	[sflag:s8] =	ssyncset.s32 @!p0 $0xFFFFF086;
	s6 =	sadd.s32 @!p0 s3, s7;
	s7 =	simm.s32 @!p0 $0x108  }
0x21: {  	s3 =	sadd.s32 s3, s9;
	s6 =	sadd.s32 @!p0 $0x88, s6;
	s7 =	simm.s32 @p2 $0x1082  }
0x22: {  	[simem:s7], [sflag:s8] =	dma.local @!p0 [hbm:s6], $0xF7A  }
0x23: {  	s9 =	sor.u32 $0xD0000000, s2;
	s6 =	simm.s32 $0x108;
	_ =	swait.ge @!p0 [sflag:s8], $0x0  }
0x24: {  	s3 =	sadd.s32 $0x88, s3;
	s6 =	simm.s32 @!p1 $0x1082;
	[sflag:s4] =	ssyncset.s32 $0xFFFFF086  }
0x25: {  	[simem:s6], [sflag:s4] =	dma.local [hbm:s3], $0xF7A  }
0x26: {  	[smem:$0x3F8A] =	sst s1;
	(tag) =	ssettag s2;
	_ =	strace s9  }
0x27: {  	s1 =	sld [smem:$0x3F9A]  }
0x28: {  	s2 =	sld [smem:$0x3F9B]  }
0x29: {  	s4 =	sld [smem:$0x3F9D]  }
0x2a: {  	p0 =	seq.s32 s5, $0x0;
	s5 =	sld [smem:$0x3F9E]  }
0x2b: {  	s6 =	sld [smem:$0x3F9F]  }
0x2c: {  	s7 =	sld [smem:$0x3FA0]  }
0x2d: {  	s3 =	simm.s32 $0x108;
	s8 =	sld [smem:$0x3FA1]  }
0x2e: {  	s3 =	simm.s32 @!p0 $0x1082;
	s9 =	sld [smem:$0x3FA2]  }
0x2f: {  	lr =	sadd.s32 s0, s3;
	s0 =	sld [smem:$0x3F99]  }
0x30: {  	s3 =	sld [smem:$0x3F9C]  }
0x31: {  	[smem:$0x3FA5] =	sst s10  }
0x32: {  	s10 =	sld [smem:$0x3FA3];
	_ =	sdelay $0x3  }
0x33: {  	p0 =	seq.s32 s10, $0x1;
	s10 =	sld [smem:$0x3FA5];
	_ =	sdelay $0x3  }
0x34: {  	[smem:$0x3FA5] =	sst s10  }
0x35: {  	s10 =	sld [smem:$0x3FA4];
	_ =	sdelay $0x3  }
0x36: {  	p1 =	seq.s32 s10, $0x1;
	s10 =	sld [smem:$0x3FA5];
	_ =	sdelay $0x3  }
0x37: {  	[smem:$0x3FA5] =	sst s10  }
0x38: {  	s10 =	sld [smem:$0x3FA6]  }
0x39: {  	_ = 	snop;
	(pc) =	sbr.ind lr, $3  }
0x3a: {  	_ = 	snop  }
0x3b: {  	_ = 	snop  }
0x3c: {  	p2 =	seq.s32 s10, $0x1;
	s10 =	sld [smem:$0x3FA5]  }
0x3d: {  	_ =	shalt  }
0x3e: {  	_ =	shalt  }
0x3f: {  	_ =	shalt  }
0x40: {  	_ =	shalt  }
0x41: {  	_ =	shalt  }
0x42: {  	_ =	shalt  }
0x43: {  	_ =	shalt  }
0x44: {  	_ =	shalt  }
0x45: {  	_ =	shalt  }
0x46: {  	_ =	shalt  }
0x47: {  	_ =	shalt  }
0x48: {  	_ =	shalt  }
0x49: {  	_ =	shalt  }
0x4a: {  	_ =	shalt  }
0x4b: {  	_ =	shalt  }
0x4c: {  	_ =	shalt  }
0x4d: {  	_ =	shalt  }
0x4e: {  	_ =	shalt  }
0x4f: {  	_ =	shalt  }
0x50: {  	_ =	shalt  }
0x51: {  	_ =	shalt  }
0x52: {  	_ =	shalt  }
0x53: {  	_ =	shalt  }
0x54: {  	_ =	shalt  }
0x55: {  	_ =	shalt  }
0x56: {  	_ =	shalt  }
0x57: {  	_ =	shalt  }
0x58: {  	_ =	shalt  }
0x59: {  	_ =	shalt  }
0x5a: {  	_ =	shalt  }
0x5b: {  	_ =	shalt  }
0x5c: {  	_ =	shalt  }
0x5d: {  	_ =	shalt  }
0x5e: {  	_ =	shalt  }
0x5f: {  	_ =	shalt  }
0x60: {  	_ =	shalt  }
0x61: {  	_ =	shalt  }
0x62: {  	_ =	shalt  }
0x63: {  	_ =	shalt  }
0x64: {  	_ =	shalt  }
0x65: {  	_ =	shalt  }
0x66: {  	_ =	shalt  }
0x67: {  	_ =	shalt  }
0x68: {  	_ =	shalt  }
0x69: {  	_ =	shalt  }
0x6a: {  	_ =	shalt  }
0x6b: {  	_ =	shalt  }
0x6c: {  	_ =	shalt  }
0x6d: {  	_ =	shalt  }
0x6e: {  	_ =	shalt  }
0x6f: {  	_ =	shalt  }
0x70: {  	_ =	shalt  }
0x71: {  	_ =	shalt  }
0x72: {  	_ =	shalt  }
0x73: {  	_ =	shalt  }
0x74: {  	_ =	shalt  }
0x75: {  	_ =	shalt  }
0x76: {  	_ =	shalt  }
0x77: {  	_ =	shalt  }
0x78: {  	_ =	shalt  }
0x79: {  	_ =	shalt  }
0x7a: {  	_ =	shalt  }
0x7b: {  	_ =	shalt  }
0x7c: {  	_ =	shalt  }
0x7d: {  	_ =	shalt  }
0x7e: {  	_ =	shalt  }
0x7f: {  	_ =	shalt  }
0x80: {  	_ =	shalt  }
0x81: {  	_ =	shalt  }
0x82: {  	_ =	shalt  }
0x83: {  	_ =	shalt  }
0x84: {  	_ =	shalt  }
0x85: {  	_ =	shalt  }
0x86: {  	_ =	shalt  }
0x87: {  	_ =	shalt  }
.Lfunc_end0:
.L_simem_size_0:
called_computation.1_lowered:
.L_overlay_start_0:
0x88: {  	s2 =	sld [smem:$0x3FD9]  }
0x89: {  	s3 =	sld [smem:$0x3FFE];
	_ =	sdelay $0x1  }
0x8a: {  	s1 =	srdreg.scid  }
0x8b: {  	s0 =	sand.u32 $0x1, s1  }
0x8c: {  	s16 =	sshll.u32 s0, $0xA;
	s2 =	sadd.s32 s3, s2  }
0x8d: {  	s2 =	sadd.s32 s2, s16  }
0x8e: {  	[smem:$0x3FB1] =	sst s2  }
0x8f: {  	_ = 	snop  }
0x90: {  	(tm) =	ssettm $0x1  }
0x91: {  	s17 =	sld [smem:$0x3FFB];
	_ =	sdelay $0x3  }
0x92: {  	_ =	strace s17  }
0x93: {  	s2 =	sld [smem:$0x3FFC];
	_ =	sdelay $0x3  }
0x94: {  	_ =	strace s2  }
0x95: {  	s2 =	sld [smem:$0x3FFD];
	_ =	sdelay $0x3  }
0x96: {  	_ =	strace s2  }
0x97: {  	_ =	strace $0x8FFFFFFF  }
0x98: {  	s18 =	sld [smem:$0x3FDB];
	_ =	sdelay $0x1  }
0x99: {  	s19 =	simm.s32 $_scs_section_size  }
0x9a: {  	s4 =	simm.s32 $_size__tile_overlayer_lowered;
	s5 =	simm.s32 $_tile_overlayer_lowered  }
0x9b: {  	s22 =	simm.s32 $0x1BFF;
	s21 =	sshll.u32 s5, $0x1;
	s2 =	sadd.s32 s19, s18  }
0x9c: {  	s6 =	simm.s32 $0x0;
	s20 =	sshll.u32 s4, $0x1;
	s4 =	sadd.s32 s21, s2  }
0x9d: {  	[timem:s6], [sflag:s22] =	dma.local [hbm:s4], s20  }
0x9e: {  	_ =	swait.ge [sflag:s22], s20  }
0x9f: {  	s3 =	ssub.s32 $0x0, s20;
	[sflag:s22] =	ssyncset.done $0x0  }
0xa0: {  	[sflag:s22] =	ssyncadd.s32 s3;
	_ =	sdelay $0x1  }
0xa1: {  	s23 =	simm.s32 $0x1B8B  }
0xa2: {  	_ =	swait.ge [sflag:s23], $0x1  }
0xa3: {  	[sflag:s23] =	ssyncset.done $0x0  }
0xa4: {  	s25 =	simm.s32 $0x1B8E;
	s24 =	sld [smem:$0x3FFE];
	[sflag:s23] =	ssyncadd.s32 $0xFFFFFFFF  }
0xa5: {  	s26 =	simm.s32 $execute0_lowered;
	[smem:$0x3FD2] =	sst s25  }
0xa6: {  	s4 =	sshll.u32 s26, $0x1;
	_ =	strace $0x80000049;
	[dreg:$0x1] =	wrdreg $0xFFFFFFFF  }
0xa7: {  	s28 =	simm.s32 $_size_execute0_lowered;
	s2 =	sadd.s32 s2, s4;
	[dreg:$0x0] =	wrdreg $0x0  }
0xa8: {  	s4 =	sshll.u32 s28, $0x1;
	[dreg:$0x2] =	wrdreg s2  }
0xa9: {  	[dreg:$0x3] =	wrdreg s4  }
0xaa: {  	[dreg:$0x4] =	wrdreg $0xC0  }
0xab: {  	_ =	task [dreg:s6], $0x5FFFF  }
0xac: {  	[dreg:$0x1] =	wrdreg $0xFFFFFFFF  }
0xad: {  	[dreg:$0x0] =	wrdreg $0x60  }
0xae: {  	[dreg:$0x2] =	wrdreg s24  }
0xaf: {  	[dreg:$0x3] =	wrdreg $0x88000  }
0xb0: {  	[dreg:$0x4] =	wrdreg $0x9  }
0xb1: {  	_ =	task.clear_ibuf [dreg:s6], $0x5FFFF;
	_ =	strace $0x90000049  }
0xb2: {  	s29 =	simm.s32 $0x9;
	_ =	strace $0x8000004B  }
0xb3: {  	_ =	swait.ge [sflag:s29], $0x1  }
0xb4: {  	[sflag:s29] =	ssyncadd.s32 $0xFFFFFFFF  }
0xb5: {  	_ =	strace $0x9000004B  }
0xb6: {  	_ =	sfence  }
0xb7: {  	s30 =	sld [smem:$0x0];
	_ =	sdelay $0x2  }
0xb8: {  	s31 =	sshll.u32 s1, $0xD;
	s1 =	sshrl.u32 s1, $0x2  }
0xb9: {  	s3 =	sand.u32 $0x4000, s31;
	s1 =	sadd.s32 s1, s30  }
0xba: {  	s0 =	sor.u32 s3, s0;
	s1 =	sshll.u32 s1, $0x11  }
0xbb: {  	s0 =	sor.u32 s1, s0  }
0xbc: {  	s0 =	sadd.s32 $0x8F2B, s0  }
0xbd: {  	[sflag:s0] =	ssyncadd.remote.s32 $0x1  }
0xbe: {  	_ =	sfence.sel $0xFFFF  }
0xbf: {  	[dreg:$0x0] =	wrdreg $0xFFFFFFFF;
	(pc) =	sbr.abs _section_cstart, $3  }
0xc0: {  	[dreg:$0x1] =	wrdreg $0xFFFFFFFF  }
0xc1: {  	_ =	task.clear_ibuf [dreg:s6], $0x2FFFF;
	_ =	strace $0x9FFFFFFF  }
0xc2: {  	(tm) =	ssettm $0x7FFFFFFF  }
0xc3: {  	_ =	shalt  }
tec
execute0_lowered:
.L_overlay_start_1:
0x0: {  	(tag) =	ssettag $0x1  }
0x1: {  	s0 =	rddreg [dreg:$0x0]  }
0x2: {  	s2 =	rddreg [dreg:$0x1];
	s14 =	stileid.u32;
	s3 =	simm.s32 $0x0  }
0x3: {  	s6 =	srdreg.scid;
	s18 =	simm.s32 $0x1000;
	s19 =	simm.s32 $0x100  }
0x4: {  	s20 =	simm.s32 $0x1800;
	s21 =	simm.s32 $0x180;
	s22 =	simm.s32 $0x2000  }
0x5: {  	s23 =	simm.s32 $0x200;
	s28 =	simm.s32 $0x580;
	s29 =	simm.s32 $0x6000  }
0x6: {  	s30 =	simm.s32 $0x600;
	s1 =	smul.u32 $0xA000, s14;
	[smem:$0x7FF] =	sst s3  }
0x7: {  	s4 =	smul.u32 $0xA00, s14;
	_ =	strace $0x8000004A;
	[dreg:$0x4] =	wrdreg s18  }
0x8: {  	s31 =	simm.s32 $0x6800;
	s5 =	smul.u32 $0x2800, s14;
	[dreg:$0x5] =	wrdreg s19  }
0x9: {  	s6 =	sand.u32 $0x1, s6;
	s12 =	sadd.s32 $0xA9200, s0;
	[dreg:$0x6] =	wrdreg s20  }
0xa: {  	s24 =	smul.u32 $0x500, s14;
	s13 =	sadd.s32 $0x25800, s2;
	[dreg:$0x7] =	wrdreg s21  }
0xb: {  	p0 =	seq.s32 s14, $0xF;
	s11 =	smul.u32 $0x4E20, s6;
	[dreg:$0x8] =	wrdreg s22  }
0xc: {  	s9 =	ssub.s32 $0x2, s6;
	s25 =	smul.u32 $0x27100, s6;
	[dreg:$0x9] =	wrdreg s23  }
0xd: {  	s18 =	simm.s32 $0x380;
	s19 =	simm.s32 $0x4000;
	s20 =	simm.s32 $0x400  }
0xe: {  	s21 =	simm.s32 $0x4800;
	s22 =	simm.s32 $0x480;
	s23 =	simm.s32 $0x5000  }
0xf: {  	s7 =	sadd.s32 s1, s0;
	s4 =	sadd.s32 s4, s0;
	s8 =	sshrl.u32 s5, $0x3  }
0x10: {  	s10 =	sshrl.u32 s9, $0x1;
	s5 =	sadd.s32 s5, s2;
	s1 =	sshrl.u32 s1, $0x2  }
0x11: {  	s8 =	sadd.s32 s8, s0;
	s9 =	ssub.s32 s9, s10;
	s0 =	sadd.s32 $0xA8D00, s0  }
0x12: {  	s26 =	sadd.s32 s24, s11;
	s10 =	sshrl.u32 s25, $0x3;
	s11 =	smul.u32 $0x500, s6  }
0x13: {  	s6 =	smul.u32 $0x5000, s6;
	s24 =	simm.s32 $0x2800;
	[dreg:$0xe] =	wrdreg s0  }
0x14: {  	s1 =	sadd.s32 s1, s2;
	s25 =	simm.s32 $0x280;
	[dreg:$0xa] =	wrdreg s24  }
0x15: {  	s8 =	sadd.s32 $0xA4200, s8;
	s0 =	sadd.s32 s12, s26;
	[dreg:$0xb] =	wrdreg s25  }
0x16: {  	s15 =	smax.u32 s9, $0x1;
	s26 =	simm.s32 $0x3000;
	[dreg:$0xd] =	wrdreg s8  }
0x17: {  	s24 =	simm.s32 $0x500;
	s25 =	simm.s32 $0x0;
	[dreg:$0xf] =	wrdreg s0  }
0x18: {  	s0 =	sadd.s32 s12, s10;
	s12 =	sadd.s32 s11, s4;
	[dreg:$0x11] =	wrdreg s15  }
0x19: {  	s16 =	sadd.s32 s6, s7;
	s11 =	sshrl.u32 @p0 s13, $0x3;
	s4 =	sshll.u32 @!p0 s14, $0x6  }
0x1a: {  	s13 =	simm.s32 $0x2;
	s14 =	simm.s32 $0x800;
	s15 =	simm.s32 $0x80  }
0x1b: {  	[dreg:$0xc] =	wrdreg s26;
	s26 =	simm.s32 $0x5800;
	s6 =	simm.s32 $0x780  }
0x1c: {  	s7 =	simm.s32 $0x8000;
	s0 =	sadd.s32 $0x4B00, s0;
	[dreg:$0x13] =	wrdreg s11  }
0x1d: {  	s8 =	simm.s32 $0x1;
	s17 =	sadd.s32 $0x4200, s16;
	[dreg:$0x10] =	wrdreg s0  }
0x1e: {  	s16 =	simm.s32 $0x300;
	s0 =	sadd.s32 $0x284200, s12;
	[dreg:$0x12] =	wrdreg s17  }
0x1f: {  	s12 =	sor.u32 @!p0 $0x1C02, s4;
	s4 =	sshrl.u32 @!p0 s5, $0x3;
	[dreg:$0x3] =	wrdreg s0  }
0x20: {  	s17 =	simm.s32 $0x3800;
	s5 =	simm.s32 $0x7800;
	[dreg:$0x15] =	wrdreg s4  }
0x21: {  	s0 =	sshrl.u32 @!p0 s1, $0x3;
	s1 =	simm.s32 $0x7000;
	[dreg:$0x14] =	wrdreg s12  }
0x22: {  	s4 =	simm.s32 $0x700;
	[dreg:$0x16] =	wrdreg s0;
	s0 =	simm.s32 $0x680  }
.LBB2_1:
0x23: {  	[dreg:$0x17] =	wrdreg s25  }
0x24: {  	s9 =	simm.s32 @p0 $0x1FC2;
	s10 =	rddreg [dreg:$0xe]  }
0x25: {  	[spmem:s11], [sflag:s9] =	dma.local @p0 [hbm:s10], $0x320  }
0x26: {  	s9 =	simm.s32 @p0 $0x2  }
0x27: {  	_ =	swait.ge @p0 [sflag:s9], $0x320  }
0x28: {  	[sflag:s9] =	ssyncset.done @p0 $0x0;
	s10 =	rddreg [dreg:$0x15]  }
0x29: {  	[sflag:s9] =	ssyncadd.s32 @p0 $0xFFFFFCE0;
	s9 =	rddreg [dreg:$0xd]  }
0x2a: {  	[spmem:s10], [sflag:s12] =	dma.local @!p0 [hbm:s9], $0x500  }
0x2b: {  	s9 =	simm.s32 @!p0 $0x2  }
0x2c: {  	_ =	swait.ge @!p0 [sflag:s9], $0x500  }
0x2d: {  	[sflag:s9] =	ssyncset.done @!p0 $0x0  }
0x2e: {  	[sflag:s9] =	ssyncadd.s32 @!p0 $0xFFFFFB00  }
0x2f: {  	[bflag:$0x0] =	sbarrier.arrive $0xFFFF  }
0x30: {  	s25 =	rddreg [dreg:$0x3]  }
0x31: {  	s9 =	sadd.s32 $0x0, s25  }
0x32: {  	[tilespmem:s3], [sflag:$0x2] =	stream.linear.gather [hbm4b:s9+s3], $0x800, $0x38;
	[tilespmem:$0xAF18] =	vst v63  }
0x33: {  	_ =	swait.ge [sflag:s13], $0x800  }
0x34: {  	[sflag:s13] =	ssyncset.done $0x0  }
0x35: {  	s12 =	rddreg [dreg:$0x12];
	[sflag:s13] =	ssyncadd.s32 $0xFFFFF800  }
0x36: {  	[tilespmem:s14], [sflag:$0x2] =	stream.linear.gather [hbm4b:s12+s3], $0x8000, $0x38;
	[tilespmem:$0xAF18] =	vst v63  }
0x37: {  	_ =	swait.ge [sflag:s13], $0x8000  }
0x38: {  	s9 =	rddreg [dreg:$0x5]  }
0x39: {  	[sflag:s13] =	ssyncset.done $0x0;
	s25 =	rddreg [dreg:$0x4]  }
0x3a: {  	s10 =	rddreg [dreg:$0x6];
	[sflag:s13] =	ssyncadd.s32 $0xFFFF8000  }
0x3b: {  	[spmem:s2] =	stream.indirect.scatter.add.f32 [tilespmem:s14], [sflag:$0x1], $0x10, s3, s15, $0xb8;
	[tilespmem:$0xAF18] =	vst v63  }
0x3c: {  	s11 =	rddreg [dreg:$0x8]  }
0x3d: {  	[spmem:s2] =	stream.indirect.scatter.add.f32 [tilespmem:s25], [sflag:$0x1], $0x10, s15, s15, $0xb8;
	[tilespmem:$0xAF18] =	vst v63  }
0x3e: {  	s25 =	rddreg [dreg:$0x7]  }
0x3f: {  	[spmem:s2] =	stream.indirect.scatter.add.f32 [tilespmem:s10], [sflag:$0x1], $0x10, s9, s15, $0xb8;
	[tilespmem:$0xAF18] =	vst v63  }
0x40: {  	s9 =	rddreg [dreg:$0xa]  }
0x41: {  	s10 =	rddreg [dreg:$0x9]  }
0x42: {  	[spmem:s2] =	stream.indirect.scatter.add.f32 [tilespmem:s11], [sflag:$0x1], $0x10, s25, s15, $0xb8;
	[tilespmem:$0xAF18] =	vst v63  }
0x43: {  	s11 =	rddreg [dreg:$0xc]  }
0x44: {  	[spmem:s2] =	stream.indirect.scatter.add.f32 [tilespmem:s9], [sflag:$0x1], $0x10, s10, s15, $0xb8;
	[tilespmem:$0xAF18] =	vst v63  }
0x45: {  	s25 =	rddreg [dreg:$0xb]  }
0x46: {  	[spmem:s2] =	stream.indirect.scatter.add.f32 [tilespmem:s11], [sflag:$0x1], $0x10, s25, s15, $0xb8;
	[tilespmem:$0xAF18] =	vst v63  }
0x47: {  	_ = 	snop  }
0x48: {  	[spmem:s2] =	stream.indirect.scatter.add.f32 [tilespmem:s17], [sflag:$0x1], $0x10, s16, s15, $0xb8;
	[tilespmem:$0xAF18] =	vst v63  }
0x49: {  	_ = 	snop  }
0x4a: {  	[spmem:s2] =	stream.indirect.scatter.add.f32 [tilespmem:s19], [sflag:$0x1], $0x10, s18, s15, $0xb8;
	[tilespmem:$0xAF18] =	vst v63  }
0x4b: {  	_ = 	snop  }
0x4c: {  	[spmem:s2] =	stream.indirect.scatter.add.f32 [tilespmem:s21], [sflag:$0x1], $0x10, s20, s15, $0xb8;
	[tilespmem:$0xAF18] =	vst v63  }
0x4d: {  	_ = 	snop  }
0x4e: {  	[spmem:s2] =	stream.indirect.scatter.add.f32 [tilespmem:s23], [sflag:$0x1], $0x10, s22, s15, $0xb8;
	[tilespmem:$0xAF18] =	vst v63  }
0x4f: {  	_ = 	snop  }
0x50: {  	[spmem:s2] =	stream.indirect.scatter.add.f32 [tilespmem:s26], [sflag:$0x1], $0x10, s24, s15, $0xb8;
	[tilespmem:$0xAF18] =	vst v63  }
0x51: {  	_ = 	snop  }
0x52: {  	[spmem:s2] =	stream.indirect.scatter.add.f32 [tilespmem:s29], [sflag:$0x1], $0x10, s28, s15, $0xb8;
	[tilespmem:$0xAF18] =	vst v63  }
0x53: {  	_ = 	snop  }
0x54: {  	[spmem:s2] =	stream.indirect.scatter.add.f32 [tilespmem:s31], [sflag:$0x1], $0x10, s30, s15, $0xb8;
	[tilespmem:$0xAF18] =	vst v63  }
0x55: {  	_ = 	snop  }
0x56: {  	[spmem:s2] =	stream.indirect.scatter.add.f32 [tilespmem:s1], [sflag:$0x1], $0x10, s0, s15, $0xb8;
	[tilespmem:$0xAF18] =	vst v63  }
0x57: {  	_ = 	snop  }
0x58: {  	[spmem:s2] =	stream.indirect.scatter.add.f32 [tilespmem:s5], [sflag:$0x1], $0x10, s4, s15, $0xb8;
	[tilespmem:$0xAF18] =	vst v63  }
0x59: {  	_ = 	snop  }
0x5a: {  	[spmem:s2] =	stream.indirect.scatter.add.f32 [tilespmem:s7], [sflag:$0x1], $0x10, s6, s15, $0xb8;
	[tilespmem:$0xAF18] =	vst v63  }
0x5b: {  	_ =	swait.ge [sflag:s8], $0x800  }
0x5c: {  	[sflag:s8] =	ssyncset.done $0x0  }
0x5d: {  	[sflag:s8] =	ssyncadd.s32 $0xFFFFF800  }
0x5e: {  	_ =	swait.ge [sflag:s8], $0x800  }
0x5f: {  	[sflag:s8] =	ssyncset.done $0x0  }
0x60: {  	[sflag:s8] =	ssyncadd.s32 $0xFFFFF800  }
0x61: {  	_ =	swait.ge [sflag:s8], $0x800  }
0x62: {  	[sflag:s8] =	ssyncset.done $0x0  }
0x63: {  	[sflag:s8] =	ssyncadd.s32 $0xFFFFF800  }
0x64: {  	_ =	swait.ge [sflag:s8], $0x800  }
0x65: {  	[sflag:s8] =	ssyncset.done $0x0  }
0x66: {  	[sflag:s8] =	ssyncadd.s32 $0xFFFFF800  }
0x67: {  	_ =	swait.ge [sflag:s8], $0x800  }
0x68: {  	[sflag:s8] =	ssyncset.done $0x0  }
0x69: {  	[sflag:s8] =	ssyncadd.s32 $0xFFFFF800  }
0x6a: {  	_ =	swait.ge [sflag:s8], $0x800  }
0x6b: {  	[sflag:s8] =	ssyncset.done $0x0  }
0x6c: {  	[sflag:s8] =	ssyncadd.s32 $0xFFFFF800  }
0x6d: {  	_ =	swait.ge [sflag:s8], $0x800  }
0x6e: {  	[sflag:s8] =	ssyncset.done $0x0  }
0x6f: {  	[sflag:s8] =	ssyncadd.s32 $0xFFFFF800  }
0x70: {  	_ =	swait.ge [sflag:s8], $0x800  }
0x71: {  	[sflag:s8] =	ssyncset.done $0x0  }
0x72: {  	[sflag:s8] =	ssyncadd.s32 $0xFFFFF800  }
0x73: {  	_ =	swait.ge [sflag:s8], $0x800  }
0x74: {  	[sflag:s8] =	ssyncset.done $0x0  }
0x75: {  	[sflag:s8] =	ssyncadd.s32 $0xFFFFF800  }
0x76: {  	_ =	swait.ge [sflag:s8], $0x800  }
0x77: {  	[sflag:s8] =	ssyncset.done $0x0  }
0x78: {  	[sflag:s8] =	ssyncadd.s32 $0xFFFFF800  }
0x79: {  	_ =	swait.ge [sflag:s8], $0x800  }
0x7a: {  	[sflag:s8] =	ssyncset.done $0x0  }
0x7b: {  	[sflag:s8] =	ssyncadd.s32 $0xFFFFF800  }
0x7c: {  	_ =	swait.ge [sflag:s8], $0x800  }
0x7d: {  	[sflag:s8] =	ssyncset.done $0x0  }
0x7e: {  	[sflag:s8] =	ssyncadd.s32 $0xFFFFF800  }
0x7f: {  	_ =	swait.ge [sflag:s8], $0x800  }
0x80: {  	[sflag:s8] =	ssyncset.done $0x0  }
0x81: {  	[sflag:s8] =	ssyncadd.s32 $0xFFFFF800  }
0x82: {  	_ =	swait.ge [sflag:s8], $0x800  }
0x83: {  	[sflag:s8] =	ssyncset.done $0x0  }
0x84: {  	[sflag:s8] =	ssyncadd.s32 $0xFFFFF800  }
0x85: {  	_ =	swait.ge [sflag:s8], $0x800  }
0x86: {  	s9 =	smov.u32 s12;
	s25 =	simm.s32 $0x100;
	[sflag:s8] =	ssyncset.done $0x0  }
.LBB2_2:
0x87: {  	[sflag:s8] =	ssyncadd.s32 $0xFFFFF800  }
0x88: {  	_ =	swait.ge [sflag:s8], $0x800  }
0x89: {  	s10 =	smov.u32 s25;
	s11 =	rddreg [dreg:$0x3];
	[sflag:s8] =	ssyncset.done $0x0  }
0x8a: {  	[sflag:s8] =	ssyncadd.s32 $0xFFFFF800;
	s10 =	sadd.s32 s10, s11  }
0x8b: {  	[tilespmem:s3], [sflag:$0x2] =	stream.linear.gather [hbm4b:s10+s3], $0x800, $0x38;
	[tilespmem:$0xAF18] =	vst v63  }
0x8c: {  	_ =	swait.ge [sflag:s13], $0x800  }
0x8d: {  	[sflag:s13] =	ssyncset.done $0x0  }
0x8e: {  	s9 =	sadd.s32 $0x1000, s9;
	[sflag:s13] =	ssyncadd.s32 $0xFFFFF800  }
0x8f: {  	[tilespmem:s14], [sflag:$0x2] =	stream.linear.gather [hbm4b:s9+s3], $0x8000, $0x38;
	[tilespmem:$0xAF18] =	vst v63  }
0x90: {  	_ =	swait.ge [sflag:s13], $0x8000  }
0x91: {  	s10 =	rddreg [dreg:$0xc]  }
0x92: {  	s11 =	rddreg [dreg:$0xa]  }
0x93: {  	[sflag:s13] =	ssyncset.done $0x0;
	s12 =	rddreg [dreg:$0x5]  }
0x94: {  	s16 =	rddreg [dreg:$0x4];
	[sflag:s13] =	ssyncadd.s32 $0xFFFF8000  }
0x95: {  	[spmem:s2] =	stream.indirect.scatter.add.f32 [tilespmem:s14], [sflag:$0x1], $0x10, s3, s15, $0xb8;
	[tilespmem:$0xAF18] =	vst v63  }
0x96: {  	s17 =	rddreg [dreg:$0x6]  }
0x97: {  	[spmem:s2] =	stream.indirect.scatter.add.f32 [tilespmem:s16], [sflag:$0x1], $0x10, s15, s15, $0xb8;
	[tilespmem:$0xAF18] =	vst v63  }
0x98: {  	s18 =	rddreg [dreg:$0x8]  }
0x99: {  	[spmem:s2] =	stream.indirect.scatter.add.f32 [tilespmem:s17], [sflag:$0x1], $0x10, s12, s15, $0xb8;
	[tilespmem:$0xAF18] =	vst v63  }
0x9a: {  	s16 =	rddreg [dreg:$0x7]  }
0x9b: {  	[spmem:s2] =	stream.indirect.scatter.add.f32 [tilespmem:s18], [sflag:$0x1], $0x10, s16, s15, $0xb8;
	[tilespmem:$0xAF18] =	vst v63  }
0x9c: {  	s12 =	rddreg [dreg:$0x9]  }
0x9d: {  	[spmem:s2] =	stream.indirect.scatter.add.f32 [tilespmem:s11], [sflag:$0x1], $0x10, s12, s15, $0xb8;
	[tilespmem:$0xAF18] =	vst v63  }
0x9e: {  	s16 =	rddreg [dreg:$0xb]  }
0x9f: {  	[spmem:s2] =	stream.indirect.scatter.add.f32 [tilespmem:s10], [sflag:$0x1], $0x10, s16, s15, $0xb8;
	[tilespmem:$0xAF18] =	vst v63  }
0xa0: {  	s17 =	simm.s32 $0x3800;
	s16 =	simm.s32 $0x300  }
0xa1: {  	[spmem:s2] =	stream.indirect.scatter.add.f32 [tilespmem:s17], [sflag:$0x1], $0x10, s16, s15, $0xb8;
	[tilespmem:$0xAF18] =	vst v63  }
0xa2: {  	s18 =	simm.s32 $0x380  }
0xa3: {  	[spmem:s2] =	stream.indirect.scatter.add.f32 [tilespmem:s19], [sflag:$0x1], $0x10, s18, s15, $0xb8;
	[tilespmem:$0xAF18] =	vst v63  }
0xa4: {  	_ = 	snop  }
0xa5: {  	[spmem:s2] =	stream.indirect.scatter.add.f32 [tilespmem:s21], [sflag:$0x1], $0x10, s20, s15, $0xb8;
	[tilespmem:$0xAF18] =	vst v63  }
0xa6: {  	_ = 	snop  }
0xa7: {  	[spmem:s2] =	stream.indirect.scatter.add.f32 [tilespmem:s23], [sflag:$0x1], $0x10, s22, s15, $0xb8;
	[tilespmem:$0xAF18] =	vst v63  }
0xa8: {  	_ = 	snop  }
0xa9: {  	[spmem:s2] =	stream.indirect.scatter.add.f32 [tilespmem:s26], [sflag:$0x1], $0x10, s24, s15, $0xb8;
	[tilespmem:$0xAF18] =	vst v63  }
0xaa: {  	_ = 	snop  }
0xab: {  	[spmem:s2] =	stream.indirect.scatter.add.f32 [tilespmem:s29], [sflag:$0x1], $0x10, s28, s15, $0xb8;
	[tilespmem:$0xAF18] =	vst v63  }
0xac: {  	_ = 	snop  }
0xad: {  	[spmem:s2] =	stream.indirect.scatter.add.f32 [tilespmem:s31], [sflag:$0x1], $0x10, s30, s15, $0xb8;
	[tilespmem:$0xAF18] =	vst v63  }
0xae: {  	_ = 	snop  }
0xaf: {  	[spmem:s2] =	stream.indirect.scatter.add.f32 [tilespmem:s1], [sflag:$0x1], $0x10, s0, s15, $0xb8;
	[tilespmem:$0xAF18] =	vst v63  }
0xb0: {  	_ = 	snop  }
0xb1: {  	[spmem:s2] =	stream.indirect.scatter.add.f32 [tilespmem:s5], [sflag:$0x1], $0x10, s4, s15, $0xb8;
	[tilespmem:$0xAF18] =	vst v63  }
0xb2: {  	_ = 	snop  }
0xb3: {  	[spmem:s2] =	stream.indirect.scatter.add.f32 [tilespmem:s7], [sflag:$0x1], $0x10, s6, s15, $0xb8;
	[tilespmem:$0xAF18] =	vst v63  }
0xb4: {  	_ =	swait.ge [sflag:s8], $0x800  }
0xb5: {  	[sflag:s8] =	ssyncset.done $0x0  }
0xb6: {  	[sflag:s8] =	ssyncadd.s32 $0xFFFFF800  }
0xb7: {  	_ =	swait.ge [sflag:s8], $0x800  }
0xb8: {  	[sflag:s8] =	ssyncset.done $0x0  }
0xb9: {  	[sflag:s8] =	ssyncadd.s32 $0xFFFFF800  }
0xba: {  	_ =	swait.ge [sflag:s8], $0x800  }
0xbb: {  	[sflag:s8] =	ssyncset.done $0x0  }
0xbc: {  	[sflag:s8] =	ssyncadd.s32 $0xFFFFF800  }
0xbd: {  	_ =	swait.ge [sflag:s8], $0x800  }
0xbe: {  	[sflag:s8] =	ssyncset.done $0x0  }
0xbf: {  	[sflag:s8] =	ssyncadd.s32 $0xFFFFF800  }
0xc0: {  	_ =	swait.ge [sflag:s8], $0x800  }
0xc1: {  	[sflag:s8] =	ssyncset.done $0x0  }
0xc2: {  	[sflag:s8] =	ssyncadd.s32 $0xFFFFF800  }
0xc3: {  	_ =	swait.ge [sflag:s8], $0x800  }
0xc4: {  	[sflag:s8] =	ssyncset.done $0x0  }
0xc5: {  	[sflag:s8] =	ssyncadd.s32 $0xFFFFF800  }
0xc6: {  	_ =	swait.ge [sflag:s8], $0x800  }
0xc7: {  	[sflag:s8] =	ssyncset.done $0x0  }
0xc8: {  	[sflag:s8] =	ssyncadd.s32 $0xFFFFF800  }
0xc9: {  	_ =	swait.ge [sflag:s8], $0x800  }
0xca: {  	[sflag:s8] =	ssyncset.done $0x0  }
0xcb: {  	[sflag:s8] =	ssyncadd.s32 $0xFFFFF800  }
0xcc: {  	_ =	swait.ge [sflag:s8], $0x800  }
0xcd: {  	[sflag:s8] =	ssyncset.done $0x0  }
0xce: {  	[sflag:s8] =	ssyncadd.s32 $0xFFFFF800  }
0xcf: {  	_ =	swait.ge [sflag:s8], $0x800  }
0xd0: {  	[sflag:s8] =	ssyncset.done $0x0  }
0xd1: {  	[sflag:s8] =	ssyncadd.s32 $0xFFFFF800  }
0xd2: {  	_ =	swait.ge [sflag:s8], $0x800  }
0xd3: {  	[sflag:s8] =	ssyncset.done $0x0  }
0xd4: {  	[sflag:s8] =	ssyncadd.s32 $0xFFFFF800  }
0xd5: {  	_ =	swait.ge [sflag:s8], $0x800  }
0xd6: {  	[sflag:s8] =	ssyncset.done $0x0  }
0xd7: {  	[sflag:s8] =	ssyncadd.s32 $0xFFFFF800  }
0xd8: {  	_ =	swait.ge [sflag:s8], $0x800  }
0xd9: {  	[sflag:s8] =	ssyncset.done $0x0  }
0xda: {  	p1 =	sne.s32 s25, $0x400;
	[sflag:s8] =	ssyncadd.s32 $0xFFFFF800  }
.Ltmp0:
0xdb: {  	_ =	swait.ge [sflag:s8], $0x800;
	(pc) =	sbr.rel @p1 .LBB2_2-.Ltmp0, $4  }
0xdc: {  	[sflag:s8] =	ssyncset.done $0x0  }
0xdd: {  	[sflag:s8] =	ssyncadd.s32 $0xFFFFF800  }
0xde: {  	_ =	swait.ge [sflag:s8], $0x800  }
0xdf: {  	s25 =	sadd.s32 $0x100, s25;
	[sflag:s8] =	ssyncset.done $0x0  }
0xe0: {  	[sflag:s8] =	ssyncadd.s32 $0xFFFFF800  }
0xe1: {  	_ =	swait.ge [sflag:s8], $0x800  }
0xe2: {  	[sflag:s8] =	ssyncset.done $0x0  }
0xe3: {  	[sflag:s8] =	ssyncadd.s32 $0xFFFFF800  }
0xe4: {  	[bflag:$0x0] =	sbarrier.arrive $0xFFFF  }
0xe5: {  	s10 =	rddreg [dreg:$0x10]  }
0xe6: {  	s9 =	simm.s32 @p0 $0x1FC2;
	s11 =	rddreg [dreg:$0x13]  }
0xe7: {  	[hbm:s10], [sflag:s9] =	dma.local @p0 [spmem:s11], $0x320  }
0xe8: {  	s9 =	simm.s32 @p0 $0x2  }
0xe9: {  	_ =	swait.ge @p0 [sflag:s9], $0x320  }
0xea: {  	s12 =	rddreg [dreg:$0x14]  }
0xeb: {  	[sflag:s9] =	ssyncset.done @p0 $0x0;
	s10 =	rddreg [dreg:$0x16]  }
0xec: {  	[sflag:s9] =	ssyncadd.s32 @p0 $0xFFFFFCE0;
	s9 =	rddreg [dreg:$0xf]  }
0xed: {  	[hbm:s9], [sflag:s12] =	dma.local @!p0 [spmem:s10], $0x500  }
0xee: {  	s9 =	simm.s32 @!p0 $0x2  }
0xef: {  	_ =	swait.ge @!p0 [sflag:s9], $0x500  }
0xf0: {  	s25 =	rddreg [dreg:$0x17]  }
0xf1: {  	s10 =	rddreg [dreg:$0x11];
	s25 =	sadd.s32 $0x1, s25  }
0xf2: {  	p1 =	sne.s32 s25, s10  }
.Ltmp1:
0xf3: {  	_ = 	snop;
	(pc) =	sbr.rel @p1 .LBB2_1-.Ltmp1, $3  }
0xf4: {  	_ =	sdelay $0x1  }
0xf5: {  	[sflag:s9] =	ssyncset.done @!p0 $0x0  }
0xf6: {  	[sflag:s9] =	ssyncadd.s32 @!p0 $0xFFFFFB00  }
0xf7: {  	_ =	sfence.sel $0x180000  }
0xf8: {  	[bflag:$0x0] =	sbarrier.arrive $0xFFFF  }
0xf9: {  	_ =	strace $0x9000004A  }
0xfa: {  	s0 =	stileid.u32;
	[bflag:$0x2] =	sbarrier.arrive $0xFFFF  }
0xfb: {  	p0 =	sne.s32 s0, $0x0;
	s0 =	rddreg [dreg:$0x2]  }
0xfc: {  	s0 =	sadd.s32 @!p0 $0x100000, s0  }
0xfd: {  	[sflag:s0] =	ssyncadd.tile.s32 @!p0 $0x1;
	_ =	shalt  }
.Lfunc_end2:
_tile_overlayer_lowered:
.L_overlay_start_2:
0xfe: {  	(tag) =	ssettag $0x2  }
0xff: {  	s0 =	rddreg [dreg:$0x0];
	s2 =	stileid.u32  }
0x100: {  	s1 =	rddreg [dreg:$0x1];
	p0 =	sne.s32 s2, $0x0  }
0x101: {  	s3 =	rddreg [dreg:$0x2];
	[bflag:$0x3] =	sbarrier.arrive $0xFFFF;
	s2 =	simm.s32 @!p0 $0x1C02  }
0x102: {  	[timem:s3], [sflag:s2] =	dma.local @!p0 [hbm:s0], s1  }
0x103: {  	s0 =	simm.s32 @!p0 $0x2  }
0x104: {  	_ =	swait.ge @!p0 [sflag:s0], s1  }
0x105: {  	s1 =	ssub.s32 @!p0 $0x0, s1;
	[sflag:s0] =	ssyncset.done @!p0 $0x0  }
0x106: {  	[sflag:s0] =	ssyncadd.s32 @!p0 s1  }
0x107: {  	[bflag:$0x3] =	sbarrier.arrive $0xFFFF  }
0x108: {  	_ =	shalt  }

// kernel: sparse-core-data-format-call.cloned.1.call-start
scs
called_computation_lowered:
.L_overlay_start_0:
0x0: {  	s1 =	sld [smem:$0x3FD9]  }
0x1: {  	s2 =	sld [smem:$0x3FFE];
	_ =	sdelay $0x1  }
0x2: {  	s3 =	srdreg.scid  }
0x3: {  	s0 =	sand.u32 $0x1, s3  }
0x4: {  	s17 =	sshll.u32 s0, $0xA;
	s1 =	sadd.s32 s2, s1  }
0x5: {  	s1 =	sadd.s32 s1, s17  }
0x6: {  	[smem:$0x3FB1] =	sst s1  }
0x7: {  	_ = 	snop  }
0x8: {  	(tm) =	ssettm $0x1  }
0x9: {  	s18 =	sld [smem:$0x3FFB];
	_ =	sdelay $0x3  }
0xa: {  	_ =	strace s18  }
0xb: {  	s1 =	sld [smem:$0x3FFC];
	_ =	sdelay $0x3  }
0xc: {  	_ =	strace s1  }
0xd: {  	s1 =	sld [smem:$0x3FFD];
	_ =	sdelay $0x3  }
0xe: {  	_ =	strace s1  }
0xf: {  	_ =	strace $0x8FFFFFFF  }
0x10: {  	s19 =	sld [smem:$0x3FDB];
	_ =	sdelay $0x1  }
0x11: {  	s20 =	simm.s32 $_scs_section_size  }
0x12: {  	s4 =	simm.s32 $_size__tile_overlayer_lowered;
	s5 =	simm.s32 $_tile_overlayer_lowered  }
0x13: {  	s23 =	simm.s32 $0x1BFF;
	s22 =	sshll.u32 s5, $0x1;
	s1 =	sadd.s32 s20, s19  }
0x14: {  	s6 =	simm.s32 $0x0;
	s21 =	sshll.u32 s4, $0x1;
	s4 =	sadd.s32 s22, s1  }
0x15: {  	[timem:s6], [sflag:s23] =	dma.local [hbm:s4], s21  }
0x16: {  	_ =	swait.ge [sflag:s23], s21  }
0x17: {  	s2 =	ssub.s32 $0x0, s21;
	[sflag:s23] =	ssyncset.done $0x0  }
0x18: {  	[sflag:s23] =	ssyncadd.s32 s2;
	_ =	sdelay $0x1  }
0x19: {  	s24 =	simm.s32 $0x1B8B  }
0x1a: {  	_ =	swait.ge [sflag:s24], $0x1  }
0x1b: {  	[sflag:s24] =	ssyncset.done $0x0  }
0x1c: {  	s26 =	simm.s32 $0x1B8E;
	s25 =	sld [smem:$0x3FFE];
	[sflag:s24] =	ssyncadd.s32 $0xFFFFFFFF  }
0x1d: {  	s27 =	simm.s32 $execute0_lowered;
	[smem:$0x3FD2] =	sst s26  }
0x1e: {  	s4 =	sshll.u32 s27, $0x1;
	_ =	strace $0x80000046;
	[dreg:$0x1] =	wrdreg $0xFFFFFFFF  }
0x1f: {  	s28 =	simm.s32 $_size_execute0_lowered;
	s1 =	sadd.s32 s1, s4;
	[dreg:$0x0] =	wrdreg $0x0  }
0x20: {  	s4 =	sshll.u32 s28, $0x1;
	[dreg:$0x2] =	wrdreg s1  }
0x21: {  	[dreg:$0x3] =	wrdreg s4  }
0x22: {  	[dreg:$0x4] =	wrdreg $0xC0  }
0x23: {  	_ =	task [dreg:s6], $0x5FFFF  }
0x24: {  	[dreg:$0x1] =	wrdreg $0xFFFFFFFF  }
0x25: {  	[dreg:$0x0] =	wrdreg $0x60  }
0x26: {  	[dreg:$0x2] =	wrdreg s25  }
0x27: {  	[dreg:$0x3] =	wrdreg $0x9  }
0x28: {  	_ =	task.clear_ibuf [dreg:s6], $0x4FFFF;
	_ =	strace $0x90000046  }
0x29: {  	s29 =	simm.s32 $0x9;
	_ =	strace $0x80000048  }
0x2a: {  	_ =	swait.ge [sflag:s29], $0x1  }
0x2b: {  	[sflag:s29] =	ssyncadd.s32 $0xFFFFFFFF  }
0x2c: {  	_ =	strace $0x90000048  }
0x2d: {  	_ =	sfence  }
0x2e: {  	s30 =	sld [smem:$0x0];
	_ =	sdelay $0x2  }
0x2f: {  	s31 =	sshll.u32 s3, $0xD;
	s3 =	sshrl.u32 s3, $0x2  }
0x30: {  	s2 =	sand.u32 $0x4000, s31;
	s1 =	sadd.s32 s3, s30  }
0x31: {  	s0 =	sor.u32 s2, s0;
	s1 =	sshll.u32 s1, $0x11  }
0x32: {  	s0 =	sor.u32 s1, s0  }
0x33: {  	s0 =	sadd.s32 $0x8F2B, s0  }
0x34: {  	[sflag:s0] =	ssyncadd.remote.s32 $0x1  }
0x35: {  	_ =	sfence.sel $0xFFFF  }
0x36: {  	[dreg:$0x0] =	wrdreg $0xFFFFFFFF;
	(pc) =	sbr.abs _section_cstart, $3  }
0x37: {  	[dreg:$0x1] =	wrdreg $0xFFFFFFFF  }
0x38: {  	_ =	task.clear_ibuf [dreg:s6], $0x2FFFF;
	_ =	strace $0x9FFFFFFF  }
0x39: {  	(tm) =	ssettm $0x7FFFFFFF  }
tec
execute0_lowered:
.L_overlay_start_1:
0x0: {  	(tag) =	ssettag $0x1  }
0x1: {  	s0 =	stileid.u32  }
0x2: {  	s1 =	srdreg.scid;
	s7 =	rddreg [dreg:$0x0];
	s31 =	simm.s32 $0x2  }
0x3: {  	s17 =	simm.s32 $0x0;
	s15 =	simm.s32 $0x0;
	s18 =	simm.s32 $0x0  }
0x4: {  	s16 =	simm.s32 $0x0;
	s2 =	sshll.u32 s0, $0x9;
	s1 =	sshll.u32 s1, $0xD  }
0x5: {  	s11 =	simm.s32 $0x0;
	s12 =	simm.s32 $0x0;
	s1 =	sor.u32 s2, s1  }
0x6: {  	s14 =	simm.s32 $0x0;
	s3 =	sand.u32 $0x1, s0;
	s2 =	sand.u32 $0x3C00, s1  }
0x7: {  	s5 =	ssub.s32 $0x2, s3;
	s1 =	rddreg [dreg:$0x1];
	s4 =	ssub.s32 $0x50000, s2  }
0x8: {  	_ =	strace $0x80000047;
	s8 =	sshrl.u32 s5, $0x1;
	s6 =	sand.u32 $0x3C00, s4  }
0x9: {  	s5 =	sand.u32 $0x1, s5;
	p0 =	sne.s32 s6, $0x0;
	s6 =	simm.s32 $0x1  }
.Ltmp0:
0xa: {  	s9 =	sshrl.u32 s4, $0xE;
	s6 =	simm.s32 @!p0 $0x0;
	(pc) =	sbr.rel .LBB1_1-.Ltmp0, $4  }
0xb: {  	s5 =	sadd.s32 s5, s8;
	s4 =	simm.s32 $0x1;
	s6 =	sadd.s32 s6, s9  }
0xc: {  	s13 =	smov.u32 s3;
	[sflag:s4] =	ssyncpa.u1 $0x0;
	s5 =	smul.u32 s5, s6  }
0xd: {  	s10 =	smov.u32 s2;
	[sflag:s31] =	ssyncpa.u1 $0x0;
	s9 =	simm.s32 $0x280000  }
0xe: {  	s6 =	sadd.s32 $0x4200, s7;
	s7 =	sadd.s32 $0x144200, s7;
	s8 =	sadd.s32 $0x1, s5  }
.LBB1_9:
0xf: {  	s19 =	sadd.s32 $0x4000, s10  }
0x10: {  	s15 =	sadd.s32 $0x2, s11;
	s20 =	smov.u32 s11;
	p1 =	sgt.s32 s19, $0x4FFFF  }
0x11: {  	s20 =	smov.u32 @p1 s15  }
0x12: {  	s21 =	smov.u32 s12;
	s15 =	sadd.s32 $0x8, s12;
	p2 =	sgt.s32 s20, $0x1  }
0x13: {  	s21 =	smov.u32 @p2 s15  }
0x14: {  	s22 =	smov.u32 s13;
	s15 =	sadd.s32 $0x2, s13;
	p3 =	sgt.s32 s21, $0x7  }
0x15: {  	s22 =	smov.u32 @p3 s15  }
0x16: {  	p0 =	slt.u32 s14, $0x2;
	s19 =	smov.u32 @p1 s2;
	p1 =	sgt.s32 s22, $0x1  }
0x17: {  	s23 =	simm.s32 @!p0 $0x2;
	s22 =	smov.u32 @p1 s3;
	p1 =	sne.s32 s14, s8  }
.Ltmp1:
0x18: {  	s17 =	smov.u32 s10;
	_ =	swait.ge @!p0 [sflag:s23], $0x4000;
	(pc) =	sbr.rel @!p1 .LBB1_10-.Ltmp1, $4  }
0x19: {  	s18 =	smov.u32 s12;
	s16 =	smov.u32 s13;
	[sflag:s23] =	ssyncset.done @!p0 $0x0  }
0x1a: {  	s10 =	smov.u32 s19;
	s20 =	simm.s32 @p2 $0x0;
	[sflag:s23] =	ssyncadd.s32 @!p0 $0xFFFFC000  }
0x1b: {  	s21 =	simm.s32 @p3 $0x0;
	s15 =	smov.u32 s11;
	s11 =	smov.u32 s20  }
0x1c: {  	s12 =	smov.u32 s21;
	s14 =	sadd.s32 $0x1, s14;
	s13 =	smov.u32 s22  }
.LBB1_1:
0x1d: {  	p0 =	sge.u32 s14, s5  }
0x1e: {  	s19 =	sshrl.u32 @!p0 s11, $0x1  }
0x1f: {  	s20 =	sshll.u32 @!p0 s10, $0x1;
	s21 =	sshll.u32 @!p0 s11, $0x7;
	s19 =	smul.u32 @!p0 $0xA0000, s19  }
0x20: {  	s22 =	sand.u32 @!p0 $0x7F, s10;
	s20 =	sand.u32 @!p0 $0xFFFFFF00, s20;
	s21 =	sand.u32 @!p0 $0x80, s21  }
0x21: {  	s19 =	sadd.s32 @!p0 s19, s20;
	s20 =	sor.u32 @!p0 s22, s21  }
0x22: {  	s20 =	sor.u32 @!p0 s19, s20  }
0x23: {  	s21 =	smulhi.u32 @!p0 $0xCCCCCCCD, s20  }
0x24: {  	s19 =	smulhi.u32 @!p0 $0xCCCCCCCD, s19  }
0x25: {  	s31 =	sadd.s32 $0xFFFFFFFF, s14;
	s23 =	smul.u32 @!p0 $0xA0000, s13;
	s21 =	sshrl.u32 @!p0 s21, $0x12  }
0x26: {  	s22 =	sxor.u32 @!p0 $0xFFFFFFFF, s14;
	s19 =	sshrl.u32 @!p0 s19, $0x12;
	s21 =	smul.u32 @!p0 $0x50000, s21  }
0x27: {  	s23 =	sadd.s32 @!p0 s6, s23;
	s22 =	sshll.u32 @!p0 s22, $0xE;
	s19 =	sand.u32 @!p0 $0x1, s19  }
0x28: {  	p1 =	seq.s32 @!p0 s19, $0x1;
	s20 =	ssub.s32 @!p0 s20, s21;
	s21 =	smul.u32 @!p0 $0x14000, s12  }
0x29: {  	s22 =	sand.u32 @!p0 $0x4000, s22;
	s19 =	simm.s32 @!p0 $0xA000;
	p1 =	por !p1, p0  }
0x2a: {  	s19 =	simm.s32 @p1 $0x0;
	s21 =	sadd.s32 @!p0 s21, s23;
	s23 =	sand.u32 @!p0 $0x7, s20  }
0x2b: {  	s20 =	sshrl.u32 @!p0 s20, $0x3;
	s19 =	sadd.s32 @!p0 s19, s21;
	s21 =	sshll.u32 @!p0 s23, $0x12  }
0x2c: {  	s19 =	sadd.s32 @!p0 s20, s19;
	s20 =	sor.u32 @!p0 $0x800, s21;
	s21 =	simm.s32 @!p0 $0xA0000  }
0x2d: {  	[tilespmem:s22], [sflag:$0x1] =	stream.strided.gather @!p0 [hbm4b:s19+s20], $0x4000, s21, s20, $0x38;
	[tilespmem:$0x10000] =	vst v63  }
0x2e: {  	p0 =	sge.u32 s31, s5  }
.Ltmp2:
0x2f: {  	_ = 	snop;
	(pc) =	sbr.rel @p0 .LBB1_9-.Ltmp2, $1  }
0x30: {  	_ =	sdelay $0x3  }
0x31: {  	_ =	swait.ge [sflag:s4], $0x4000;
	s19 =	sshll.u32 s14, $0xE  }
0x32: {  	[sflag:s4] =	ssyncset.done $0x0;
	s20 =	sand.u32 $0x4000, s19  }
0x33: {  	s21 =	simm.s32 $0x0;
	[sflag:s4] =	ssyncadd.s32 $0xFFFFC000;
	s19 =	sor.u32 $0x8000, s20  }
.LBB1_3:
0x34: {  	s24 =	sshll.u32 s21, $0xB  }
0x35: {  	s25 =	sshll.u32 s21, $0x7;
	p1 =	por $0x1, $0x1;
	v1 =	vmov s24  }
0x36: {  	s22 =	sadd.s32 s24, s20;
	s23 =	sadd.s32 s25, s19;
	v0 =	vmov s25;
	s24 =	simm.s32 $0x0  }
.LBB1_4:
0x37: {  	s25 =	sshll.u32 s24, $0x7  }
0x38: {  	s28 =	sadd.s32 s25, s22  }
0x39: {  	v2 =	vmov s28  }
0x3a: {  	s27 =	sshll.u32 s24, $0xD;
	p0 =	por p1, p1;
	s26 =	simm.s32 $0x0  }
0x3b: {  	p1 =	por $0x1, $0x1;
	s24 =	sadd.s32 s27, s19;
	s25 =	sadd.s32 s25, s20;
	v3 =	vmov s27  }
.LBB1_5:
0x3c: {  	s26 =	sshll.u32 s26, $0x3  }
0x3d: {  	s27 =	sshra.s32 s26, $0x2  }
0x3e: {  	v4 =	vld.idx.msk [tilespmem:v2+s27+$0x0 ss:$0x1], $0xffff;
	s27 =	sadd.s32 s27, s25  }
0x3f: {  	v5 =	vld.idx.msk [tilespmem:v1+s27+$0x10 ss:$0x1], $0xffff  }
0x40: {  	v6 =	vld.idx.msk [tilespmem:v1+s27+$0x20 ss:$0x1], $0xffff  }
0x41: {  	s26 =	sand.u32 $0x3FFFFFF8, s26;
	v7 =	vld.idx.msk [tilespmem:v1+s27+$0x30 ss:$0x1], $0xffff  }
0x42: {  	s28 =	sadd.s32 s26, s24;
	v8 =	vld.idx.msk [tilespmem:v1+s27+$0x40 ss:$0x1], $0xffff  }
0x43: {  	s26 =	sadd.s32 s26, s23;
	[tilespmem:v0+s28+$0x0 ss:$0x1] =	vst.idx.msk $0xffff, v4;
	v4 =	vld.idx.msk [tilespmem:v1+s27+$0x50 ss:$0x1], $0xffff  }
0x44: {  	[tilespmem:v3+s26+$0x10 ss:$0x1] =	vst.idx.msk $0xffff, v5;
	v5 =	vld.idx.msk [tilespmem:v1+s27+$0x60 ss:$0x1], $0xffff  }
0x45: {  	v49 =	vld.idx.msk [tilespmem:v1+s27+$0x70 ss:$0x1], $0xffff;
	[tilespmem:v3+s26+$0x20 ss:$0x1] =	vst.idx.msk $0xffff, v6  }
0x46: {  	v50 =	vld.idx.msk [tilespmem:v1+s27+$0x100 ss:$0x1], $0xffff;
	[tilespmem:v3+s26+$0x30 ss:$0x1] =	vst.idx.msk $0xffff, v7  }
0x47: {  	v51 =	vld.idx.msk [tilespmem:v1+s27+$0x110 ss:$0x1], $0xffff;
	[tilespmem:v3+s26+$0x40 ss:$0x1] =	vst.idx.msk $0xffff, v8  }
0x48: {  	[tilespmem:v3+s26+$0x50 ss:$0x1] =	vst.idx.msk $0xffff, v4;
	v4 =	vld.idx.msk [tilespmem:v1+s27+$0x120 ss:$0x1], $0xffff  }
0x49: {  	[tilespmem:v3+s26+$0x60 ss:$0x1] =	vst.idx.msk $0xffff, v5;
	v5 =	vld.idx.msk [tilespmem:v1+s27+$0x130 ss:$0x1], $0xffff  }
0x4a: {  	v52 =	vld.idx.msk [tilespmem:v1+s27+$0x140 ss:$0x1], $0xffff;
	[tilespmem:v3+s26+$0x70 ss:$0x1] =	vst.idx.msk $0xffff, v49  }
0x4b: {  	v53 =	vld.idx.msk [tilespmem:v1+s27+$0x150 ss:$0x1], $0xffff;
	[tilespmem:v0+s28+$0x400 ss:$0x1] =	vst.idx.msk $0xffff, v50  }
0x4c: {  	v54 =	vld.idx.msk [tilespmem:v1+s27+$0x160 ss:$0x1], $0xffff;
	[tilespmem:v3+s26+$0x410 ss:$0x1] =	vst.idx.msk $0xffff, v51  }
0x4d: {  	[tilespmem:v3+s26+$0x420 ss:$0x1] =	vst.idx.msk $0xffff, v4;
	v4 =	vld.idx.msk [tilespmem:v1+s27+$0x170 ss:$0x1], $0xffff  }
0x4e: {  	[tilespmem:v3+s26+$0x430 ss:$0x1] =	vst.idx.msk $0xffff, v5;
	v5 =	vld.idx.msk [tilespmem:v1+s27+$0x200 ss:$0x1], $0xffff  }
0x4f: {  	v55 =	vld.idx.msk [tilespmem:v1+s27+$0x210 ss:$0x1], $0xffff;
	[tilespmem:v3+s26+$0x440 ss:$0x1] =	vst.idx.msk $0xffff, v52  }
0x50: {  	v56 =	vld.idx.msk [tilespmem:v1+s27+$0x220 ss:$0x1], $0xffff;
	[tilespmem:v3+s26+$0x450 ss:$0x1] =	vst.idx.msk $0xffff, v53  }
0x51: {  	v57 =	vld.idx.msk [tilespmem:v1+s27+$0x230 ss:$0x1], $0xffff;
	[tilespmem:v3+s26+$0x460 ss:$0x1] =	vst.idx.msk $0xffff, v54  }
0x52: {  	[tilespmem:v3+s26+$0x470 ss:$0x1] =	vst.idx.msk $0xffff, v4;
	v4 =	vld.idx.msk [tilespmem:v1+s27+$0x240 ss:$0x1], $0xffff  }
0x53: {  	[tilespmem:v0+s28+$0x800 ss:$0x1] =	vst.idx.msk $0xffff, v5;
	v5 =	vld.idx.msk [tilespmem:v1+s27+$0x250 ss:$0x1], $0xffff  }
0x54: {  	v58 =	vld.idx.msk [tilespmem:v1+s27+$0x260 ss:$0x1], $0xffff;
	[tilespmem:v3+s26+$0x810 ss:$0x1] =	vst.idx.msk $0xffff, v55  }
0x55: {  	v59 =	vld.idx.msk [tilespmem:v1+s27+$0x270 ss:$0x1], $0xffff;
	[tilespmem:v3+s26+$0x820 ss:$0x1] =	vst.idx.msk $0xffff, v56  }
0x56: {  	v60 =	vld.idx.msk [tilespmem:v1+s27+$0x300 ss:$0x1], $0xffff;
	[tilespmem:v3+s26+$0x830 ss:$0x1] =	vst.idx.msk $0xffff, v57  }
0x57: {  	[tilespmem:v3+s26+$0x840 ss:$0x1] =	vst.idx.msk $0xffff, v4;
	v4 =	vld.idx.msk [tilespmem:v1+s27+$0x310 ss:$0x1], $0xffff  }
0x58: {  	[tilespmem:v3+s26+$0x850 ss:$0x1] =	vst.idx.msk $0xffff, v5;
	v5 =	vld.idx.msk [tilespmem:v1+s27+$0x320 ss:$0x1], $0xffff  }
0x59: {  	v61 =	vld.idx.msk [tilespmem:v1+s27+$0x330 ss:$0x1], $0xffff;
	[tilespmem:v3+s26+$0x860 ss:$0x1] =	vst.idx.msk $0xffff, v58  }
0x5a: {  	v62 =	vld.idx.msk [tilespmem:v1+s27+$0x340 ss:$0x1], $0xffff;
	[tilespmem:v3+s26+$0x870 ss:$0x1] =	vst.idx.msk $0xffff, v59  }
0x5b: {  	v63 =	vld.idx.msk [tilespmem:v1+s27+$0x350 ss:$0x1], $0xffff;
	[tilespmem:v0+s28+$0xC00 ss:$0x1] =	vst.idx.msk $0xffff, v60  }
0x5c: {  	[tilespmem:v3+s26+$0xC10 ss:$0x1] =	vst.idx.msk $0xffff, v4;
	v4 =	vld.idx.msk [tilespmem:v1+s27+$0x360 ss:$0x1], $0xffff  }
0x5d: {  	p2 =	por p1, p1;
	[tilespmem:v3+s26+$0xC20 ss:$0x1] =	vst.idx.msk $0xffff, v5;
	v5 =	vld.idx.msk [tilespmem:v1+s27+$0x370 ss:$0x1], $0xffff  }
.Ltmp3:
0x5e: {  	[tilespmem:v3+s26+$0xC30 ss:$0x1] =	vst.idx.msk $0xffff, v61;
	(pc) =	sbr.rel @p2 .LBB1_5-.Ltmp3, $4  }
0x5f: {  	[tilespmem:v3+s26+$0xC40 ss:$0x1] =	vst.idx.msk $0xffff, v62  }
0x60: {  	[tilespmem:v3+s26+$0xC50 ss:$0x1] =	vst.idx.msk $0xffff, v63  }
0x61: {  	[tilespmem:v3+s26+$0xC60 ss:$0x1] =	vst.idx.msk $0xffff, v4  }
0x62: {  	p1 =	por $0x0, $0x0;
	[tilespmem:v3+s26+$0xC70 ss:$0x1] =	vst.idx.msk $0xffff, v5;
	s26 =	simm.s32 $0x200  }
.Ltmp4:
0x63: {  	(pc) =	sbr.rel @p0 .LBB1_4-.Ltmp4, $2  }
0x64: {  	_ =	sdelay $0x2  }
0x65: {  	s24 =	simm.s32 $0x1;
	p1 =	por $0x0, $0x0  }
0x66: {  	s21 =	sadd.s32 $0x1, s21  }
0x67: {  	p0 =	sne.s32 s21, $0x8  }
.Ltmp5:
0x68: {  	_ = 	snop;
	(pc) =	sbr.rel @p0 .LBB1_3-.Ltmp5, $1  }
0x69: {  	_ =	sdelay $0x3  }
0x6a: {  	s20 =	sshrl.u32 s18, $0x3  }
0x6b: {  	s21 =	sshll.u32 s17, $0x3;
	s27 =	sshll.u32 s18, $0x7;
	s20 =	smul.u32 $0x280000, s20  }
0x6c: {  	s28 =	sand.u32 $0x7F, s17;
	s21 =	sand.u32 $0xFFFFFC00, s21;
	s18 =	sand.u32 $0x380, s27  }
0x6d: {  	s17 =	sor.u32 s18, s28;
	s20 =	sadd.s32 s20, s21  }
0x6e: {  	s17 =	sor.u32 s20, s17;
	s20 =	smulhi.u32 $0xCCCCCCCD, s20  }
0x6f: {  	s29 =	smulhi.u32 $0xCCCCCCCD, s17  }
0x70: {  	s16 =	smul.u32 $0xA0000, s16  }
0x71: {  	s15 =	smul.u32 $0x50000, s15;
	s20 =	sshrl.u32 s20, $0x12;
	s18 =	sshrl.u32 s29, $0x12  }
0x72: {  	s20 =	sand.u32 $0x7, s20;
	s18 =	smul.u32 $0x50000, s18  }
0x73: {  	s30 =	smul.u32 $0xA000, s20  }
.Ltmp6:
0x74: {  	s16 =	sadd.s32 s7, s16;
	s17 =	ssub.s32 s17, s18;
	(pc) =	sbr.rel .LBB1_9-.Ltmp6, $4  }
0x75: {  	s15 =	sadd.s32 s15, s16;
	s31 =	sand.u32 $0x7, s17  }
0x76: {  	s15 =	sadd.s32 s30, s15;
	s17 =	sshrl.u32 s17, $0x3;
	s16 =	sshll.u32 s31, $0x12  }
0x77: {  	s15 =	sadd.s32 s17, s15;
	s16 =	sor.u32 $0x2000, s16  }
0x78: {  	[hbm4b:s15+s16] =	stream.strided.scatter [tilespmem:s19], [sflag:$0x2], $0x4000, s9, s16, $0x38;
	[tilespmem:$0x10000] =	vst v63  }
.LBB1_10:
0x79: {  	_ =	sfence.sel $0x180000  }
0x7a: {  	s2 =	simm.s32 $0x1;
	[bflag:$0x0] =	sbarrier.arrive $0xFFFF  }
0x7b: {  	s31 =	simm.s32 $0x2;
	[sflag:s2] =	ssyncpa.u1 $0x1  }
0x7c: {  	[sflag:s31] =	ssyncpa.u1 $0x1  }
0x7d: {  	p0 =	sne.s32 s0, $0x0;
	_ =	strace $0x90000047  }
0x7e: {  	s0 =	sadd.s32 @!p0 $0x100000, s1;
	[bflag:$0x2] =	sbarrier.arrive $0xFFFF  }
0x7f: {  	[sflag:s0] =	ssyncadd.tile.s32 @!p0 $0x1;
	_ =	shalt  }
.Lfunc_end1:
_tile_overlayer_lowered:
.L_overlay_start_2:
0x80: {  	(tag) =	ssettag $0x2  }
0x81: {  	s0 =	rddreg [dreg:$0x0];
	s2 =	stileid.u32  }
0x82: {  	s1 =	rddreg [dreg:$0x1];
	p0 =	sne.s32 s2, $0x0  }
0x83: {  	s3 =	rddreg [dreg:$0x2];
	[bflag:$0x3] =	sbarrier.arrive $0xFFFF;
	s2 =	simm.s32 @!p0 $0x1C01  }
0x84: {  	[timem:s3], [sflag:s2] =	dma.local @!p0 [hbm:s0], s1  }
0x85: {  	s0 =	simm.s32 @!p0 $0x1  }
0x86: {  	_ =	swait.ge @!p0 [sflag:s0], s1  }
0x87: {  	s1 =	ssub.s32 @!p0 $0x0, s1;
	[sflag:s0] =	ssyncset.done @!p0 $0x0  }
0x88: {  	[sflag:s0] =	ssyncadd.s32 @!p0 s1  }
0x89: {  	[bflag:$0x3] =	sbarrier.arrive $0xFFFF  }
0x8a: {  	_ =	shalt  }

</sc_bundles>
